<compile_context>
chip_gen: v7x
topology: tpu7x:2x2x1
jax: 0.10.2.dev20260603
libtpu: 0.0.44.dev20260713+nightly
codegen_flags: <defaults>
</compile_context>

<pallas_src>
import functools

import jax
import jax.numpy as jnp
from jax import lax
from jax.experimental import pallas as pl
from jax.experimental.pallas import tpu as pltpu
from jax.experimental.pallas import tpu_sc as plsc

N = 10000
E = 320000
D_IN = 32
D = 128
D_EDGE = 16
G = 64

NC = 2
NS = 16
NW = NC * NS
L = 16

EPW = E // NW
CH = 40
NCHUNK = EPW // CH
ZR = 200
NZCH = N // ZR
ZT = (NZCH + NS - 1) // NS

_f32 = jnp.float32
_PHI = lax.Precision.HIGHEST


@functools.lru_cache(maxsize=None)
def _sc_mesh():
    return plsc.VectorSubcoreMesh(
        core_axis_name="c", subcore_axis_name="s",
        num_cores=NC, num_subcores=NS)


NBA = 2000


TW = 2 * D


def _nodeproj_body(x_ref, cpad_ref, wemb_ref, bemb_ref, wa_ref, wb_ref,
                   h_ref, ta_ref, tb_ref):
    h = jnp.dot(x_ref[...], wemb_ref[...],
                preferred_element_type=_f32) + bemb_ref[...]
    h_ref[...] = h
    cp = cpad_ref[...]
    ha = jnp.dot(h, wa_ref[...], preferred_element_type=_f32)
    hb = jnp.dot(h, wb_ref[...], preferred_element_type=_f32)
    ta_ref[...] = jnp.concatenate([ha, cp], axis=1)
    tb_ref[...] = jnp.concatenate([hb, cp], axis=1)


def _nodeproj(x, cpad, wemb, bemb, wa, wb):
    full = lambda s: pl.BlockSpec(s, lambda i: (0, 0))
    return pl.pallas_call(
        _nodeproj_body,
        grid=(N // NBA,),
        in_specs=[
            pl.BlockSpec((NBA, D_IN), lambda i: (i, 0)),
            pl.BlockSpec((NBA, D), lambda i: (i, 0)),
            full((D_IN, D)), full((1, D)), full((D, D)), full((D, D)),
        ],
        out_specs=[
            pl.BlockSpec((NBA, D), lambda i: (i, 0)),
            pl.BlockSpec((NBA, TW), lambda i: (i, 0)),
            pl.BlockSpec((NBA, TW), lambda i: (i, 0)),
        ],
        out_shape=[
            jax.ShapeDtypeStruct((N, D), _f32),
            jax.ShapeDtypeStruct((N, TW), _f32),
            jax.ShapeDtypeStruct((N, TW), _f32),
        ],
    )(x, cpad, wemb, bemb, wa, wb)


CW = 16
_u8 = jnp.uint8


def _gather_body(nchunk, rowr_hbm, colr_hbm, taba_hbm, tabb_hbm,
                 u_hbm, rel_hbm,
                 idxr, idxc, bufa0, bufb0, bufa1, bufb1, ubuf, rbuf,
                 sema0, semb0, sema1, semb1, semw):
    c = lax.axis_index("c")
    s = lax.axis_index("s")
    w = s * NC + c
    e_base = w * (nchunk * CH)

    pltpu.sync_copy(rowr_hbm.at[w], idxr)
    pltpu.sync_copy(colr_hbm.at[w], idxc)

    bufa = (bufa0, bufa1)
    bufb = (bufb0, bufb1)
    sema = (sema0, sema1)
    semb = (semb0, semb1)

    def fire(j, st):
        pltpu.async_copy(taba_hbm.at[idxr.at[j]], bufa[st], sema[st])
        pltpu.async_copy(tabb_hbm.at[idxc.at[j]], bufb[st], semb[st])

    def wait_g(st):
        pltpu.make_async_copy(taba_hbm.at[idxr.at[0]], bufa[st],
                              sema[st]).wait()
        pltpu.make_async_copy(tabb_hbm.at[idxc.at[0]], bufb[st],
                              semb[st]).wait()

    def compute(st):
        a = bufa[st]
        b = bufb[st]

        def crow(r, carry):
            for k in range(D // L):
                ubuf[r, pl.ds(k * L, L)] = (a[r, pl.ds(k * L, L)]
                                            + b[r, pl.ds(k * L, L)])
            rbuf[r, pl.ds(0, L)] = (a[r, pl.ds(D, L)]
                                    - b[r, pl.ds(D, L)])
            return carry

        lax.fori_loop(0, CH, crow, 0)

    def fire_w(j):
        e0 = e_base + j * CH
        pltpu.async_copy(ubuf, u_hbm.at[pl.ds(e0, CH)], semw)
        pltpu.async_copy(rbuf, rel_hbm.at[pl.ds(e0, CH)], semw)

    def wait_w(j):
        e0 = e_base + j * CH
        pltpu.make_async_copy(ubuf, u_hbm.at[pl.ds(e0, CH)], semw).wait()
        pltpu.make_async_copy(rbuf, rel_hbm.at[pl.ds(e0, CH)], semw).wait()

    def zb(r, carry):
        for k in range(1, D // L):
            rbuf[r, pl.ds(k * L, L)] = jnp.zeros((L,), _f32)
        return carry

    lax.fori_loop(0, CH, zb, 0)

    fire(0, 0)
    wait_g(0)
    fire(1, 1)
    compute(0)
    fire_w(0)

    last = nchunk - 1

    def body(i, carry):
        j = 2 * i + 1
        wait_g(1)
        fire(jnp.minimum(j + 1, last), 0)
        wait_w(j - 1)
        compute(1)
        fire_w(j)
        j2 = j + 1
        wait_g(0)
        fire(jnp.minimum(j2 + 1, last), 1)
        wait_w(j2 - 1)
        compute(0)
        fire_w(j2)
        return carry

    if nchunk % 2 == 0:
        lax.fori_loop(0, (nchunk - 2) // 2, body, 0)
        wait_g(1)
        wait_w(last - 1)
        compute(1)
        fire_w(last)
        wait_w(last)
    else:
        lax.fori_loop(0, (nchunk - 1) // 2, body, 0)
        wait_g(1)
        wait_w(last)


@functools.lru_cache(maxsize=None)
def _gather_kernel(ne):
    nchunk = ne // NW // CH
    return pl.kernel(
        functools.partial(_gather_body, nchunk),
        out_type=[
            jax.ShapeDtypeStruct((ne, D), _f32),
            jax.ShapeDtypeStruct((ne, D), _f32),
        ],
        mesh=_sc_mesh(),
        scratch_types=[
            pltpu.VMEM((nchunk, CH), jnp.int32),
            pltpu.VMEM((nchunk, CH), jnp.int32),
            pltpu.VMEM((CH, TW), _f32),
            pltpu.VMEM((CH, TW), _f32),
            pltpu.VMEM((CH, TW), _f32),
            pltpu.VMEM((CH, TW), _f32),
            pltpu.VMEM((CH, D), _f32),
            pltpu.VMEM((CH, D), _f32),
            pltpu.SemaphoreType.DMA,
            pltpu.SemaphoreType.DMA,
            pltpu.SemaphoreType.DMA,
            pltpu.SemaphoreType.DMA,
            pltpu.SemaphoreType.DMA,
        ],
    )


def _gather(rowr, colr, taba, tabb):
    ne = rowr.shape[0] * rowr.shape[1] * rowr.shape[2]
    return _gather_kernel(ne)(rowr, colr, taba, tabb)


EB = 1280


def _edge_body(u_ref, rel_ref, ea_ref, wd_ref, we_ref,
               b1_ref, we2_ref, b2_ref, m_ref):
    rel = rel_ref[...]
    d2 = jnp.sum(rel * rel, axis=1, keepdims=True)
    d2 = d2.astype(jnp.bfloat16).astype(_f32)
    wdb = wd_ref[...].astype(jnp.bfloat16).astype(_f32)
    pre = (u_ref[...] + d2 * wdb
           + jnp.dot(ea_ref[...], we_ref[...], preferred_element_type=_f32)
           + b1_ref[...])
    m1 = pre * jax.nn.sigmoid(pre)
    z = jnp.dot(m1, we2_ref[...], preferred_element_type=_f32) + b2_ref[...]
    m_ref[...] = z * jax.nn.sigmoid(z)


def _edge_mlp(u, rel, ea, wd, we, b1, we2, b2):
    full = lambda s: pl.BlockSpec(s, lambda i: (0, 0))
    ne = u.shape[0]
    return pl.pallas_call(
        _edge_body,
        grid=(ne // EB,),
        in_specs=[
            pl.BlockSpec((EB, D), lambda i: (i, 0)),
            pl.BlockSpec((EB, D), lambda i: (i, 0)),
            pl.BlockSpec((EB, D_EDGE), lambda i: (i, 0)),
            full((1, D)), full((D_EDGE, D)), full((1, D)),
            full((D, D)), full((1, D)),
        ],
        out_specs=pl.BlockSpec((EB, D), lambda i: (i, 0)),
        out_shape=jax.ShapeDtypeStruct((ne, D), _f32),
    )(u, rel, ea, wd, we, b1, we2, b2)


NCHD = 125
ZRD = 80
NZD = N // ZRD
ZTD = (NZD + NS - 1) // NS


def _scatter_body(chd, rowd_hbm, m_hbm, outp_hbm, idxq, mbuf0, mbuf1,
                  aggs, sem0, sem1):
    c = lax.axis_index("c")
    s = lax.axis_index("s")
    w = s * NC + c
    epw = chd * NCHD
    mbuf = (mbuf0, mbuf1)
    sem = (sem0, sem1)

    pltpu.sync_copy(rowd_hbm.at[w], idxq)

    def zb(i, carry):
        for k in range(D // L):
            mbuf0[i, pl.ds(k * L, L)] = jnp.zeros((L,), _f32)
        return carry

    nzd = N // chd
    ztd = (nzd + NS - 1) // NS
    lax.fori_loop(0, chd, zb, 0)
    for t in range(ztd):
        q = s + NS * t

        @pl.when(q < nzd)
        def _():
            pltpu.sync_copy(mbuf0, aggs.at[pl.ds(q * chd, chd)])
    plsc.subcore_barrier()

    def fire(j, st):
        pltpu.async_copy(m_hbm.at[pl.ds(w * epw + j * chd, chd)],
                         mbuf[st], sem[st])

    def wait_l(st):
        pltpu.make_async_copy(m_hbm.at[pl.ds(w * epw, chd)],
                              mbuf[st], sem[st]).wait()

    last = NCHD - 1

    fire(0, 0)
    wait_l(0)
    fire(1, 1)
    pltpu.sync_copy(mbuf[0], aggs.at[idxq.at[0]], add=True)

    def body(i, carry):
        j = 2 * i + 1
        wait_l(1)
        fire(j + 1, 0)
        pltpu.sync_copy(mbuf[1], aggs.at[idxq.at[j]], add=True)
        j2 = j + 1
        wait_l(0)
        fire(jnp.minimum(j2 + 1, last), 1)
        pltpu.sync_copy(mbuf[0], aggs.at[idxq.at[j2]], add=True)
        return carry

    lax.fori_loop(0, (NCHD - 1) // 2, body, 0)
    wait_l(1)
    plsc.subcore_barrier()

    for t in range(ztd):
        q = s + NS * t

        @pl.when(q < nzd)
        def _():
            pltpu.sync_copy(aggs.at[pl.ds(q * chd, chd)], mbuf0)
            pltpu.sync_copy(mbuf0, outp_hbm.at[c, pl.ds(q * chd, chd)])


@functools.lru_cache(maxsize=None)
def _scatter_kernel(chd):
    return pl.kernel(
        functools.partial(_scatter_body, chd),
        out_type=jax.ShapeDtypeStruct((NC, N, D), _f32),
        mesh=_sc_mesh(),
        scratch_types=[
            pltpu.VMEM((NCHD, chd), jnp.int32),
            pltpu.VMEM((chd, D), _f32),
            pltpu.VMEM((chd, D), _f32),
            pltpu.VMEM_SHARED((N, D), _f32),
            pltpu.SemaphoreType.DMA,
            pltpu.SemaphoreType.DMA,
        ],
    )


def _scatter(rowd, m):
    return _scatter_kernel(rowd.shape[2])(rowd, m)


NBE = 2000


def _node_body(h_ref, a0_ref, a1_ref, b_ref,
               wn1a_ref, wn1b_ref, bn1_ref,
               wn2_ref, bn2_ref, wh1_ref, bh1_ref, wh2_ref, bh2_ref,
               out_ref, acc_ref, cnt_ref):
    i = pl.program_id(0)
    agg = a0_ref[...] + a1_ref[...]
    t = (jnp.dot(h_ref[...], wn1a_ref[...], preferred_element_type=_f32)
         + jnp.dot(agg, wn1b_ref[...], preferred_element_type=_f32)
         + bn1_ref[...])
    t = t * jax.nn.sigmoid(t)
    hn = h_ref[...] + jnp.dot(t, wn2_ref[...],
                              preferred_element_type=_f32) + bn2_ref[...]
    oh = (b_ref[...] == lax.broadcasted_iota(jnp.int32, (1, G), 1))
    oh = oh.astype(_f32)
    p = lax.dot_general(oh, hn, (((0,), (0,)), ((), ())),
                        precision=_PHI)
    ones = jnp.ones((NBE, 1), _f32)
    pc = lax.dot_general(oh, ones, (((0,), (0,)), ((), ())),
                         precision=_PHI)

    @pl.when(i == 0)
    def _():
        acc_ref[...] = p
        cnt_ref[...] = pc

    @pl.when(i > 0)
    def _():
        acc_ref[...] += p
        cnt_ref[...] += pc

    @pl.when(i == pl.num_programs(0) - 1)
    def _():
        gh = acc_ref[...] / jnp.maximum(cnt_ref[...], 1.0)
        t2 = jnp.dot(gh, wh1_ref[...],
                     preferred_element_type=_f32) + bh1_ref[...]
        t2 = t2 * jax.nn.sigmoid(t2)
        out_ref[...] = jnp.dot(t2, wh2_ref[...],
                               preferred_element_type=_f32) + bh2_ref[...]


def _node_pool_head(h, a0, a1, batch2d, wn1a, wn1b, bn1, wn2, bn2,
                    wh1, bh1, wh2, bh2):
    full = lambda s: pl.BlockSpec(s, lambda i: (0, 0))
    return pl.pallas_call(
        _node_body,
        grid=(N // NBE,),
        in_specs=[
            pl.BlockSpec((NBE, D), lambda i: (i, 0)),
            pl.BlockSpec((NBE, D), lambda i: (i, 0)),
            pl.BlockSpec((NBE, D), lambda i: (i, 0)),
            pl.BlockSpec((NBE, 1), lambda i: (i, 0)),
            full((D, D)), full((D, D)), full((1, D)),
            full((D, D)), full((1, D)),
            full((D, D)), full((1, D)), full((D, 1)), full((1, 1)),
        ],
        out_specs=pl.BlockSpec((G, 1), lambda i: (0, 0)),
        out_shape=jax.ShapeDtypeStruct((G, 1), _f32),
        scratch_shapes=[pltpu.VMEM((G, D), _f32), pltpu.VMEM((G, 1), _f32)],
    )(h, a0, a1, batch2d, wn1a, wn1b, bn1, wn2, bn2,
      wh1, bh1, wh2, bh2)


def kernel(atom_feats, coord, edge_index, edge_attr, batch,
           W_emb, b_emb, W_e1, b_e1, W_e2, b_e2, W_c1, b_c1, W_c2,
           W_n1, b_n1, W_n2, b_n2, W_h1, b_h1, W_h2, b_h2):
    del W_c1, b_c1, W_c2
    nch = E // NW // CH
    chd = E // NW // NCHD
    cpad = jnp.pad(coord, ((0, 0), (0, D - 3)))

    wa = W_e1[:D]
    wb = W_e1[D:2 * D]
    wd = W_e1[2 * D:2 * D + 1]
    we = W_e1[2 * D + 1:]

    h, ta, tb = _nodeproj(atom_feats, cpad, W_emb, b_emb.reshape(1, D),
                          wa, wb)
    b1r = b_e1.reshape(1, D)
    b2r = b_e2.reshape(1, D)
    u, rel = _gather(edge_index[0].reshape(NW, nch, CH),
                     edge_index[1].reshape(NW, nch, CH), ta, tb)
    m = _edge_mlp(u, rel, edge_attr, wd, we, b1r, W_e2, b2r)
    p = _scatter(edge_index[0].reshape(NW, NCHD, chd), m)
    out = _node_pool_head(
        h, p[0], p[1], batch.reshape(N, 1),
        W_n1[:D], W_n1[D:], b_n1.reshape(1, D), W_n2, b_n2.reshape(1, D),
        W_h1, b_h1.reshape(1, D), W_h2, b_h2.reshape(1, 1))
    return out

# --- scband reference (transcript-rebuilt; emitter-appended) ---
"""Pipeline reference for scband-egnnwith-heads-52965536694538 (READ-ONLY COPY).

The authoritative reference and input builder live on the scoring server;
editing this copy changes nothing except your own understanding.
"""

import jax, jax.numpy as jnp
import numpy as np

N = 10000
E = 320000
D_IN = 32
D = 128
D_EDGE = 16
G = 64


def _w(key, shape):
    fan_in = shape[0]
    return jax.random.normal(key, shape, dtype=jnp.float32) * (1.0 / np.sqrt(fan_in))


def setup_inputs(seed: int = 0) -> dict:
    key = jax.random.key(seed)
    ks = jax.random.split(key, 24)
    inp = {}
    inp["atom_feats"] = jax.random.normal(ks[0], (N, D_IN), dtype=jnp.float32)
    inp["coord"] = jax.random.normal(ks[1], (N, 3), dtype=jnp.float32)
    inp["edge_index"] = jax.random.randint(ks[2], (2, E), 0, N, dtype=jnp.int32)
    inp["edge_attr"] = jax.random.normal(ks[3], (E, D_EDGE), dtype=jnp.float32)
    inp["batch"] = jnp.sort(jax.random.randint(ks[4], (N,), 0, G, dtype=jnp.int32))
    # embedding (Linear D_IN -> D)
    inp["W_emb"] = _w(ks[5], (D_IN, D)); inp["b_emb"] = jnp.zeros((D,), jnp.float32)
    # edge mlp: in = h_i | h_j | dist2 | edge_attr = 128+128+1+16 = 273
    inp["W_e1"] = _w(ks[6], (2 * D + 1 + D_EDGE, D)); inp["b_e1"] = jnp.zeros((D,), jnp.float32)
    inp["W_e2"] = _w(ks[7], (D, D)); inp["b_e2"] = jnp.zeros((D,), jnp.float32)
    # coord mlp
    inp["W_c1"] = _w(ks[8], (D, D)); inp["b_c1"] = jnp.zeros((D,), jnp.float32)
    inp["W_c2"] = _w(ks[9], (D, 1))
    # node mlp: in = h | agg = 256
    inp["W_n1"] = _w(ks[10], (2 * D, D)); inp["b_n1"] = jnp.zeros((D,), jnp.float32)
    inp["W_n2"] = _w(ks[11], (D, D)); inp["b_n2"] = jnp.zeros((D,), jnp.float32)
    # graph regression head
    inp["W_h1"] = _w(ks[12], (D, D)); inp["b_h1"] = jnp.zeros((D,), jnp.float32)
    inp["W_h2"] = _w(ks[13], (D, 1)); inp["b_h2"] = jnp.zeros((1,), jnp.float32)
    return inp


def reference(atom_feats, coord, edge_index, edge_attr, batch,
              W_emb, b_emb, W_e1, b_e1, W_e2, b_e2, W_c1, b_c1, W_c2,
              W_n1, b_n1, W_n2, b_n2, W_h1, b_h1, W_h2, b_h2):
    # embedding
    h = atom_feats @ W_emb + b_emb
    row = edge_index[0]
    col = edge_index[1]
    # EGNN layer (Satorras et al.)
    rel = coord[row] - coord[col]
    d2 = jnp.sum(rel * rel, axis=-1, keepdims=True)
    m_in = jnp.concatenate([h[row], h[col], d2, edge_attr], axis=-1)
    m = jax.nn.silu(m_in @ W_e1 + b_e1)
    m = jax.nn.silu(m @ W_e2 + b_e2)
    # equivariant coordinate update (mean aggregation)
    phi_x = jax.nn.silu(m @ W_c1 + b_c1) @ W_c2  # [E, 1]
    trans = rel * phi_x
    deg = jnp.clip(jax.ops.segment_sum(jnp.ones((E,), jnp.float32), row, num_segments=N), 1.0, None)[:, None]
    coord = coord + jax.ops.segment_sum(trans, row, num_segments=N) / deg
    # node update (sum aggregation of messages)
    agg = jax.ops.segment_sum(m, row, num_segments=N)
    h = h + (jax.nn.silu(jnp.concatenate([h, agg], axis=-1) @ W_n1 + b_n1) @ W_n2 + b_n2)
    # graph-level head: mean pool over batch, then MLP
    cnt = jnp.clip(jax.ops.segment_sum(jnp.ones((N,), jnp.float32), batch, num_segments=G), 1.0, None)[:, None]
    gh = jax.ops.segment_sum(h, batch, num_segments=G) / cnt
    out = jax.nn.silu(gh @ W_h1 + b_h1) @ W_h2 + b_h2  # [G, 1]
    return out

if __name__ == "__main__":
    import jax
    _d = setup_inputs()
    print(jax.jit(kernel)(*tuple(_d.values())))

</pallas_src>

<mosaic_0001>
#map = affine_map<(d0, d1) -> (0, 0, 0)>
#map1 = affine_map<(d0, d1) -> (0, 0)>
module attributes {stable_mosaic.version = 14 : i64} {
  func.func @_scatter_body(%arg0: i32, %arg1: i32, %arg2: memref<32x125x80xi32, #tpu.memory_space<hbm>>, %arg3: memref<320000x128xf32, #tpu.memory_space<hbm>>, %arg4: memref<2x10000x128xf32, #tpu.memory_space<hbm>>, %arg5: memref<125x80xi32, #tpu.memory_space<vmem>>, %arg6: memref<80x128xf32, #tpu.memory_space<vmem>>, %arg7: memref<80x128xf32, #tpu.memory_space<vmem>>, %arg8: memref<10000x128xf32, #tpu.memory_space<vmem_shared>>, %arg9: memref<!tpu.dma_semaphore, #tpu.memory_space<semaphore_mem>>, %arg10: memref<!tpu.dma_semaphore, #tpu.memory_space<semaphore_mem>>) attributes {dimension_semantics = [#tpu.dimension_semantics<core_parallel>, #tpu.dimension_semantics<subcore_parallel>], iteration_bounds = array<i64: 2, 16>, scalar_prefetch = 0 : i64, scratch_operands = 6 : i64, tpu.core_type = #tpu.core_type<sc_vector_subcore>, window_params = [{transform_indices = #map}, {transform_indices = #map1}, {transform_indices = #map}]} {
    %mul3A = arith.constant 2 : i32
    %mul3A_0 = arith.muli %arg1, %mul3A : i32
    %add3A = arith.addi %mul3A_0, %arg0 : i32
    "tpu.region"() ({
      %run_scoped3A_148 = tpu.sem_alloc : memref<!tpu.dma_semaphore, #tpu.memory_space<semaphore_mem>>
      %dma_start3A_149 = arith.constant 0 : i32
      %dma_start3A_150 = arith.constant 0 : i32
      %dma_start3A_151 = tpu.memref_slice %arg2[%add3A, %dma_start3A_149, %dma_start3A_150] : memref<32x125x80xi32, #tpu.memory_space<hbm>> -> memref<1x125x80xi32, #tpu.memory_space<hbm>>
      %dma_start3A_152 = tpu.memref_squeeze %dma_start3A_151 : memref<1x125x80xi32, #tpu.memory_space<hbm>> -> memref<125x80xi32, #tpu.memory_space<hbm>>
      %dma_start3A_153 = arith.constant 0 : i32
      %dma_start3A_154 = arith.constant 0 : i32
      %dma_start3A_155 = tpu.memref_slice %arg2[%add3A, %dma_start3A_153, %dma_start3A_154] : memref<32x125x80xi32, #tpu.memory_space<hbm>> -> memref<1x125x80xi32, #tpu.memory_space<hbm>>
      %dma_start3A_156 = tpu.memref_squeeze %dma_start3A_155 : memref<1x125x80xi32, #tpu.memory_space<hbm>> -> memref<125x80xi32, #tpu.memory_space<hbm>>
      tpu.enqueue_dma source(%dma_start3A_156 : memref<125x80xi32, #tpu.memory_space<hbm>>) target(%arg5 : memref<125x80xi32, #tpu.memory_space<vmem>>) target_semaphore(%run_scoped3A_148 : memref<!tpu.dma_semaphore, #tpu.memory_space<semaphore_mem>>)
      %dma_wait3A_157 = arith.constant 0 : i32
      %dma_wait3A_158 = arith.constant 0 : i32
      %dma_wait3A_159 = tpu.memref_slice %arg2[%add3A, %dma_wait3A_157, %dma_wait3A_158] : memref<32x125x80xi32, #tpu.memory_space<hbm>> -> memref<1x125x80xi32, #tpu.memory_space<hbm>>
      %dma_wait3A_160 = tpu.memref_squeeze %dma_wait3A_159 : memref<1x125x80xi32, #tpu.memory_space<hbm>> -> memref<125x80xi32, #tpu.memory_space<hbm>>
      %dma_wait3A_161 = arith.constant 0 : i32
      %dma_wait3A_162 = arith.constant 0 : i32
      %dma_wait3A_163 = tpu.memref_slice %arg2[%add3A, %dma_wait3A_161, %dma_wait3A_162] : memref<32x125x80xi32, #tpu.memory_space<hbm>> -> memref<1x125x80xi32, #tpu.memory_space<hbm>>
      %dma_wait3A_164 = tpu.memref_squeeze %dma_wait3A_163 : memref<1x125x80xi32, #tpu.memory_space<hbm>> -> memref<125x80xi32, #tpu.memory_space<hbm>>
      tpu.wait_dma2 semaphore(%run_scoped3A_148 : memref<!tpu.dma_semaphore, #tpu.memory_space<semaphore_mem>>) src(%dma_wait3A_164 : memref<125x80xi32, #tpu.memory_space<hbm>>) dst(%arg5 : memref<125x80xi32, #tpu.memory_space<vmem>>)
      tpu.yield
    }) : () -> ()
    %scan3A = arith.constant 0 : i32
    %scan3A_1 = arith.constant 0 : i32
    %scan3A_2 = arith.constant 80 : i32
    %scan3A_3 = arith.addi %scan3A_1, %scan3A_2 : i32
    %scan3A_4 = arith.constant 1 : i32
    scf.for %scan3A_148 = %scan3A_1 to %scan3A_3 step %scan3A_4  : i32 {
      %broadcast_in_dim3A = arith.constant 0.000000e+00 : f32
      %broadcast_in_dim3A_149 = vector.broadcast %broadcast_in_dim3A : f32 to vector<16xf32>
      %swap3A = arith.index_cast %scan3A_148 : i32 to index
      %swap3A_150 = arith.constant 0 : index
      %swap3A_151 = tpu.vector_load %arg6[%swap3A, %swap3A_150] {strides = array<i32>} : memref<80x128xf32, #tpu.memory_space<vmem>>, vector<1x16xf32>,
      %swap3A_152 = vector.shape_cast %swap3A_151 : vector<1x16xf32> to vector<16xf32>
      %swap3A_153 = vector.shape_cast %broadcast_in_dim3A_149 : vector<16xf32> to vector<1x16xf32>
      tpu.vector_store %arg6[%swap3A, %swap3A_150], %swap3A_153 {strides = array<i32>} : memref<80x128xf32, #tpu.memory_space<vmem>>, vector<1x16xf32>,
      %broadcast_in_dim3A_154 = arith.constant 0.000000e+00 : f32
      %broadcast_in_dim3A_155 = vector.broadcast %broadcast_in_dim3A_154 : f32 to vector<16xf32>
      %swap3A_156 = arith.index_cast %scan3A_148 : i32 to index
      %swap3A_157 = arith.constant 16 : index
      %swap3A_158 = tpu.vector_load %arg6[%swap3A_156, %swap3A_157] {strides = array<i32>} : memref<80x128xf32, #tpu.memory_space<vmem>>, vector<1x16xf32>,
      %swap3A_159 = vector.shape_cast %swap3A_158 : vector<1x16xf32> to vector<16xf32>
      %swap3A_160 = vector.shape_cast %broadcast_in_dim3A_155 : vector<16xf32> to vector<1x16xf32>
      tpu.vector_store %arg6[%swap3A_156, %swap3A_157], %swap3A_160 {strides = array<i32>} : memref<80x128xf32, #tpu.memory_space<vmem>>, vector<1x16xf32>,
      %broadcast_in_dim3A_161 = arith.constant 0.000000e+00 : f32
      %broadcast_in_dim3A_162 = vector.broadcast %broadcast_in_dim3A_161 : f32 to vector<16xf32>
      %swap3A_163 = arith.index_cast %scan3A_148 : i32 to index
      %swap3A_164 = arith.constant 32 : index
      %swap3A_165 = tpu.vector_load %arg6[%swap3A_163, %swap3A_164] {strides = array<i32>} : memref<80x128xf32, #tpu.memory_space<vmem>>, vector<1x16xf32>,
      %swap3A_166 = vector.shape_cast %swap3A_165 : vector<1x16xf32> to vector<16xf32>
      %swap3A_167 = vector.shape_cast %broadcast_in_dim3A_162 : vector<16xf32> to vector<1x16xf32>
      tpu.vector_store %arg6[%swap3A_163, %swap3A_164], %swap3A_167 {strides = array<i32>} : memref<80x128xf32, #tpu.memory_space<vmem>>, vector<1x16xf32>,
      %broadcast_in_dim3A_168 = arith.constant 0.000000e+00 : f32
      %broadcast_in_dim3A_169 = vector.broadcast %broadcast_in_dim3A_168 : f32 to vector<16xf32>
      %swap3A_170 = arith.index_cast %scan3A_148 : i32 to index
      %swap3A_171 = arith.constant 48 : index
      %swap3A_172 = tpu.vector_load %arg6[%swap3A_170, %swap3A_171] {strides = array<i32>} : memref<80x128xf32, #tpu.memory_space<vmem>>, vector<1x16xf32>,
      %swap3A_173 = vector.shape_cast %swap3A_172 : vector<1x16xf32> to vector<16xf32>
      %swap3A_174 = vector.shape_cast %broadcast_in_dim3A_169 : vector<16xf32> to vector<1x16xf32>
      tpu.vector_store %arg6[%swap3A_170, %swap3A_171], %swap3A_174 {strides = array<i32>} : memref<80x128xf32, #tpu.memory_space<vmem>>, vector<1x16xf32>,
      %broadcast_in_dim3A_175 = arith.constant 0.000000e+00 : f32
      %broadcast_in_dim3A_176 = vector.broadcast %broadcast_in_dim3A_175 : f32 to vector<16xf32>
      %swap3A_177 = arith.index_cast %scan3A_148 : i32 to index
      %swap3A_178 = arith.constant 64 : index
      %swap3A_179 = tpu.vector_load %arg6[%swap3A_177, %swap3A_178] {strides = array<i32>} : memref<80x128xf32, #tpu.memory_space<vmem>>, vector<1x16xf32>,
      %swap3A_180 = vector.shape_cast %swap3A_179 : vector<1x16xf32> to vector<16xf32>
      %swap3A_181 = vector.shape_cast %broadcast_in_dim3A_176 : vector<16xf32> to vector<1x16xf32>
      tpu.vector_store %arg6[%swap3A_177, %swap3A_178], %swap3A_181 {strides = array<i32>} : memref<80x128xf32, #tpu.memory_space<vmem>>, vector<1x16xf32>,
      %broadcast_in_dim3A_182 = arith.constant 0.000000e+00 : f32
      %broadcast_in_dim3A_183 = vector.broadcast %broadcast_in_dim3A_182 : f32 to vector<16xf32>
      %swap3A_184 = arith.index_cast %scan3A_148 : i32 to index
      %swap3A_185 = arith.constant 80 : index
      %swap3A_186 = tpu.vector_load %arg6[%swap3A_184, %swap3A_185] {strides = array<i32>} : memref<80x128xf32, #tpu.memory_space<vmem>>, vector<1x16xf32>,
      %swap3A_187 = vector.shape_cast %swap3A_186 : vector<1x16xf32> to vector<16xf32>
      %swap3A_188 = vector.shape_cast %broadcast_in_dim3A_183 : vector<16xf32> to vector<1x16xf32>
      tpu.vector_store %arg6[%swap3A_184, %swap3A_185], %swap3A_188 {strides = array<i32>} : memref<80x128xf32, #tpu.memory_space<vmem>>, vector<1x16xf32>,
      %broadcast_in_dim3A_189 = arith.constant 0.000000e+00 : f32
      %broadcast_in_dim3A_190 = vector.broadcast %broadcast_in_dim3A_189 : f32 to vector<16xf32>
      %swap3A_191 = arith.index_cast %scan3A_148 : i32 to index
      %swap3A_192 = arith.constant 96 : index
      %swap3A_193 = tpu.vector_load %arg6[%swap3A_191, %swap3A_192] {strides = array<i32>} : memref<80x128xf32, #tpu.memory_space<vmem>>, vector<1x16xf32>,
      %swap3A_194 = vector.shape_cast %swap3A_193 : vector<1x16xf32> to vector<16xf32>
      %swap3A_195 = vector.shape_cast %broadcast_in_dim3A_190 : vector<16xf32> to vector<1x16xf32>
      tpu.vector_store %arg6[%swap3A_191, %swap3A_192], %swap3A_195 {strides = array<i32>} : memref<80x128xf32, #tpu.memory_space<vmem>>, vector<1x16xf32>,
      %broadcast_in_dim3A_196 = arith.constant 0.000000e+00 : f32
      %broadcast_in_dim3A_197 = vector.broadcast %broadcast_in_dim3A_196 : f32 to vector<16xf32>
      %swap3A_198 = arith.index_cast %scan3A_148 : i32 to index
      %swap3A_199 = arith.constant 112 : index
      %swap3A_200 = tpu.vector_load %arg6[%swap3A_198, %swap3A_199] {strides = array<i32>} : memref<80x128xf32, #tpu.memory_space<vmem>>, vector<1x16xf32>,
      %swap3A_201 = vector.shape_cast %swap3A_200 : vector<1x16xf32> to vector<16xf32>
      %swap3A_202 = vector.shape_cast %broadcast_in_dim3A_197 : vector<16xf32> to vector<1x16xf32>
      tpu.vector_store %arg6[%swap3A_198, %swap3A_199], %swap3A_202 {strides = array<i32>} : memref<80x128xf32, #tpu.memory_space<vmem>>, vector<1x16xf32>,
    }
    %scan3A_5 = arith.constant 80 : i32
    %add3A_6 = arith.constant 0 : i32
    %add3A_7 = arith.addi %arg1, %add3A_6 : i32
    %lt3A = arith.constant 125 : i32
    %lt3A_8 = arith.cmpi slt, %add3A_7, %lt3A : i32
    %convert_element_type3A = arith.extui %lt3A_8 : i1 to i32
    %cond3A = arith.constant 0 : i32
    %cond3A_9 = arith.cmpi ne, %convert_element_type3A, %cond3A : i32
    scf.if %cond3A_9 {
      %mul3A_148 = arith.constant 80 : i32
      %mul3A_149 = arith.muli %add3A_7, %mul3A_148 : i32
      "tpu.region"() ({
        %run_scoped3A_150 = tpu.sem_alloc : memref<!tpu.dma_semaphore, #tpu.memory_space<semaphore_mem>>
        %dma_start3A_151 = arith.constant 0 : i32
        %dma_start3A_152 = tpu.memref_slice %arg8[%mul3A_149, %dma_start3A_151] : memref<10000x128xf32, #tpu.memory_space<vmem_shared>> -> memref<80x128xf32, #tpu.memory_space<vmem_shared>>
        %dma_start3A_153 = arith.constant 0 : i32
        %dma_start3A_154 = tpu.memref_slice %arg8[%mul3A_149, %dma_start3A_153] : memref<10000x128xf32, #tpu.memory_space<vmem_shared>> -> memref<80x128xf32, #tpu.memory_space<vmem_shared>>
        tpu.enqueue_dma source(%arg6 : memref<80x128xf32, #tpu.memory_space<vmem>>) target(%dma_start3A_154 : memref<80x128xf32, #tpu.memory_space<vmem_shared>>) target_semaphore(%run_scoped3A_150 : memref<!tpu.dma_semaphore, #tpu.memory_space<semaphore_mem>>)
        %dma_wait3A_155 = arith.constant 0 : i32
        %dma_wait3A_156 = tpu.memref_slice %arg8[%mul3A_149, %dma_wait3A_155] : memref<10000x128xf32, #tpu.memory_space<vmem_shared>> -> memref<80x128xf32, #tpu.memory_space<vmem_shared>>
        %dma_wait3A_157 = arith.constant 0 : i32
        %dma_wait3A_158 = tpu.memref_slice %arg8[%mul3A_149, %dma_wait3A_157] : memref<10000x128xf32, #tpu.memory_space<vmem_shared>> -> memref<80x128xf32, #tpu.memory_space<vmem_shared>>
        tpu.wait_dma2 semaphore(%run_scoped3A_150 : memref<!tpu.dma_semaphore, #tpu.memory_space<semaphore_mem>>) src(%arg6 : memref<80x128xf32, #tpu.memory_space<vmem>>) dst(%dma_wait3A_158 : memref<80x128xf32, #tpu.memory_space<vmem_shared>>)
        tpu.yield
      }) : () -> ()
    } else {
    }
    %add3A_10 = arith.constant 16 : i32
    %add3A_11 = arith.addi %arg1, %add3A_10 : i32
    %lt3A_12 = arith.constant 125 : i32
    %lt3A_13 = arith.cmpi slt, %add3A_11, %lt3A_12 : i32
    %convert_element_type3A_14 = arith.extui %lt3A_13 : i1 to i32
    %cond3A_15 = arith.constant 0 : i32
    %cond3A_16 = arith.cmpi ne, %convert_element_type3A_14, %cond3A_15 : i32
    scf.if %cond3A_16 {
      %mul3A_148 = arith.constant 80 : i32
      %mul3A_149 = arith.muli %add3A_11, %mul3A_148 : i32
      "tpu.region"() ({
        %run_scoped3A_150 = tpu.sem_alloc : memref<!tpu.dma_semaphore, #tpu.memory_space<semaphore_mem>>
        %dma_start3A_151 = arith.constant 0 : i32
        %dma_start3A_152 = tpu.memref_slice %arg8[%mul3A_149, %dma_start3A_151] : memref<10000x128xf32, #tpu.memory_space<vmem_shared>> -> memref<80x128xf32, #tpu.memory_space<vmem_shared>>
        %dma_start3A_153 = arith.constant 0 : i32
        %dma_start3A_154 = tpu.memref_slice %arg8[%mul3A_149, %dma_start3A_153] : memref<10000x128xf32, #tpu.memory_space<vmem_shared>> -> memref<80x128xf32, #tpu.memory_space<vmem_shared>>
        tpu.enqueue_dma source(%arg6 : memref<80x128xf32, #tpu.memory_space<vmem>>) target(%dma_start3A_154 : memref<80x128xf32, #tpu.memory_space<vmem_shared>>) target_semaphore(%run_scoped3A_150 : memref<!tpu.dma_semaphore, #tpu.memory_space<semaphore_mem>>)
        %dma_wait3A_155 = arith.constant 0 : i32
        %dma_wait3A_156 = tpu.memref_slice %arg8[%mul3A_149, %dma_wait3A_155] : memref<10000x128xf32, #tpu.memory_space<vmem_shared>> -> memref<80x128xf32, #tpu.memory_space<vmem_shared>>
        %dma_wait3A_157 = arith.constant 0 : i32
        %dma_wait3A_158 = tpu.memref_slice %arg8[%mul3A_149, %dma_wait3A_157] : memref<10000x128xf32, #tpu.memory_space<vmem_shared>> -> memref<80x128xf32, #tpu.memory_space<vmem_shared>>
        tpu.wait_dma2 semaphore(%run_scoped3A_150 : memref<!tpu.dma_semaphore, #tpu.memory_space<semaphore_mem>>) src(%arg6 : memref<80x128xf32, #tpu.memory_space<vmem>>) dst(%dma_wait3A_158 : memref<80x128xf32, #tpu.memory_space<vmem_shared>>)
        tpu.yield
      }) : () -> ()
    } else {
    }
    %add3A_17 = arith.constant 32 : i32
    %add3A_18 = arith.addi %arg1, %add3A_17 : i32
    %lt3A_19 = arith.constant 125 : i32
    %lt3A_20 = arith.cmpi slt, %add3A_18, %lt3A_19 : i32
    %convert_element_type3A_21 = arith.extui %lt3A_20 : i1 to i32
    %cond3A_22 = arith.constant 0 : i32
    %cond3A_23 = arith.cmpi ne, %convert_element_type3A_21, %cond3A_22 : i32
    scf.if %cond3A_23 {
      %mul3A_148 = arith.constant 80 : i32
      %mul3A_149 = arith.muli %add3A_18, %mul3A_148 : i32
      "tpu.region"() ({
        %run_scoped3A_150 = tpu.sem_alloc : memref<!tpu.dma_semaphore, #tpu.memory_space<semaphore_mem>>
        %dma_start3A_151 = arith.constant 0 : i32
        %dma_start3A_152 = tpu.memref_slice %arg8[%mul3A_149, %dma_start3A_151] : memref<10000x128xf32, #tpu.memory_space<vmem_shared>> -> memref<80x128xf32, #tpu.memory_space<vmem_shared>>
        %dma_start3A_153 = arith.constant 0 : i32
        %dma_start3A_154 = tpu.memref_slice %arg8[%mul3A_149, %dma_start3A_153] : memref<10000x128xf32, #tpu.memory_space<vmem_shared>> -> memref<80x128xf32, #tpu.memory_space<vmem_shared>>
        tpu.enqueue_dma source(%arg6 : memref<80x128xf32, #tpu.memory_space<vmem>>) target(%dma_start3A_154 : memref<80x128xf32, #tpu.memory_space<vmem_shared>>) target_semaphore(%run_scoped3A_150 : memref<!tpu.dma_semaphore, #tpu.memory_space<semaphore_mem>>)
        %dma_wait3A_155 = arith.constant 0 : i32
        %dma_wait3A_156 = tpu.memref_slice %arg8[%mul3A_149, %dma_wait3A_155] : memref<10000x128xf32, #tpu.memory_space<vmem_shared>> -> memref<80x128xf32, #tpu.memory_space<vmem_shared>>
        %dma_wait3A_157 = arith.constant 0 : i32
        %dma_wait3A_158 = tpu.memref_slice %arg8[%mul3A_149, %dma_wait3A_157] : memref<10000x128xf32, #tpu.memory_space<vmem_shared>> -> memref<80x128xf32, #tpu.memory_space<vmem_shared>>
        tpu.wait_dma2 semaphore(%run_scoped3A_150 : memref<!tpu.dma_semaphore, #tpu.memory_space<semaphore_mem>>) src(%arg6 : memref<80x128xf32, #tpu.memory_space<vmem>>) dst(%dma_wait3A_158 : memref<80x128xf32, #tpu.memory_space<vmem_shared>>)
        tpu.yield
      }) : () -> ()
    } else {
    }
    %add3A_24 = arith.constant 48 : i32
    %add3A_25 = arith.addi %arg1, %add3A_24 : i32
    %lt3A_26 = arith.constant 125 : i32
    %lt3A_27 = arith.cmpi slt, %add3A_25, %lt3A_26 : i32
    %convert_element_type3A_28 = arith.extui %lt3A_27 : i1 to i32
    %cond3A_29 = arith.constant 0 : i32
    %cond3A_30 = arith.cmpi ne, %convert_element_type3A_28, %cond3A_29 : i32
    scf.if %cond3A_30 {
      %mul3A_148 = arith.constant 80 : i32
      %mul3A_149 = arith.muli %add3A_25, %mul3A_148 : i32
      "tpu.region"() ({
        %run_scoped3A_150 = tpu.sem_alloc : memref<!tpu.dma_semaphore, #tpu.memory_space<semaphore_mem>>
        %dma_start3A_151 = arith.constant 0 : i32
        %dma_start3A_152 = tpu.memref_slice %arg8[%mul3A_149, %dma_start3A_151] : memref<10000x128xf32, #tpu.memory_space<vmem_shared>> -> memref<80x128xf32, #tpu.memory_space<vmem_shared>>
        %dma_start3A_153 = arith.constant 0 : i32
        %dma_start3A_154 = tpu.memref_slice %arg8[%mul3A_149, %dma_start3A_153] : memref<10000x128xf32, #tpu.memory_space<vmem_shared>> -> memref<80x128xf32, #tpu.memory_space<vmem_shared>>
        tpu.enqueue_dma source(%arg6 : memref<80x128xf32, #tpu.memory_space<vmem>>) target(%dma_start3A_154 : memref<80x128xf32, #tpu.memory_space<vmem_shared>>) target_semaphore(%run_scoped3A_150 : memref<!tpu.dma_semaphore, #tpu.memory_space<semaphore_mem>>)
        %dma_wait3A_155 = arith.constant 0 : i32
        %dma_wait3A_156 = tpu.memref_slice %arg8[%mul3A_149, %dma_wait3A_155] : memref<10000x128xf32, #tpu.memory_space<vmem_shared>> -> memref<80x128xf32, #tpu.memory_space<vmem_shared>>
        %dma_wait3A_157 = arith.constant 0 : i32
        %dma_wait3A_158 = tpu.memref_slice %arg8[%mul3A_149, %dma_wait3A_157] : memref<10000x128xf32, #tpu.memory_space<vmem_shared>> -> memref<80x128xf32, #tpu.memory_space<vmem_shared>>
        tpu.wait_dma2 semaphore(%run_scoped3A_150 : memref<!tpu.dma_semaphore, #tpu.memory_space<semaphore_mem>>) src(%arg6 : memref<80x128xf32, #tpu.memory_space<vmem>>) dst(%dma_wait3A_158 : memref<80x128xf32, #tpu.memory_space<vmem_shared>>)
        tpu.yield
      }) : () -> ()
    } else {
    }
    %add3A_31 = arith.constant 64 : i32
    %add3A_32 = arith.addi %arg1, %add3A_31 : i32
    %lt3A_33 = arith.constant 125 : i32
    %lt3A_34 = arith.cmpi slt, %add3A_32, %lt3A_33 : i32
    %convert_element_type3A_35 = arith.extui %lt3A_34 : i1 to i32
    %cond3A_36 = arith.constant 0 : i32
    %cond3A_37 = arith.cmpi ne, %convert_element_type3A_35, %cond3A_36 : i32
    scf.if %cond3A_37 {
      %mul3A_148 = arith.constant 80 : i32
      %mul3A_149 = arith.muli %add3A_32, %mul3A_148 : i32
      "tpu.region"() ({
        %run_scoped3A_150 = tpu.sem_alloc : memref<!tpu.dma_semaphore, #tpu.memory_space<semaphore_mem>>
        %dma_start3A_151 = arith.constant 0 : i32
        %dma_start3A_152 = tpu.memref_slice %arg8[%mul3A_149, %dma_start3A_151] : memref<10000x128xf32, #tpu.memory_space<vmem_shared>> -> memref<80x128xf32, #tpu.memory_space<vmem_shared>>
        %dma_start3A_153 = arith.constant 0 : i32
        %dma_start3A_154 = tpu.memref_slice %arg8[%mul3A_149, %dma_start3A_153] : memref<10000x128xf32, #tpu.memory_space<vmem_shared>> -> memref<80x128xf32, #tpu.memory_space<vmem_shared>>
        tpu.enqueue_dma source(%arg6 : memref<80x128xf32, #tpu.memory_space<vmem>>) target(%dma_start3A_154 : memref<80x128xf32, #tpu.memory_space<vmem_shared>>) target_semaphore(%run_scoped3A_150 : memref<!tpu.dma_semaphore, #tpu.memory_space<semaphore_mem>>)
        %dma_wait3A_155 = arith.constant 0 : i32
        %dma_wait3A_156 = tpu.memref_slice %arg8[%mul3A_149, %dma_wait3A_155] : memref<10000x128xf32, #tpu.memory_space<vmem_shared>> -> memref<80x128xf32, #tpu.memory_space<vmem_shared>>
        %dma_wait3A_157 = arith.constant 0 : i32
        %dma_wait3A_158 = tpu.memref_slice %arg8[%mul3A_149, %dma_wait3A_157] : memref<10000x128xf32, #tpu.memory_space<vmem_shared>> -> memref<80x128xf32, #tpu.memory_space<vmem_shared>>
        tpu.wait_dma2 semaphore(%run_scoped3A_150 : memref<!tpu.dma_semaphore, #tpu.memory_space<semaphore_mem>>) src(%arg6 : memref<80x128xf32, #tpu.memory_space<vmem>>) dst(%dma_wait3A_158 : memref<80x128xf32, #tpu.memory_space<vmem_shared>>)
        tpu.yield
      }) : () -> ()
    } else {
    }
    %add3A_38 = arith.constant 80 : i32
    %add3A_39 = arith.addi %arg1, %add3A_38 : i32
    %lt3A_40 = arith.constant 125 : i32
    %lt3A_41 = arith.cmpi slt, %add3A_39, %lt3A_40 : i32
    %convert_element_type3A_42 = arith.extui %lt3A_41 : i1 to i32
    %cond3A_43 = arith.constant 0 : i32
    %cond3A_44 = arith.cmpi ne, %convert_element_type3A_42, %cond3A_43 : i32
    scf.if %cond3A_44 {
      %mul3A_148 = arith.constant 80 : i32
      %mul3A_149 = arith.muli %add3A_39, %mul3A_148 : i32
      "tpu.region"() ({
        %run_scoped3A_150 = tpu.sem_alloc : memref<!tpu.dma_semaphore, #tpu.memory_space<semaphore_mem>>
        %dma_start3A_151 = arith.constant 0 : i32
        %dma_start3A_152 = tpu.memref_slice %arg8[%mul3A_149, %dma_start3A_151] : memref<10000x128xf32, #tpu.memory_space<vmem_shared>> -> memref<80x128xf32, #tpu.memory_space<vmem_shared>>
        %dma_start3A_153 = arith.constant 0 : i32
        %dma_start3A_154 = tpu.memref_slice %arg8[%mul3A_149, %dma_start3A_153] : memref<10000x128xf32, #tpu.memory_space<vmem_shared>> -> memref<80x128xf32, #tpu.memory_space<vmem_shared>>
        tpu.enqueue_dma source(%arg6 : memref<80x128xf32, #tpu.memory_space<vmem>>) target(%dma_start3A_154 : memref<80x128xf32, #tpu.memory_space<vmem_shared>>) target_semaphore(%run_scoped3A_150 : memref<!tpu.dma_semaphore, #tpu.memory_space<semaphore_mem>>)
        %dma_wait3A_155 = arith.constant 0 : i32
        %dma_wait3A_156 = tpu.memref_slice %arg8[%mul3A_149, %dma_wait3A_155] : memref<10000x128xf32, #tpu.memory_space<vmem_shared>> -> memref<80x128xf32, #tpu.memory_space<vmem_shared>>
        %dma_wait3A_157 = arith.constant 0 : i32
        %dma_wait3A_158 = tpu.memref_slice %arg8[%mul3A_149, %dma_wait3A_157] : memref<10000x128xf32, #tpu.memory_space<vmem_shared>> -> memref<80x128xf32, #tpu.memory_space<vmem_shared>>
        tpu.wait_dma2 semaphore(%run_scoped3A_150 : memref<!tpu.dma_semaphore, #tpu.memory_space<semaphore_mem>>) src(%arg6 : memref<80x128xf32, #tpu.memory_space<vmem>>) dst(%dma_wait3A_158 : memref<80x128xf32, #tpu.memory_space<vmem_shared>>)
        tpu.yield
      }) : () -> ()
    } else {
    }
    %add3A_45 = arith.constant 96 : i32
    %add3A_46 = arith.addi %arg1, %add3A_45 : i32
    %lt3A_47 = arith.constant 125 : i32
    %lt3A_48 = arith.cmpi slt, %add3A_46, %lt3A_47 : i32
    %convert_element_type3A_49 = arith.extui %lt3A_48 : i1 to i32
    %cond3A_50 = arith.constant 0 : i32
    %cond3A_51 = arith.cmpi ne, %convert_element_type3A_49, %cond3A_50 : i32
    scf.if %cond3A_51 {
      %mul3A_148 = arith.constant 80 : i32
      %mul3A_149 = arith.muli %add3A_46, %mul3A_148 : i32
      "tpu.region"() ({
        %run_scoped3A_150 = tpu.sem_alloc : memref<!tpu.dma_semaphore, #tpu.memory_space<semaphore_mem>>
        %dma_start3A_151 = arith.constant 0 : i32
        %dma_start3A_152 = tpu.memref_slice %arg8[%mul3A_149, %dma_start3A_151] : memref<10000x128xf32, #tpu.memory_space<vmem_shared>> -> memref<80x128xf32, #tpu.memory_space<vmem_shared>>
        %dma_start3A_153 = arith.constant 0 : i32
        %dma_start3A_154 = tpu.memref_slice %arg8[%mul3A_149, %dma_start3A_153] : memref<10000x128xf32, #tpu.memory_space<vmem_shared>> -> memref<80x128xf32, #tpu.memory_space<vmem_shared>>
        tpu.enqueue_dma source(%arg6 : memref<80x128xf32, #tpu.memory_space<vmem>>) target(%dma_start3A_154 : memref<80x128xf32, #tpu.memory_space<vmem_shared>>) target_semaphore(%run_scoped3A_150 : memref<!tpu.dma_semaphore, #tpu.memory_space<semaphore_mem>>)
        %dma_wait3A_155 = arith.constant 0 : i32
        %dma_wait3A_156 = tpu.memref_slice %arg8[%mul3A_149, %dma_wait3A_155] : memref<10000x128xf32, #tpu.memory_space<vmem_shared>> -> memref<80x128xf32, #tpu.memory_space<vmem_shared>>
        %dma_wait3A_157 = arith.constant 0 : i32
        %dma_wait3A_158 = tpu.memref_slice %arg8[%mul3A_149, %dma_wait3A_157] : memref<10000x128xf32, #tpu.memory_space<vmem_shared>> -> memref<80x128xf32, #tpu.memory_space<vmem_shared>>
        tpu.wait_dma2 semaphore(%run_scoped3A_150 : memref<!tpu.dma_semaphore, #tpu.memory_space<semaphore_mem>>) src(%arg6 : memref<80x128xf32, #tpu.memory_space<vmem>>) dst(%dma_wait3A_158 : memref<80x128xf32, #tpu.memory_space<vmem_shared>>)
        tpu.yield
      }) : () -> ()
    } else {
    }
    %add3A_52 = arith.constant 112 : i32
    %add3A_53 = arith.addi %arg1, %add3A_52 : i32
    %lt3A_54 = arith.constant 125 : i32
    %lt3A_55 = arith.cmpi slt, %add3A_53, %lt3A_54 : i32
    %convert_element_type3A_56 = arith.extui %lt3A_55 : i1 to i32
    %cond3A_57 = arith.constant 0 : i32
    %cond3A_58 = arith.cmpi ne, %convert_element_type3A_56, %cond3A_57 : i32
    scf.if %cond3A_58 {
      %mul3A_148 = arith.constant 80 : i32
      %mul3A_149 = arith.muli %add3A_53, %mul3A_148 : i32
      "tpu.region"() ({
        %run_scoped3A_150 = tpu.sem_alloc : memref<!tpu.dma_semaphore, #tpu.memory_space<semaphore_mem>>
        %dma_start3A_151 = arith.constant 0 : i32
        %dma_start3A_152 = tpu.memref_slice %arg8[%mul3A_149, %dma_start3A_151] : memref<10000x128xf32, #tpu.memory_space<vmem_shared>> -> memref<80x128xf32, #tpu.memory_space<vmem_shared>>
        %dma_start3A_153 = arith.constant 0 : i32
        %dma_start3A_154 = tpu.memref_slice %arg8[%mul3A_149, %dma_start3A_153] : memref<10000x128xf32, #tpu.memory_space<vmem_shared>> -> memref<80x128xf32, #tpu.memory_space<vmem_shared>>
        tpu.enqueue_dma source(%arg6 : memref<80x128xf32, #tpu.memory_space<vmem>>) target(%dma_start3A_154 : memref<80x128xf32, #tpu.memory_space<vmem_shared>>) target_semaphore(%run_scoped3A_150 : memref<!tpu.dma_semaphore, #tpu.memory_space<semaphore_mem>>)
        %dma_wait3A_155 = arith.constant 0 : i32
        %dma_wait3A_156 = tpu.memref_slice %arg8[%mul3A_149, %dma_wait3A_155] : memref<10000x128xf32, #tpu.memory_space<vmem_shared>> -> memref<80x128xf32, #tpu.memory_space<vmem_shared>>
        %dma_wait3A_157 = arith.constant 0 : i32
        %dma_wait3A_158 = tpu.memref_slice %arg8[%mul3A_149, %dma_wait3A_157] : memref<10000x128xf32, #tpu.memory_space<vmem_shared>> -> memref<80x128xf32, #tpu.memory_space<vmem_shared>>
        tpu.wait_dma2 semaphore(%run_scoped3A_150 : memref<!tpu.dma_semaphore, #tpu.memory_space<semaphore_mem>>) src(%arg6 : memref<80x128xf32, #tpu.memory_space<vmem>>) dst(%dma_wait3A_158 : memref<80x128xf32, #tpu.memory_space<vmem_shared>>)
        tpu.yield
      }) : () -> ()
    } else {
    }
    %barrier3A = arith.constant 0 : index
    tpu.barrier barrier_id(%barrier3A)
    %mul3A_59 = arith.constant 10000 : i32
    %mul3A_60 = arith.muli %add3A, %mul3A_59 : i32
    %add3A_61 = arith.constant 0 : i32
    %add3A_62 = arith.addi %mul3A_60, %add3A_61 : i32
    %dma_start3A = arith.constant 0 : i32
    %dma_start3A_63 = tpu.memref_slice %arg3[%add3A_62, %dma_start3A] : memref<320000x128xf32, #tpu.memory_space<hbm>> -> memref<80x128xf32, #tpu.memory_space<hbm>>
    %dma_start3A_64 = arith.constant 0 : i32
    %dma_start3A_65 = tpu.memref_slice %arg3[%add3A_62, %dma_start3A_64] : memref<320000x128xf32, #tpu.memory_space<hbm>> -> memref<80x128xf32, #tpu.memory_space<hbm>>
    tpu.enqueue_dma source(%dma_start3A_65 : memref<80x128xf32, #tpu.memory_space<hbm>>) target(%arg6 : memref<80x128xf32, #tpu.memory_space<vmem>>) target_semaphore(%arg9 : memref<!tpu.dma_semaphore, #tpu.memory_space<semaphore_mem>>)
    %mul3A_66 = arith.constant 10000 : i32
    %mul3A_67 = arith.muli %add3A, %mul3A_66 : i32
    %dma_wait3A = arith.constant 0 : i32
    %dma_wait3A_68 = tpu.memref_slice %arg3[%mul3A_67, %dma_wait3A] : memref<320000x128xf32, #tpu.memory_space<hbm>> -> memref<80x128xf32, #tpu.memory_space<hbm>>
    %dma_wait3A_69 = arith.constant 0 : i32
    %dma_wait3A_70 = tpu.memref_slice %arg3[%mul3A_67, %dma_wait3A_69] : memref<320000x128xf32, #tpu.memory_space<hbm>> -> memref<80x128xf32, #tpu.memory_space<hbm>>
    tpu.wait_dma2 semaphore(%arg9 : memref<!tpu.dma_semaphore, #tpu.memory_space<semaphore_mem>>) src(%dma_wait3A_70 : memref<80x128xf32, #tpu.memory_space<hbm>>) dst(%arg6 : memref<80x128xf32, #tpu.memory_space<vmem>>)
    %mul3A_71 = arith.constant 10000 : i32
    %mul3A_72 = arith.muli %add3A, %mul3A_71 : i32
    %add3A_73 = arith.constant 80 : i32
    %add3A_74 = arith.addi %mul3A_72, %add3A_73 : i32
    %dma_start3A_75 = arith.constant 0 : i32
    %dma_start3A_76 = tpu.memref_slice %arg3[%add3A_74, %dma_start3A_75] : memref<320000x128xf32, #tpu.memory_space<hbm>> -> memref<80x128xf32, #tpu.memory_space<hbm>>
    %dma_start3A_77 = arith.constant 0 : i32
    %dma_start3A_78 = tpu.memref_slice %arg3[%add3A_74, %dma_start3A_77] : memref<320000x128xf32, #tpu.memory_space<hbm>> -> memref<80x128xf32, #tpu.memory_space<hbm>>
    tpu.enqueue_dma source(%dma_start3A_78 : memref<80x128xf32, #tpu.memory_space<hbm>>) target(%arg7 : memref<80x128xf32, #tpu.memory_space<vmem>>) target_semaphore(%arg10 : memref<!tpu.dma_semaphore, #tpu.memory_space<semaphore_mem>>)
    %run_scoped3A = arith.constant 0 : i32
    "tpu.region"() ({
      %run_scoped3A_148 = tpu.sem_alloc : memref<!tpu.dma_semaphore, #tpu.memory_space<semaphore_mem>>
      %dma_start3A_149 = arith.constant 0 : i32
      %dma_start3A_150 = tpu.memref_slice %arg5[%run_scoped3A, %dma_start3A_149] : memref<125x80xi32, #tpu.memory_space<vmem>> -> memref<1x80xi32, #tpu.memory_space<vmem>>
      %dma_start3A_151 = tpu.memref_squeeze %dma_start3A_150 : memref<1x80xi32, #tpu.memory_space<vmem>> -> memref<80xi32, #tpu.memory_space<vmem>>
      %dma_start3A_152 = arith.constant 0 : i32
      %dma_start3A_153 = arith.constant 0 : i32
      %dma_start3A_154 = tpu.memref_slice %arg8[%dma_start3A_152, %dma_start3A_153] : memref<10000x128xf32, #tpu.memory_space<vmem_shared>> -> memref<10000x128xf32, #tpu.memory_space<vmem_shared>>
      tpu.enqueue_indirect_dma source(%arg6 : memref<80x128xf32, #tpu.memory_space<vmem>>) target(%dma_start3A_154 : memref<10000x128xf32, #tpu.memory_space<vmem_shared>>) offsets(%dma_start3A_151 : memref<80xi32, #tpu.memory_space<vmem>>) semaphore(%run_scoped3A_148 : memref<!tpu.dma_semaphore, #tpu.memory_space<semaphore_mem>>) {add = true}
      %dma_wait3A_155 = arith.constant 0 : i32
      %dma_wait3A_156 = tpu.memref_slice %arg5[%run_scoped3A, %dma_wait3A_155] : memref<125x80xi32, #tpu.memory_space<vmem>> -> memref<1x80xi32, #tpu.memory_space<vmem>>
      %dma_wait3A_157 = tpu.memref_squeeze %dma_wait3A_156 : memref<1x80xi32, #tpu.memory_space<vmem>> -> memref<80xi32, #tpu.memory_space<vmem>>
      %dma_wait3A_158 = arith.constant 0 : i32
      %dma_wait3A_159 = arith.constant 0 : i32
      %dma_wait3A_160 = tpu.memref_slice %arg8[%dma_wait3A_158, %dma_wait3A_159] : memref<10000x128xf32, #tpu.memory_space<vmem_shared>> -> memref<10000x128xf32, #tpu.memory_space<vmem_shared>>
      tpu.wait_indirect_dma semaphore(%run_scoped3A_148 : memref<!tpu.dma_semaphore, #tpu.memory_space<semaphore_mem>>) src(%arg6 : memref<80x128xf32, #tpu.memory_space<vmem>>) dst(%dma_wait3A_160 : memref<10000x128xf32, #tpu.memory_space<vmem_shared>>)
      tpu.yield
    }) : () -> ()
    %scan3A_79 = arith.constant 0 : i32
    %scan3A_80 = arith.constant 0 : i32
    %scan3A_81 = arith.constant 62 : i32
    %scan3A_82 = arith.addi %scan3A_80, %scan3A_81 : i32
    %scan3A_83 = arith.constant 1 : i32
    scf.for %scan3A_148 = %scan3A_80 to %scan3A_82 step %scan3A_83  : i32 {
      %mul3A_149 = arith.constant 2 : i32
      %mul3A_150 = arith.muli %mul3A_149, %scan3A_148 : i32
      %add3A_151 = arith.constant 1 : i32
      %add3A_152 = arith.addi %mul3A_150, %add3A_151 : i32
      %mul3A_153 = arith.constant 10000 : i32
      %mul3A_154 = arith.muli %add3A, %mul3A_153 : i32
      %dma_wait3A_155 = arith.constant 0 : i32
      %dma_wait3A_156 = tpu.memref_slice %arg3[%mul3A_154, %dma_wait3A_155] : memref<320000x128xf32, #tpu.memory_space<hbm>> -> memref<80x128xf32, #tpu.memory_space<hbm>>
      %dma_wait3A_157 = arith.constant 0 : i32
      %dma_wait3A_158 = tpu.memref_slice %arg3[%mul3A_154, %dma_wait3A_157] : memref<320000x128xf32, #tpu.memory_space<hbm>> -> memref<80x128xf32, #tpu.memory_space<hbm>>
      tpu.wait_dma2 semaphore(%arg10 : memref<!tpu.dma_semaphore, #tpu.memory_space<semaphore_mem>>) src(%dma_wait3A_158 : memref<80x128xf32, #tpu.memory_space<hbm>>) dst(%arg7 : memref<80x128xf32, #tpu.memory_space<vmem>>)
      %add3A_159 = arith.constant 1 : i32
      %add3A_160 = arith.addi %add3A_152, %add3A_159 : i32
      %mul3A_161 = arith.constant 10000 : i32
      %mul3A_162 = arith.muli %add3A, %mul3A_161 : i32
      %mul3A_163 = arith.constant 80 : i32
      %mul3A_164 = arith.muli %add3A_160, %mul3A_163 : i32
      %add3A_165 = arith.addi %mul3A_162, %mul3A_164 : i32
      %dma_start3A_166 = arith.constant 0 : i32
      %dma_start3A_167 = tpu.memref_slice %arg3[%add3A_165, %dma_start3A_166] : memref<320000x128xf32, #tpu.memory_space<hbm>> -> memref<80x128xf32, #tpu.memory_space<hbm>>
      %dma_start3A_168 = arith.constant 0 : i32
      %dma_start3A_169 = tpu.memref_slice %arg3[%add3A_165, %dma_start3A_168] : memref<320000x128xf32, #tpu.memory_space<hbm>> -> memref<80x128xf32, #tpu.memory_space<hbm>>
      tpu.enqueue_dma source(%dma_start3A_169 : memref<80x128xf32, #tpu.memory_space<hbm>>) target(%arg6 : memref<80x128xf32, #tpu.memory_space<vmem>>) target_semaphore(%arg9 : memref<!tpu.dma_semaphore, #tpu.memory_space<semaphore_mem>>)
      "tpu.region"() ({
        %run_scoped3A_190 = tpu.sem_alloc : memref<!tpu.dma_semaphore, #tpu.memory_space<semaphore_mem>>
        %dma_start3A_191 = arith.constant 0 : i32
        %dma_start3A_192 = tpu.memref_slice %arg5[%add3A_152, %dma_start3A_191] : memref<125x80xi32, #tpu.memory_space<vmem>> -> memref<1x80xi32, #tpu.memory_space<vmem>>
        %dma_start3A_193 = tpu.memref_squeeze %dma_start3A_192 : memref<1x80xi32, #tpu.memory_space<vmem>> -> memref<80xi32, #tpu.memory_space<vmem>>
        %dma_start3A_194 = arith.constant 0 : i32
        %dma_start3A_195 = arith.constant 0 : i32
        %dma_start3A_196 = tpu.memref_slice %arg8[%dma_start3A_194, %dma_start3A_195] : memref<10000x128xf32, #tpu.memory_space<vmem_shared>> -> memref<10000x128xf32, #tpu.memory_space<vmem_shared>>
        tpu.enqueue_indirect_dma source(%arg7 : memref<80x128xf32, #tpu.memory_space<vmem>>) target(%dma_start3A_196 : memref<10000x128xf32, #tpu.memory_space<vmem_shared>>) offsets(%dma_start3A_193 : memref<80xi32, #tpu.memory_space<vmem>>) semaphore(%run_scoped3A_190 : memref<!tpu.dma_semaphore, #tpu.memory_space<semaphore_mem>>) {add = true}
        %dma_wait3A_197 = arith.constant 0 : i32
        %dma_wait3A_198 = tpu.memref_slice %arg5[%add3A_152, %dma_wait3A_197] : memref<125x80xi32, #tpu.memory_space<vmem>> -> memref<1x80xi32, #tpu.memory_space<vmem>>
        %dma_wait3A_199 = tpu.memref_squeeze %dma_wait3A_198 : memref<1x80xi32, #tpu.memory_space<vmem>> -> memref<80xi32, #tpu.memory_space<vmem>>
        %dma_wait3A_200 = arith.constant 0 : i32
        %dma_wait3A_201 = arith.constant 0 : i32
        %dma_wait3A_202 = tpu.memref_slice %arg8[%dma_wait3A_200, %dma_wait3A_201] : memref<10000x128xf32, #tpu.memory_space<vmem_shared>> -> memref<10000x128xf32, #tpu.memory_space<vmem_shared>>
        tpu.wait_indirect_dma semaphore(%run_scoped3A_190 : memref<!tpu.dma_semaphore, #tpu.memory_space<semaphore_mem>>) src(%arg7 : memref<80x128xf32, #tpu.memory_space<vmem>>) dst(%dma_wait3A_202 : memref<10000x128xf32, #tpu.memory_space<vmem_shared>>)
        tpu.yield
      }) : () -> ()
      %add3A_170 = arith.constant 1 : i32
      %add3A_171 = arith.addi %add3A_152, %add3A_170 : i32
      %mul3A_172 = arith.constant 10000 : i32
      %mul3A_173 = arith.muli %add3A, %mul3A_172 : i32
      %dma_wait3A_174 = arith.constant 0 : i32
      %dma_wait3A_175 = tpu.memref_slice %arg3[%mul3A_173, %dma_wait3A_174] : memref<320000x128xf32, #tpu.memory_space<hbm>> -> memref<80x128xf32, #tpu.memory_space<hbm>>
      %dma_wait3A_176 = arith.constant 0 : i32
      %dma_wait3A_177 = tpu.memref_slice %arg3[%mul3A_173, %dma_wait3A_176] : memref<320000x128xf32, #tpu.memory_space<hbm>> -> memref<80x128xf32, #tpu.memory_space<hbm>>
      tpu.wait_dma2 semaphore(%arg9 : memref<!tpu.dma_semaphore, #tpu.memory_space<semaphore_mem>>) src(%dma_wait3A_177 : memref<80x128xf32, #tpu.memory_space<hbm>>) dst(%arg6 : memref<80x128xf32, #tpu.memory_space<vmem>>)
      %add3A_178 = arith.constant 1 : i32
      %add3A_179 = arith.addi %add3A_171, %add3A_178 : i32
      %min3A = arith.constant 124 : i32
      %min3A_180 = arith.minsi %add3A_179, %min3A : i32
      %mul3A_181 = arith.constant 10000 : i32
      %mul3A_182 = arith.muli %add3A, %mul3A_181 : i32
      %mul3A_183 = arith.constant 80 : i32
      %mul3A_184 = arith.muli %min3A_180, %mul3A_183 : i32
      %add3A_185 = arith.addi %mul3A_182, %mul3A_184 : i32
      %dma_start3A_186 = arith.constant 0 : i32
      %dma_start3A_187 = tpu.memref_slice %arg3[%add3A_185, %dma_start3A_186] : memref<320000x128xf32, #tpu.memory_space<hbm>> -> memref<80x128xf32, #tpu.memory_space<hbm>>
      %dma_start3A_188 = arith.constant 0 : i32
      %dma_start3A_189 = tpu.memref_slice %arg3[%add3A_185, %dma_start3A_188] : memref<320000x128xf32, #tpu.memory_space<hbm>> -> memref<80x128xf32, #tpu.memory_space<hbm>>
      tpu.enqueue_dma source(%dma_start3A_189 : memref<80x128xf32, #tpu.memory_space<hbm>>) target(%arg7 : memref<80x128xf32, #tpu.memory_space<vmem>>) target_semaphore(%arg10 : memref<!tpu.dma_semaphore, #tpu.memory_space<semaphore_mem>>)
      "tpu.region"() ({
        %run_scoped3A_190 = tpu.sem_alloc : memref<!tpu.dma_semaphore, #tpu.memory_space<semaphore_mem>>
        %dma_start3A_191 = arith.constant 0 : i32
        %dma_start3A_192 = tpu.memref_slice %arg5[%add3A_171, %dma_start3A_191] : memref<125x80xi32, #tpu.memory_space<vmem>> -> memref<1x80xi32, #tpu.memory_space<vmem>>
        %dma_start3A_193 = tpu.memref_squeeze %dma_start3A_192 : memref<1x80xi32, #tpu.memory_space<vmem>> -> memref<80xi32, #tpu.memory_space<vmem>>
        %dma_start3A_194 = arith.constant 0 : i32
        %dma_start3A_195 = arith.constant 0 : i32
        %dma_start3A_196 = tpu.memref_slice %arg8[%dma_start3A_194, %dma_start3A_195] : memref<10000x128xf32, #tpu.memory_space<vmem_shared>> -> memref<10000x128xf32, #tpu.memory_space<vmem_shared>>
        tpu.enqueue_indirect_dma source(%arg6 : memref<80x128xf32, #tpu.memory_space<vmem>>) target(%dma_start3A_196 : memref<10000x128xf32, #tpu.memory_space<vmem_shared>>) offsets(%dma_start3A_193 : memref<80xi32, #tpu.memory_space<vmem>>) semaphore(%run_scoped3A_190 : memref<!tpu.dma_semaphore, #tpu.memory_space<semaphore_mem>>) {add = true}
        %dma_wait3A_197 = arith.constant 0 : i32
        %dma_wait3A_198 = tpu.memref_slice %arg5[%add3A_171, %dma_wait3A_197] : memref<125x80xi32, #tpu.memory_space<vmem>> -> memref<1x80xi32, #tpu.memory_space<vmem>>
        %dma_wait3A_199 = tpu.memref_squeeze %dma_wait3A_198 : memref<1x80xi32, #tpu.memory_space<vmem>> -> memref<80xi32, #tpu.memory_space<vmem>>
        %dma_wait3A_200 = arith.constant 0 : i32
        %dma_wait3A_201 = arith.constant 0 : i32
        %dma_wait3A_202 = tpu.memref_slice %arg8[%dma_wait3A_200, %dma_wait3A_201] : memref<10000x128xf32, #tpu.memory_space<vmem_shared>> -> memref<10000x128xf32, #tpu.memory_space<vmem_shared>>
        tpu.wait_indirect_dma semaphore(%run_scoped3A_190 : memref<!tpu.dma_semaphore, #tpu.memory_space<semaphore_mem>>) src(%arg6 : memref<80x128xf32, #tpu.memory_space<vmem>>) dst(%dma_wait3A_202 : memref<10000x128xf32, #tpu.memory_space<vmem_shared>>)
        tpu.yield
      }) : () -> ()
    }
    %scan3A_84 = arith.constant 62 : i32
    %mul3A_85 = arith.constant 10000 : i32
    %mul3A_86 = arith.muli %add3A, %mul3A_85 : i32
    %dma_wait3A_87 = arith.constant 0 : i32
    %dma_wait3A_88 = tpu.memref_slice %arg3[%mul3A_86, %dma_wait3A_87] : memref<320000x128xf32, #tpu.memory_space<hbm>> -> memref<80x128xf32, #tpu.memory_space<hbm>>
    %dma_wait3A_89 = arith.constant 0 : i32
    %dma_wait3A_90 = tpu.memref_slice %arg3[%mul3A_86, %dma_wait3A_89] : memref<320000x128xf32, #tpu.memory_space<hbm>> -> memref<80x128xf32, #tpu.memory_space<hbm>>
    tpu.wait_dma2 semaphore(%arg10 : memref<!tpu.dma_semaphore, #tpu.memory_space<semaphore_mem>>) src(%dma_wait3A_90 : memref<80x128xf32, #tpu.memory_space<hbm>>) dst(%arg7 : memref<80x128xf32, #tpu.memory_space<vmem>>)
    %barrier3A_91 = arith.constant 0 : index
    tpu.barrier barrier_id(%barrier3A_91)
    %add3A_92 = arith.constant 0 : i32
    %add3A_93 = arith.addi %arg1, %add3A_92 : i32
    %lt3A_94 = arith.constant 125 : i32
    %lt3A_95 = arith.cmpi slt, %add3A_93, %lt3A_94 : i32
    %convert_element_type3A_96 = arith.extui %lt3A_95 : i1 to i32
    %cond3A_97 = arith.constant 0 : i32
    %cond3A_98 = arith.cmpi ne, %convert_element_type3A_96, %cond3A_97 : i32
    scf.if %cond3A_98 {
      %mul3A_148 = arith.constant 80 : i32
      %mul3A_149 = arith.muli %add3A_93, %mul3A_148 : i32
      "tpu.region"() ({
        %run_scoped3A_152 = tpu.sem_alloc : memref<!tpu.dma_semaphore, #tpu.memory_space<semaphore_mem>>
        %dma_start3A_153 = arith.constant 0 : i32
        %dma_start3A_154 = tpu.memref_slice %arg8[%mul3A_149, %dma_start3A_153] : memref<10000x128xf32, #tpu.memory_space<vmem_shared>> -> memref<80x128xf32, #tpu.memory_space<vmem_shared>>
        %dma_start3A_155 = arith.constant 0 : i32
        %dma_start3A_156 = tpu.memref_slice %arg8[%mul3A_149, %dma_start3A_155] : memref<10000x128xf32, #tpu.memory_space<vmem_shared>> -> memref<80x128xf32, #tpu.memory_space<vmem_shared>>
        tpu.enqueue_dma source(%dma_start3A_156 : memref<80x128xf32, #tpu.memory_space<vmem_shared>>) target(%arg6 : memref<80x128xf32, #tpu.memory_space<vmem>>) target_semaphore(%run_scoped3A_152 : memref<!tpu.dma_semaphore, #tpu.memory_space<semaphore_mem>>)
        %dma_wait3A_157 = arith.constant 0 : i32
        %dma_wait3A_158 = tpu.memref_slice %arg8[%mul3A_149, %dma_wait3A_157] : memref<10000x128xf32, #tpu.memory_space<vmem_shared>> -> memref<80x128xf32, #tpu.memory_space<vmem_shared>>
        %dma_wait3A_159 = arith.constant 0 : i32
        %dma_wait3A_160 = tpu.memref_slice %arg8[%mul3A_149, %dma_wait3A_159] : memref<10000x128xf32, #tpu.memory_space<vmem_shared>> -> memref<80x128xf32, #tpu.memory_space<vmem_shared>>
        tpu.wait_dma2 semaphore(%run_scoped3A_152 : memref<!tpu.dma_semaphore, #tpu.memory_space<semaphore_mem>>) src(%dma_wait3A_160 : memref<80x128xf32, #tpu.memory_space<vmem_shared>>) dst(%arg6 : memref<80x128xf32, #tpu.memory_space<vmem>>)
        tpu.yield
      }) : () -> ()
      %mul3A_150 = arith.constant 80 : i32
      %mul3A_151 = arith.muli %add3A_93, %mul3A_150 : i32
      "tpu.region"() ({
        %run_scoped3A_152 = tpu.sem_alloc : memref<!tpu.dma_semaphore, #tpu.memory_space<semaphore_mem>>
        %dma_start3A_153 = arith.constant 0 : i32
        %dma_start3A_154 = tpu.memref_slice %arg4[%arg0, %mul3A_151, %dma_start3A_153] : memref<2x10000x128xf32, #tpu.memory_space<hbm>> -> memref<1x80x128xf32, #tpu.memory_space<hbm>>
        %dma_start3A_155 = tpu.memref_squeeze %dma_start3A_154 : memref<1x80x128xf32, #tpu.memory_space<hbm>> -> memref<80x128xf32, #tpu.memory_space<hbm>>
        %dma_start3A_156 = arith.constant 0 : i32
        %dma_start3A_157 = tpu.memref_slice %arg4[%arg0, %mul3A_151, %dma_start3A_156] : memref<2x10000x128xf32, #tpu.memory_space<hbm>> -> memref<1x80x128xf32, #tpu.memory_space<hbm>>
        %dma_start3A_158 = tpu.memref_squeeze %dma_start3A_157 : memref<1x80x128xf32, #tpu.memory_space<hbm>> -> memref<80x128xf32, #tpu.memory_space<hbm>>
        tpu.enqueue_dma source(%arg6 : memref<80x128xf32, #tpu.memory_space<vmem>>) target(%dma_start3A_158 : memref<80x128xf32, #tpu.memory_space<hbm>>) target_semaphore(%run_scoped3A_152 : memref<!tpu.dma_semaphore, #tpu.memory_space<semaphore_mem>>)
        %dma_wait3A_159 = arith.constant 0 : i32
        %dma_wait3A_160 = tpu.memref_slice %arg4[%arg0, %mul3A_151, %dma_wait3A_159] : memref<2x10000x128xf32, #tpu.memory_space<hbm>> -> memref<1x80x128xf32, #tpu.memory_space<hbm>>
        %dma_wait3A_161 = tpu.memref_squeeze %dma_wait3A_160 : memref<1x80x128xf32, #tpu.memory_space<hbm>> -> memref<80x128xf32, #tpu.memory_space<hbm>>
        %dma_wait3A_162 = arith.constant 0 : i32
        %dma_wait3A_163 = tpu.memref_slice %arg4[%arg0, %mul3A_151, %dma_wait3A_162] : memref<2x10000x128xf32, #tpu.memory_space<hbm>> -> memref<1x80x128xf32, #tpu.memory_space<hbm>>
        %dma_wait3A_164 = tpu.memref_squeeze %dma_wait3A_163 : memref<1x80x128xf32, #tpu.memory_space<hbm>> -> memref<80x128xf32, #tpu.memory_space<hbm>>
        tpu.wait_dma2 semaphore(%run_scoped3A_152 : memref<!tpu.dma_semaphore, #tpu.memory_space<semaphore_mem>>) src(%arg6 : memref<80x128xf32, #tpu.memory_space<vmem>>) dst(%dma_wait3A_164 : memref<80x128xf32, #tpu.memory_space<hbm>>)
        tpu.yield
      }) : () -> ()
    } else {
    }
    %add3A_99 = arith.constant 16 : i32
    %add3A_100 = arith.addi %arg1, %add3A_99 : i32
    %lt3A_101 = arith.constant 125 : i32
    %lt3A_102 = arith.cmpi slt, %add3A_100, %lt3A_101 : i32
    %convert_element_type3A_103 = arith.extui %lt3A_102 : i1 to i32
    %cond3A_104 = arith.constant 0 : i32
    %cond3A_105 = arith.cmpi ne, %convert_element_type3A_103, %cond3A_104 : i32
    scf.if %cond3A_105 {
      %mul3A_148 = arith.constant 80 : i32
      %mul3A_149 = arith.muli %add3A_100, %mul3A_148 : i32
      "tpu.region"() ({
        %run_scoped3A_152 = tpu.sem_alloc : memref<!tpu.dma_semaphore, #tpu.memory_space<semaphore_mem>>
        %dma_start3A_153 = arith.constant 0 : i32
        %dma_start3A_154 = tpu.memref_slice %arg8[%mul3A_149, %dma_start3A_153] : memref<10000x128xf32, #tpu.memory_space<vmem_shared>> -> memref<80x128xf32, #tpu.memory_space<vmem_shared>>
        %dma_start3A_155 = arith.constant 0 : i32
        %dma_start3A_156 = tpu.memref_slice %arg8[%mul3A_149, %dma_start3A_155] : memref<10000x128xf32, #tpu.memory_space<vmem_shared>> -> memref<80x128xf32, #tpu.memory_space<vmem_shared>>
        tpu.enqueue_dma source(%dma_start3A_156 : memref<80x128xf32, #tpu.memory_space<vmem_shared>>) target(%arg6 : memref<80x128xf32, #tpu.memory_space<vmem>>) target_semaphore(%run_scoped3A_152 : memref<!tpu.dma_semaphore, #tpu.memory_space<semaphore_mem>>)
        %dma_wait3A_157 = arith.constant 0 : i32
        %dma_wait3A_158 = tpu.memref_slice %arg8[%mul3A_149, %dma_wait3A_157] : memref<10000x128xf32, #tpu.memory_space<vmem_shared>> -> memref<80x128xf32, #tpu.memory_space<vmem_shared>>
        %dma_wait3A_159 = arith.constant 0 : i32
        %dma_wait3A_160 = tpu.memref_slice %arg8[%mul3A_149, %dma_wait3A_159] : memref<10000x128xf32, #tpu.memory_space<vmem_shared>> -> memref<80x128xf32, #tpu.memory_space<vmem_shared>>
        tpu.wait_dma2 semaphore(%run_scoped3A_152 : memref<!tpu.dma_semaphore, #tpu.memory_space<semaphore_mem>>) src(%dma_wait3A_160 : memref<80x128xf32, #tpu.memory_space<vmem_shared>>) dst(%arg6 : memref<80x128xf32, #tpu.memory_space<vmem>>)
        tpu.yield
      }) : () -> ()
      %mul3A_150 = arith.constant 80 : i32
      %mul3A_151 = arith.muli %add3A_100, %mul3A_150 : i32
      "tpu.region"() ({
        %run_scoped3A_152 = tpu.sem_alloc : memref<!tpu.dma_semaphore, #tpu.memory_space<semaphore_mem>>
        %dma_start3A_153 = arith.constant 0 : i32
        %dma_start3A_154 = tpu.memref_slice %arg4[%arg0, %mul3A_151, %dma_start3A_153] : memref<2x10000x128xf32, #tpu.memory_space<hbm>> -> memref<1x80x128xf32, #tpu.memory_space<hbm>>
        %dma_start3A_155 = tpu.memref_squeeze %dma_start3A_154 : memref<1x80x128xf32, #tpu.memory_space<hbm>> -> memref<80x128xf32, #tpu.memory_space<hbm>>
        %dma_start3A_156 = arith.constant 0 : i32
        %dma_start3A_157 = tpu.memref_slice %arg4[%arg0, %mul3A_151, %dma_start3A_156] : memref<2x10000x128xf32, #tpu.memory_space<hbm>> -> memref<1x80x128xf32, #tpu.memory_space<hbm>>
        %dma_start3A_158 = tpu.memref_squeeze %dma_start3A_157 : memref<1x80x128xf32, #tpu.memory_space<hbm>> -> memref<80x128xf32, #tpu.memory_space<hbm>>
        tpu.enqueue_dma source(%arg6 : memref<80x128xf32, #tpu.memory_space<vmem>>) target(%dma_start3A_158 : memref<80x128xf32, #tpu.memory_space<hbm>>) target_semaphore(%run_scoped3A_152 : memref<!tpu.dma_semaphore, #tpu.memory_space<semaphore_mem>>)
        %dma_wait3A_159 = arith.constant 0 : i32
        %dma_wait3A_160 = tpu.memref_slice %arg4[%arg0, %mul3A_151, %dma_wait3A_159] : memref<2x10000x128xf32, #tpu.memory_space<hbm>> -> memref<1x80x128xf32, #tpu.memory_space<hbm>>
        %dma_wait3A_161 = tpu.memref_squeeze %dma_wait3A_160 : memref<1x80x128xf32, #tpu.memory_space<hbm>> -> memref<80x128xf32, #tpu.memory_space<hbm>>
        %dma_wait3A_162 = arith.constant 0 : i32
        %dma_wait3A_163 = tpu.memref_slice %arg4[%arg0, %mul3A_151, %dma_wait3A_162] : memref<2x10000x128xf32, #tpu.memory_space<hbm>> -> memref<1x80x128xf32, #tpu.memory_space<hbm>>
        %dma_wait3A_164 = tpu.memref_squeeze %dma_wait3A_163 : memref<1x80x128xf32, #tpu.memory_space<hbm>> -> memref<80x128xf32, #tpu.memory_space<hbm>>
        tpu.wait_dma2 semaphore(%run_scoped3A_152 : memref<!tpu.dma_semaphore, #tpu.memory_space<semaphore_mem>>) src(%arg6 : memref<80x128xf32, #tpu.memory_space<vmem>>) dst(%dma_wait3A_164 : memref<80x128xf32, #tpu.memory_space<hbm>>)
        tpu.yield
      }) : () -> ()
    } else {
    }
    %add3A_106 = arith.constant 32 : i32
    %add3A_107 = arith.addi %arg1, %add3A_106 : i32
    %lt3A_108 = arith.constant 125 : i32
    %lt3A_109 = arith.cmpi slt, %add3A_107, %lt3A_108 : i32
    %convert_element_type3A_110 = arith.extui %lt3A_109 : i1 to i32
    %cond3A_111 = arith.constant 0 : i32
    %cond3A_112 = arith.cmpi ne, %convert_element_type3A_110, %cond3A_111 : i32
    scf.if %cond3A_112 {
      %mul3A_148 = arith.constant 80 : i32
      %mul3A_149 = arith.muli %add3A_107, %mul3A_148 : i32
      "tpu.region"() ({
        %run_scoped3A_152 = tpu.sem_alloc : memref<!tpu.dma_semaphore, #tpu.memory_space<semaphore_mem>>
        %dma_start3A_153 = arith.constant 0 : i32
        %dma_start3A_154 = tpu.memref_slice %arg8[%mul3A_149, %dma_start3A_153] : memref<10000x128xf32, #tpu.memory_space<vmem_shared>> -> memref<80x128xf32, #tpu.memory_space<vmem_shared>>
        %dma_start3A_155 = arith.constant 0 : i32
        %dma_start3A_156 = tpu.memref_slice %arg8[%mul3A_149, %dma_start3A_155] : memref<10000x128xf32, #tpu.memory_space<vmem_shared>> -> memref<80x128xf32, #tpu.memory_space<vmem_shared>>
        tpu.enqueue_dma source(%dma_start3A_156 : memref<80x128xf32, #tpu.memory_space<vmem_shared>>) target(%arg6 : memref<80x128xf32, #tpu.memory_space<vmem>>) target_semaphore(%run_scoped3A_152 : memref<!tpu.dma_semaphore, #tpu.memory_space<semaphore_mem>>)
        %dma_wait3A_157 = arith.constant 0 : i32
        %dma_wait3A_158 = tpu.memref_slice %arg8[%mul3A_149, %dma_wait3A_157] : memref<10000x128xf32, #tpu.memory_space<vmem_shared>> -> memref<80x128xf32, #tpu.memory_space<vmem_shared>>
        %dma_wait3A_159 = arith.constant 0 : i32
        %dma_wait3A_160 = tpu.memref_slice %arg8[%mul3A_149, %dma_wait3A_159] : memref<10000x128xf32, #tpu.memory_space<vmem_shared>> -> memref<80x128xf32, #tpu.memory_space<vmem_shared>>
        tpu.wait_dma2 semaphore(%run_scoped3A_152 : memref<!tpu.dma_semaphore, #tpu.memory_space<semaphore_mem>>) src(%dma_wait3A_160 : memref<80x128xf32, #tpu.memory_space<vmem_shared>>) dst(%arg6 : memref<80x128xf32, #tpu.memory_space<vmem>>)
        tpu.yield
      }) : () -> ()
      %mul3A_150 = arith.constant 80 : i32
      %mul3A_151 = arith.muli %add3A_107, %mul3A_150 : i32
      "tpu.region"() ({
        %run_scoped3A_152 = tpu.sem_alloc : memref<!tpu.dma_semaphore, #tpu.memory_space<semaphore_mem>>
        %dma_start3A_153 = arith.constant 0 : i32
        %dma_start3A_154 = tpu.memref_slice %arg4[%arg0, %mul3A_151, %dma_start3A_153] : memref<2x10000x128xf32, #tpu.memory_space<hbm>> -> memref<1x80x128xf32, #tpu.memory_space<hbm>>
        %dma_start3A_155 = tpu.memref_squeeze %dma_start3A_154 : memref<1x80x128xf32, #tpu.memory_space<hbm>> -> memref<80x128xf32, #tpu.memory_space<hbm>>
        %dma_start3A_156 = arith.constant 0 : i32
        %dma_start3A_157 = tpu.memref_slice %arg4[%arg0, %mul3A_151, %dma_start3A_156] : memref<2x10000x128xf32, #tpu.memory_space<hbm>> -> memref<1x80x128xf32, #tpu.memory_space<hbm>>
        %dma_start3A_158 = tpu.memref_squeeze %dma_start3A_157 : memref<1x80x128xf32, #tpu.memory_space<hbm>> -> memref<80x128xf32, #tpu.memory_space<hbm>>
        tpu.enqueue_dma source(%arg6 : memref<80x128xf32, #tpu.memory_space<vmem>>) target(%dma_start3A_158 : memref<80x128xf32, #tpu.memory_space<hbm>>) target_semaphore(%run_scoped3A_152 : memref<!tpu.dma_semaphore, #tpu.memory_space<semaphore_mem>>)
        %dma_wait3A_159 = arith.constant 0 : i32
        %dma_wait3A_160 = tpu.memref_slice %arg4[%arg0, %mul3A_151, %dma_wait3A_159] : memref<2x10000x128xf32, #tpu.memory_space<hbm>> -> memref<1x80x128xf32, #tpu.memory_space<hbm>>
        %dma_wait3A_161 = tpu.memref_squeeze %dma_wait3A_160 : memref<1x80x128xf32, #tpu.memory_space<hbm>> -> memref<80x128xf32, #tpu.memory_space<hbm>>
        %dma_wait3A_162 = arith.constant 0 : i32
        %dma_wait3A_163 = tpu.memref_slice %arg4[%arg0, %mul3A_151, %dma_wait3A_162] : memref<2x10000x128xf32, #tpu.memory_space<hbm>> -> memref<1x80x128xf32, #tpu.memory_space<hbm>>
        %dma_wait3A_164 = tpu.memref_squeeze %dma_wait3A_163 : memref<1x80x128xf32, #tpu.memory_space<hbm>> -> memref<80x128xf32, #tpu.memory_space<hbm>>
        tpu.wait_dma2 semaphore(%run_scoped3A_152 : memref<!tpu.dma_semaphore, #tpu.memory_space<semaphore_mem>>) src(%arg6 : memref<80x128xf32, #tpu.memory_space<vmem>>) dst(%dma_wait3A_164 : memref<80x128xf32, #tpu.memory_space<hbm>>)
        tpu.yield
      }) : () -> ()
    } else {
    }
    %add3A_113 = arith.constant 48 : i32
    %add3A_114 = arith.addi %arg1, %add3A_113 : i32
    %lt3A_115 = arith.constant 125 : i32
    %lt3A_116 = arith.cmpi slt, %add3A_114, %lt3A_115 : i32
    %convert_element_type3A_117 = arith.extui %lt3A_116 : i1 to i32
    %cond3A_118 = arith.constant 0 : i32
    %cond3A_119 = arith.cmpi ne, %convert_element_type3A_117, %cond3A_118 : i32
    scf.if %cond3A_119 {
      %mul3A_148 = arith.constant 80 : i32
      %mul3A_149 = arith.muli %add3A_114, %mul3A_148 : i32
      "tpu.region"() ({
        %run_scoped3A_152 = tpu.sem_alloc : memref<!tpu.dma_semaphore, #tpu.memory_space<semaphore_mem>>
        %dma_start3A_153 = arith.constant 0 : i32
        %dma_start3A_154 = tpu.memref_slice %arg8[%mul3A_149, %dma_start3A_153] : memref<10000x128xf32, #tpu.memory_space<vmem_shared>> -> memref<80x128xf32, #tpu.memory_space<vmem_shared>>
        %dma_start3A_155 = arith.constant 0 : i32
        %dma_start3A_156 = tpu.memref_slice %arg8[%mul3A_149, %dma_start3A_155] : memref<10000x128xf32, #tpu.memory_space<vmem_shared>> -> memref<80x128xf32, #tpu.memory_space<vmem_shared>>
        tpu.enqueue_dma source(%dma_start3A_156 : memref<80x128xf32, #tpu.memory_space<vmem_shared>>) target(%arg6 : memref<80x128xf32, #tpu.memory_space<vmem>>) target_semaphore(%run_scoped3A_152 : memref<!tpu.dma_semaphore, #tpu.memory_space<semaphore_mem>>)
        %dma_wait3A_157 = arith.constant 0 : i32
        %dma_wait3A_158 = tpu.memref_slice %arg8[%mul3A_149, %dma_wait3A_157] : memref<10000x128xf32, #tpu.memory_space<vmem_shared>> -> memref<80x128xf32, #tpu.memory_space<vmem_shared>>
        %dma_wait3A_159 = arith.constant 0 : i32
        %dma_wait3A_160 = tpu.memref_slice %arg8[%mul3A_149, %dma_wait3A_159] : memref<10000x128xf32, #tpu.memory_space<vmem_shared>> -> memref<80x128xf32, #tpu.memory_space<vmem_shared>>
        tpu.wait_dma2 semaphore(%run_scoped3A_152 : memref<!tpu.dma_semaphore, #tpu.memory_space<semaphore_mem>>) src(%dma_wait3A_160 : memref<80x128xf32, #tpu.memory_space<vmem_shared>>) dst(%arg6 : memref<80x128xf32, #tpu.memory_space<vmem>>)
        tpu.yield
      }) : () -> ()
      %mul3A_150 = arith.constant 80 : i32
      %mul3A_151 = arith.muli %add3A_114, %mul3A_150 : i32
      "tpu.region"() ({
        %run_scoped3A_152 = tpu.sem_alloc : memref<!tpu.dma_semaphore, #tpu.memory_space<semaphore_mem>>
        %dma_start3A_153 = arith.constant 0 : i32
        %dma_start3A_154 = tpu.memref_slice %arg4[%arg0, %mul3A_151, %dma_start3A_153] : memref<2x10000x128xf32, #tpu.memory_space<hbm>> -> memref<1x80x128xf32, #tpu.memory_space<hbm>>
        %dma_start3A_155 = tpu.memref_squeeze %dma_start3A_154 : memref<1x80x128xf32, #tpu.memory_space<hbm>> -> memref<80x128xf32, #tpu.memory_space<hbm>>
        %dma_start3A_156 = arith.constant 0 : i32
        %dma_start3A_157 = tpu.memref_slice %arg4[%arg0, %mul3A_151, %dma_start3A_156] : memref<2x10000x128xf32, #tpu.memory_space<hbm>> -> memref<1x80x128xf32, #tpu.memory_space<hbm>>
        %dma_start3A_158 = tpu.memref_squeeze %dma_start3A_157 : memref<1x80x128xf32, #tpu.memory_space<hbm>> -> memref<80x128xf32, #tpu.memory_space<hbm>>
        tpu.enqueue_dma source(%arg6 : memref<80x128xf32, #tpu.memory_space<vmem>>) target(%dma_start3A_158 : memref<80x128xf32, #tpu.memory_space<hbm>>) target_semaphore(%run_scoped3A_152 : memref<!tpu.dma_semaphore, #tpu.memory_space<semaphore_mem>>)
        %dma_wait3A_159 = arith.constant 0 : i32
        %dma_wait3A_160 = tpu.memref_slice %arg4[%arg0, %mul3A_151, %dma_wait3A_159] : memref<2x10000x128xf32, #tpu.memory_space<hbm>> -> memref<1x80x128xf32, #tpu.memory_space<hbm>>
        %dma_wait3A_161 = tpu.memref_squeeze %dma_wait3A_160 : memref<1x80x128xf32, #tpu.memory_space<hbm>> -> memref<80x128xf32, #tpu.memory_space<hbm>>
        %dma_wait3A_162 = arith.constant 0 : i32
        %dma_wait3A_163 = tpu.memref_slice %arg4[%arg0, %mul3A_151, %dma_wait3A_162] : memref<2x10000x128xf32, #tpu.memory_space<hbm>> -> memref<1x80x128xf32, #tpu.memory_space<hbm>>
        %dma_wait3A_164 = tpu.memref_squeeze %dma_wait3A_163 : memref<1x80x128xf32, #tpu.memory_space<hbm>> -> memref<80x128xf32, #tpu.memory_space<hbm>>
        tpu.wait_dma2 semaphore(%run_scoped3A_152 : memref<!tpu.dma_semaphore, #tpu.memory_space<semaphore_mem>>) src(%arg6 : memref<80x128xf32, #tpu.memory_space<vmem>>) dst(%dma_wait3A_164 : memref<80x128xf32, #tpu.memory_space<hbm>>)
        tpu.yield
      }) : () -> ()
    } else {
    }
    %add3A_120 = arith.constant 64 : i32
    %add3A_121 = arith.addi %arg1, %add3A_120 : i32
    %lt3A_122 = arith.constant 125 : i32
    %lt3A_123 = arith.cmpi slt, %add3A_121, %lt3A_122 : i32
    %convert_element_type3A_124 = arith.extui %lt3A_123 : i1 to i32
    %cond3A_125 = arith.constant 0 : i32
    %cond3A_126 = arith.cmpi ne, %convert_element_type3A_124, %cond3A_125 : i32
    scf.if %cond3A_126 {
      %mul3A_148 = arith.constant 80 : i32
      %mul3A_149 = arith.muli %add3A_121, %mul3A_148 : i32
      "tpu.region"() ({
        %run_scoped3A_152 = tpu.sem_alloc : memref<!tpu.dma_semaphore, #tpu.memory_space<semaphore_mem>>
        %dma_start3A_153 = arith.constant 0 : i32
        %dma_start3A_154 = tpu.memref_slice %arg8[%mul3A_149, %dma_start3A_153] : memref<10000x128xf32, #tpu.memory_space<vmem_shared>> -> memref<80x128xf32, #tpu.memory_space<vmem_shared>>
        %dma_start3A_155 = arith.constant 0 : i32
        %dma_start3A_156 = tpu.memref_slice %arg8[%mul3A_149, %dma_start3A_155] : memref<10000x128xf32, #tpu.memory_space<vmem_shared>> -> memref<80x128xf32, #tpu.memory_space<vmem_shared>>
        tpu.enqueue_dma source(%dma_start3A_156 : memref<80x128xf32, #tpu.memory_space<vmem_shared>>) target(%arg6 : memref<80x128xf32, #tpu.memory_space<vmem>>) target_semaphore(%run_scoped3A_152 : memref<!tpu.dma_semaphore, #tpu.memory_space<semaphore_mem>>)
        %dma_wait3A_157 = arith.constant 0 : i32
        %dma_wait3A_158 = tpu.memref_slice %arg8[%mul3A_149, %dma_wait3A_157] : memref<10000x128xf32, #tpu.memory_space<vmem_shared>> -> memref<80x128xf32, #tpu.memory_space<vmem_shared>>
        %dma_wait3A_159 = arith.constant 0 : i32
        %dma_wait3A_160 = tpu.memref_slice %arg8[%mul3A_149, %dma_wait3A_159] : memref<10000x128xf32, #tpu.memory_space<vmem_shared>> -> memref<80x128xf32, #tpu.memory_space<vmem_shared>>
        tpu.wait_dma2 semaphore(%run_scoped3A_152 : memref<!tpu.dma_semaphore, #tpu.memory_space<semaphore_mem>>) src(%dma_wait3A_160 : memref<80x128xf32, #tpu.memory_space<vmem_shared>>) dst(%arg6 : memref<80x128xf32, #tpu.memory_space<vmem>>)
        tpu.yield
      }) : () -> ()
      %mul3A_150 = arith.constant 80 : i32
      %mul3A_151 = arith.muli %add3A_121, %mul3A_150 : i32
      "tpu.region"() ({
        %run_scoped3A_152 = tpu.sem_alloc : memref<!tpu.dma_semaphore, #tpu.memory_space<semaphore_mem>>
        %dma_start3A_153 = arith.constant 0 : i32
        %dma_start3A_154 = tpu.memref_slice %arg4[%arg0, %mul3A_151, %dma_start3A_153] : memref<2x10000x128xf32, #tpu.memory_space<hbm>> -> memref<1x80x128xf32, #tpu.memory_space<hbm>>
        %dma_start3A_155 = tpu.memref_squeeze %dma_start3A_154 : memref<1x80x128xf32, #tpu.memory_space<hbm>> -> memref<80x128xf32, #tpu.memory_space<hbm>>
        %dma_start3A_156 = arith.constant 0 : i32
        %dma_start3A_157 = tpu.memref_slice %arg4[%arg0, %mul3A_151, %dma_start3A_156] : memref<2x10000x128xf32, #tpu.memory_space<hbm>> -> memref<1x80x128xf32, #tpu.memory_space<hbm>>
        %dma_start3A_158 = tpu.memref_squeeze %dma_start3A_157 : memref<1x80x128xf32, #tpu.memory_space<hbm>> -> memref<80x128xf32, #tpu.memory_space<hbm>>
        tpu.enqueue_dma source(%arg6 : memref<80x128xf32, #tpu.memory_space<vmem>>) target(%dma_start3A_158 : memref<80x128xf32, #tpu.memory_space<hbm>>) target_semaphore(%run_scoped3A_152 : memref<!tpu.dma_semaphore, #tpu.memory_space<semaphore_mem>>)
        %dma_wait3A_159 = arith.constant 0 : i32
        %dma_wait3A_160 = tpu.memref_slice %arg4[%arg0, %mul3A_151, %dma_wait3A_159] : memref<2x10000x128xf32, #tpu.memory_space<hbm>> -> memref<1x80x128xf32, #tpu.memory_space<hbm>>
        %dma_wait3A_161 = tpu.memref_squeeze %dma_wait3A_160 : memref<1x80x128xf32, #tpu.memory_space<hbm>> -> memref<80x128xf32, #tpu.memory_space<hbm>>
        %dma_wait3A_162 = arith.constant 0 : i32
        %dma_wait3A_163 = tpu.memref_slice %arg4[%arg0, %mul3A_151, %dma_wait3A_162] : memref<2x10000x128xf32, #tpu.memory_space<hbm>> -> memref<1x80x128xf32, #tpu.memory_space<hbm>>
        %dma_wait3A_164 = tpu.memref_squeeze %dma_wait3A_163 : memref<1x80x128xf32, #tpu.memory_space<hbm>> -> memref<80x128xf32, #tpu.memory_space<hbm>>
        tpu.wait_dma2 semaphore(%run_scoped3A_152 : memref<!tpu.dma_semaphore, #tpu.memory_space<semaphore_mem>>) src(%arg6 : memref<80x128xf32, #tpu.memory_space<vmem>>) dst(%dma_wait3A_164 : memref<80x128xf32, #tpu.memory_space<hbm>>)
        tpu.yield
      }) : () -> ()
    } else {
    }
    %add3A_127 = arith.constant 80 : i32
    %add3A_128 = arith.addi %arg1, %add3A_127 : i32
    %lt3A_129 = arith.constant 125 : i32
    %lt3A_130 = arith.cmpi slt, %add3A_128, %lt3A_129 : i32
    %convert_element_type3A_131 = arith.extui %lt3A_130 : i1 to i32
    %cond3A_132 = arith.constant 0 : i32
    %cond3A_133 = arith.cmpi ne, %convert_element_type3A_131, %cond3A_132 : i32
    scf.if %cond3A_133 {
      %mul3A_148 = arith.constant 80 : i32
      %mul3A_149 = arith.muli %add3A_128, %mul3A_148 : i32
      "tpu.region"() ({
        %run_scoped3A_152 = tpu.sem_alloc : memref<!tpu.dma_semaphore, #tpu.memory_space<semaphore_mem>>
        %dma_start3A_153 = arith.constant 0 : i32
        %dma_start3A_154 = tpu.memref_slice %arg8[%mul3A_149, %dma_start3A_153] : memref<10000x128xf32, #tpu.memory_space<vmem_shared>> -> memref<80x128xf32, #tpu.memory_space<vmem_shared>>
        %dma_start3A_155 = arith.constant 0 : i32
        %dma_start3A_156 = tpu.memref_slice %arg8[%mul3A_149, %dma_start3A_155] : memref<10000x128xf32, #tpu.memory_space<vmem_shared>> -> memref<80x128xf32, #tpu.memory_space<vmem_shared>>
        tpu.enqueue_dma source(%dma_start3A_156 : memref<80x128xf32, #tpu.memory_space<vmem_shared>>) target(%arg6 : memref<80x128xf32, #tpu.memory_space<vmem>>) target_semaphore(%run_scoped3A_152 : memref<!tpu.dma_semaphore, #tpu.memory_space<semaphore_mem>>)
        %dma_wait3A_157 = arith.constant 0 : i32
        %dma_wait3A_158 = tpu.memref_slice %arg8[%mul3A_149, %dma_wait3A_157] : memref<10000x128xf32, #tpu.memory_space<vmem_shared>> -> memref<80x128xf32, #tpu.memory_space<vmem_shared>>
        %dma_wait3A_159 = arith.constant 0 : i32
        %dma_wait3A_160 = tpu.memref_slice %arg8[%mul3A_149, %dma_wait3A_159] : memref<10000x128xf32, #tpu.memory_space<vmem_shared>> -> memref<80x128xf32, #tpu.memory_space<vmem_shared>>
        tpu.wait_dma2 semaphore(%run_scoped3A_152 : memref<!tpu.dma_semaphore, #tpu.memory_space<semaphore_mem>>) src(%dma_wait3A_160 : memref<80x128xf32, #tpu.memory_space<vmem_shared>>) dst(%arg6 : memref<80x128xf32, #tpu.memory_space<vmem>>)
        tpu.yield
      }) : () -> ()
      %mul3A_150 = arith.constant 80 : i32
      %mul3A_151 = arith.muli %add3A_128, %mul3A_150 : i32
      "tpu.region"() ({
        %run_scoped3A_152 = tpu.sem_alloc : memref<!tpu.dma_semaphore, #tpu.memory_space<semaphore_mem>>
        %dma_start3A_153 = arith.constant 0 : i32
        %dma_start3A_154 = tpu.memref_slice %arg4[%arg0, %mul3A_151, %dma_start3A_153] : memref<2x10000x128xf32, #tpu.memory_space<hbm>> -> memref<1x80x128xf32, #tpu.memory_space<hbm>>
        %dma_start3A_155 = tpu.memref_squeeze %dma_start3A_154 : memref<1x80x128xf32, #tpu.memory_space<hbm>> -> memref<80x128xf32, #tpu.memory_space<hbm>>
        %dma_start3A_156 = arith.constant 0 : i32
        %dma_start3A_157 = tpu.memref_slice %arg4[%arg0, %mul3A_151, %dma_start3A_156] : memref<2x10000x128xf32, #tpu.memory_space<hbm>> -> memref<1x80x128xf32, #tpu.memory_space<hbm>>
        %dma_start3A_158 = tpu.memref_squeeze %dma_start3A_157 : memref<1x80x128xf32, #tpu.memory_space<hbm>> -> memref<80x128xf32, #tpu.memory_space<hbm>>
        tpu.enqueue_dma source(%arg6 : memref<80x128xf32, #tpu.memory_space<vmem>>) target(%dma_start3A_158 : memref<80x128xf32, #tpu.memory_space<hbm>>) target_semaphore(%run_scoped3A_152 : memref<!tpu.dma_semaphore, #tpu.memory_space<semaphore_mem>>)
        %dma_wait3A_159 = arith.constant 0 : i32
        %dma_wait3A_160 = tpu.memref_slice %arg4[%arg0, %mul3A_151, %dma_wait3A_159] : memref<2x10000x128xf32, #tpu.memory_space<hbm>> -> memref<1x80x128xf32, #tpu.memory_space<hbm>>
        %dma_wait3A_161 = tpu.memref_squeeze %dma_wait3A_160 : memref<1x80x128xf32, #tpu.memory_space<hbm>> -> memref<80x128xf32, #tpu.memory_space<hbm>>
        %dma_wait3A_162 = arith.constant 0 : i32
        %dma_wait3A_163 = tpu.memref_slice %arg4[%arg0, %mul3A_151, %dma_wait3A_162] : memref<2x10000x128xf32, #tpu.memory_space<hbm>> -> memref<1x80x128xf32, #tpu.memory_space<hbm>>
        %dma_wait3A_164 = tpu.memref_squeeze %dma_wait3A_163 : memref<1x80x128xf32, #tpu.memory_space<hbm>> -> memref<80x128xf32, #tpu.memory_space<hbm>>
        tpu.wait_dma2 semaphore(%run_scoped3A_152 : memref<!tpu.dma_semaphore, #tpu.memory_space<semaphore_mem>>) src(%arg6 : memref<80x128xf32, #tpu.memory_space<vmem>>) dst(%dma_wait3A_164 : memref<80x128xf32, #tpu.memory_space<hbm>>)
        tpu.yield
      }) : () -> ()
    } else {
    }
    %add3A_134 = arith.constant 96 : i32
    %add3A_135 = arith.addi %arg1, %add3A_134 : i32
    %lt3A_136 = arith.constant 125 : i32
    %lt3A_137 = arith.cmpi slt, %add3A_135, %lt3A_136 : i32
    %convert_element_type3A_138 = arith.extui %lt3A_137 : i1 to i32
    %cond3A_139 = arith.constant 0 : i32
    %cond3A_140 = arith.cmpi ne, %convert_element_type3A_138, %cond3A_139 : i32
    scf.if %cond3A_140 {
      %mul3A_148 = arith.constant 80 : i32
      %mul3A_149 = arith.muli %add3A_135, %mul3A_148 : i32
      "tpu.region"() ({
        %run_scoped3A_152 = tpu.sem_alloc : memref<!tpu.dma_semaphore, #tpu.memory_space<semaphore_mem>>
        %dma_start3A_153 = arith.constant 0 : i32
        %dma_start3A_154 = tpu.memref_slice %arg8[%mul3A_149, %dma_start3A_153] : memref<10000x128xf32, #tpu.memory_space<vmem_shared>> -> memref<80x128xf32, #tpu.memory_space<vmem_shared>>
        %dma_start3A_155 = arith.constant 0 : i32
        %dma_start3A_156 = tpu.memref_slice %arg8[%mul3A_149, %dma_start3A_155] : memref<10000x128xf32, #tpu.memory_space<vmem_shared>> -> memref<80x128xf32, #tpu.memory_space<vmem_shared>>
        tpu.enqueue_dma source(%dma_start3A_156 : memref<80x128xf32, #tpu.memory_space<vmem_shared>>) target(%arg6 : memref<80x128xf32, #tpu.memory_space<vmem>>) target_semaphore(%run_scoped3A_152 : memref<!tpu.dma_semaphore, #tpu.memory_space<semaphore_mem>>)
        %dma_wait3A_157 = arith.constant 0 : i32
        %dma_wait3A_158 = tpu.memref_slice %arg8[%mul3A_149, %dma_wait3A_157] : memref<10000x128xf32, #tpu.memory_space<vmem_shared>> -> memref<80x128xf32, #tpu.memory_space<vmem_shared>>
        %dma_wait3A_159 = arith.constant 0 : i32
        %dma_wait3A_160 = tpu.memref_slice %arg8[%mul3A_149, %dma_wait3A_159] : memref<10000x128xf32, #tpu.memory_space<vmem_shared>> -> memref<80x128xf32, #tpu.memory_space<vmem_shared>>
        tpu.wait_dma2 semaphore(%run_scoped3A_152 : memref<!tpu.dma_semaphore, #tpu.memory_space<semaphore_mem>>) src(%dma_wait3A_160 : memref<80x128xf32, #tpu.memory_space<vmem_shared>>) dst(%arg6 : memref<80x128xf32, #tpu.memory_space<vmem>>)
        tpu.yield
      }) : () -> ()
      %mul3A_150 = arith.constant 80 : i32
      %mul3A_151 = arith.muli %add3A_135, %mul3A_150 : i32
      "tpu.region"() ({
        %run_scoped3A_152 = tpu.sem_alloc : memref<!tpu.dma_semaphore, #tpu.memory_space<semaphore_mem>>
        %dma_start3A_153 = arith.constant 0 : i32
        %dma_start3A_154 = tpu.memref_slice %arg4[%arg0, %mul3A_151, %dma_start3A_153] : memref<2x10000x128xf32, #tpu.memory_space<hbm>> -> memref<1x80x128xf32, #tpu.memory_space<hbm>>
        %dma_start3A_155 = tpu.memref_squeeze %dma_start3A_154 : memref<1x80x128xf32, #tpu.memory_space<hbm>> -> memref<80x128xf32, #tpu.memory_space<hbm>>
        %dma_start3A_156 = arith.constant 0 : i32
        %dma_start3A_157 = tpu.memref_slice %arg4[%arg0, %mul3A_151, %dma_start3A_156] : memref<2x10000x128xf32, #tpu.memory_space<hbm>> -> memref<1x80x128xf32, #tpu.memory_space<hbm>>
        %dma_start3A_158 = tpu.memref_squeeze %dma_start3A_157 : memref<1x80x128xf32, #tpu.memory_space<hbm>> -> memref<80x128xf32, #tpu.memory_space<hbm>>
        tpu.enqueue_dma source(%arg6 : memref<80x128xf32, #tpu.memory_space<vmem>>) target(%dma_start3A_158 : memref<80x128xf32, #tpu.memory_space<hbm>>) target_semaphore(%run_scoped3A_152 : memref<!tpu.dma_semaphore, #tpu.memory_space<semaphore_mem>>)
        %dma_wait3A_159 = arith.constant 0 : i32
        %dma_wait3A_160 = tpu.memref_slice %arg4[%arg0, %mul3A_151, %dma_wait3A_159] : memref<2x10000x128xf32, #tpu.memory_space<hbm>> -> memref<1x80x128xf32, #tpu.memory_space<hbm>>
        %dma_wait3A_161 = tpu.memref_squeeze %dma_wait3A_160 : memref<1x80x128xf32, #tpu.memory_space<hbm>> -> memref<80x128xf32, #tpu.memory_space<hbm>>
        %dma_wait3A_162 = arith.constant 0 : i32
        %dma_wait3A_163 = tpu.memref_slice %arg4[%arg0, %mul3A_151, %dma_wait3A_162] : memref<2x10000x128xf32, #tpu.memory_space<hbm>> -> memref<1x80x128xf32, #tpu.memory_space<hbm>>
        %dma_wait3A_164 = tpu.memref_squeeze %dma_wait3A_163 : memref<1x80x128xf32, #tpu.memory_space<hbm>> -> memref<80x128xf32, #tpu.memory_space<hbm>>
        tpu.wait_dma2 semaphore(%run_scoped3A_152 : memref<!tpu.dma_semaphore, #tpu.memory_space<semaphore_mem>>) src(%arg6 : memref<80x128xf32, #tpu.memory_space<vmem>>) dst(%dma_wait3A_164 : memref<80x128xf32, #tpu.memory_space<hbm>>)
        tpu.yield
      }) : () -> ()
    } else {
    }
    %add3A_141 = arith.constant 112 : i32
    %add3A_142 = arith.addi %arg1, %add3A_141 : i32
    %lt3A_143 = arith.constant 125 : i32
    %lt3A_144 = arith.cmpi slt, %add3A_142, %lt3A_143 : i32
    %convert_element_type3A_145 = arith.extui %lt3A_144 : i1 to i32
    %cond3A_146 = arith.constant 0 : i32
    %cond3A_147 = arith.cmpi ne, %convert_element_type3A_145, %cond3A_146 : i32
    scf.if %cond3A_147 {
      %mul3A_148 = arith.constant 80 : i32
      %mul3A_149 = arith.muli %add3A_142, %mul3A_148 : i32
      "tpu.region"() ({
        %run_scoped3A_152 = tpu.sem_alloc : memref<!tpu.dma_semaphore, #tpu.memory_space<semaphore_mem>>
        %dma_start3A_153 = arith.constant 0 : i32
        %dma_start3A_154 = tpu.memref_slice %arg8[%mul3A_149, %dma_start3A_153] : memref<10000x128xf32, #tpu.memory_space<vmem_shared>> -> memref<80x128xf32, #tpu.memory_space<vmem_shared>>
        %dma_start3A_155 = arith.constant 0 : i32
        %dma_start3A_156 = tpu.memref_slice %arg8[%mul3A_149, %dma_start3A_155] : memref<10000x128xf32, #tpu.memory_space<vmem_shared>> -> memref<80x128xf32, #tpu.memory_space<vmem_shared>>
        tpu.enqueue_dma source(%dma_start3A_156 : memref<80x128xf32, #tpu.memory_space<vmem_shared>>) target(%arg6 : memref<80x128xf32, #tpu.memory_space<vmem>>) target_semaphore(%run_scoped3A_152 : memref<!tpu.dma_semaphore, #tpu.memory_space<semaphore_mem>>)
        %dma_wait3A_157 = arith.constant 0 : i32
        %dma_wait3A_158 = tpu.memref_slice %arg8[%mul3A_149, %dma_wait3A_157] : memref<10000x128xf32, #tpu.memory_space<vmem_shared>> -> memref<80x128xf32, #tpu.memory_space<vmem_shared>>
        %dma_wait3A_159 = arith.constant 0 : i32
        %dma_wait3A_160 = tpu.memref_slice %arg8[%mul3A_149, %dma_wait3A_159] : memref<10000x128xf32, #tpu.memory_space<vmem_shared>> -> memref<80x128xf32, #tpu.memory_space<vmem_shared>>
        tpu.wait_dma2 semaphore(%run_scoped3A_152 : memref<!tpu.dma_semaphore, #tpu.memory_space<semaphore_mem>>) src(%dma_wait3A_160 : memref<80x128xf32, #tpu.memory_space<vmem_shared>>) dst(%arg6 : memref<80x128xf32, #tpu.memory_space<vmem>>)
        tpu.yield
      }) : () -> ()
      %mul3A_150 = arith.constant 80 : i32
      %mul3A_151 = arith.muli %add3A_142, %mul3A_150 : i32
      "tpu.region"() ({
        %run_scoped3A_152 = tpu.sem_alloc : memref<!tpu.dma_semaphore, #tpu.memory_space<semaphore_mem>>
        %dma_start3A_153 = arith.constant 0 : i32
        %dma_start3A_154 = tpu.memref_slice %arg4[%arg0, %mul3A_151, %dma_start3A_153] : memref<2x10000x128xf32, #tpu.memory_space<hbm>> -> memref<1x80x128xf32, #tpu.memory_space<hbm>>
        %dma_start3A_155 = tpu.memref_squeeze %dma_start3A_154 : memref<1x80x128xf32, #tpu.memory_space<hbm>> -> memref<80x128xf32, #tpu.memory_space<hbm>>
        %dma_start3A_156 = arith.constant 0 : i32
        %dma_start3A_157 = tpu.memref_slice %arg4[%arg0, %mul3A_151, %dma_start3A_156] : memref<2x10000x128xf32, #tpu.memory_space<hbm>> -> memref<1x80x128xf32, #tpu.memory_space<hbm>>
        %dma_start3A_158 = tpu.memref_squeeze %dma_start3A_157 : memref<1x80x128xf32, #tpu.memory_space<hbm>> -> memref<80x128xf32, #tpu.memory_space<hbm>>
        tpu.enqueue_dma source(%arg6 : memref<80x128xf32, #tpu.memory_space<vmem>>) target(%dma_start3A_158 : memref<80x128xf32, #tpu.memory_space<hbm>>) target_semaphore(%run_scoped3A_152 : memref<!tpu.dma_semaphore, #tpu.memory_space<semaphore_mem>>)
        %dma_wait3A_159 = arith.constant 0 : i32
        %dma_wait3A_160 = tpu.memref_slice %arg4[%arg0, %mul3A_151, %dma_wait3A_159] : memref<2x10000x128xf32, #tpu.memory_space<hbm>> -> memref<1x80x128xf32, #tpu.memory_space<hbm>>
        %dma_wait3A_161 = tpu.memref_squeeze %dma_wait3A_160 : memref<1x80x128xf32, #tpu.memory_space<hbm>> -> memref<80x128xf32, #tpu.memory_space<hbm>>
        %dma_wait3A_162 = arith.constant 0 : i32
        %dma_wait3A_163 = tpu.memref_slice %arg4[%arg0, %mul3A_151, %dma_wait3A_162] : memref<2x10000x128xf32, #tpu.memory_space<hbm>> -> memref<1x80x128xf32, #tpu.memory_space<hbm>>
        %dma_wait3A_164 = tpu.memref_squeeze %dma_wait3A_163 : memref<1x80x128xf32, #tpu.memory_space<hbm>> -> memref<80x128xf32, #tpu.memory_space<hbm>>
        tpu.wait_dma2 semaphore(%run_scoped3A_152 : memref<!tpu.dma_semaphore, #tpu.memory_space<semaphore_mem>>) src(%arg6 : memref<80x128xf32, #tpu.memory_space<vmem>>) dst(%dma_wait3A_164 : memref<80x128xf32, #tpu.memory_space<hbm>>)
        tpu.yield
      }) : () -> ()
    } else {
    }
    return
  }
}

#map = affine_map<(d0, d1) -> (0, 0, 0)>
#map1 = affine_map<(d0, d1) -> (0, 0)>
module attributes {stable_mosaic.version = 14 : i64} {
  func.func @_gather_body(%arg0: i32, %arg1: i32, %arg2: memref<32x250x40xi32, #tpu.memory_space<hbm>>, %arg3: memref<32x250x40xi32, #tpu.memory_space<hbm>>, %arg4: memref<10000x256xf32, #tpu.memory_space<hbm>>, %arg5: memref<10000x256xf32, #tpu.memory_space<hbm>>, %arg6: memref<320000x128xf32, #tpu.memory_space<hbm>>, %arg7: memref<320000x128xf32, #tpu.memory_space<hbm>>, %arg8: memref<250x40xi32, #tpu.memory_space<vmem>>, %arg9: memref<250x40xi32, #tpu.memory_space<vmem>>, %arg10: memref<40x256xf32, #tpu.memory_space<vmem>>, %arg11: memref<40x256xf32, #tpu.memory_space<vmem>>, %arg12: memref<40x256xf32, #tpu.memory_space<vmem>>, %arg13: memref<40x256xf32, #tpu.memory_space<vmem>>, %arg14: memref<40x128xf32, #tpu.memory_space<vmem>>, %arg15: memref<40x128xf32, #tpu.memory_space<vmem>>, %arg16: memref<!tpu.dma_semaphore, #tpu.memory_space<semaphore_mem>>, %arg17: memref<!tpu.dma_semaphore, #tpu.memory_space<semaphore_mem>>, %arg18: memref<!tpu.dma_semaphore, #tpu.memory_space<semaphore_mem>>, %arg19: memref<!tpu.dma_semaphore, #tpu.memory_space<semaphore_mem>>, %arg20: memref<!tpu.dma_semaphore, #tpu.memory_space<semaphore_mem>>) attributes {dimension_semantics = [#tpu.dimension_semantics<core_parallel>, #tpu.dimension_semantics<subcore_parallel>], iteration_bounds = array<i64: 2, 16>, scalar_prefetch = 0 : i64, scratch_operands = 13 : i64, tpu.core_type = #tpu.core_type<sc_vector_subcore>, window_params = [{transform_indices = #map}, {transform_indices = #map}, {transform_indices = #map1}, {transform_indices = #map1}, {transform_indices = #map1}, {transform_indices = #map1}]} {
    %mul3A = arith.constant 2 : i32
    %mul3A_0 = arith.muli %arg1, %mul3A : i32
    %add3A = arith.addi %mul3A_0, %arg0 : i32
    %mul3A_1 = arith.constant 10000 : i32
    %mul3A_2 = arith.muli %add3A, %mul3A_1 : i32
    "tpu.region"() ({
      %run_scoped3A = tpu.sem_alloc : memref<!tpu.dma_semaphore, #tpu.memory_space<semaphore_mem>>
      %dma_start3A_120 = arith.constant 0 : i32
      %dma_start3A_121 = arith.constant 0 : i32
      %dma_start3A_122 = tpu.memref_slice %arg2[%add3A, %dma_start3A_120, %dma_start3A_121] : memref<32x250x40xi32, #tpu.memory_space<hbm>> -> memref<1x250x40xi32, #tpu.memory_space<hbm>>
      %dma_start3A_123 = tpu.memref_squeeze %dma_start3A_122 : memref<1x250x40xi32, #tpu.memory_space<hbm>> -> memref<250x40xi32, #tpu.memory_space<hbm>>
      %dma_start3A_124 = arith.constant 0 : i32
      %dma_start3A_125 = arith.constant 0 : i32
      %dma_start3A_126 = tpu.memref_slice %arg2[%add3A, %dma_start3A_124, %dma_start3A_125] : memref<32x250x40xi32, #tpu.memory_space<hbm>> -> memref<1x250x40xi32, #tpu.memory_space<hbm>>
      %dma_start3A_127 = tpu.memref_squeeze %dma_start3A_126 : memref<1x250x40xi32, #tpu.memory_space<hbm>> -> memref<250x40xi32, #tpu.memory_space<hbm>>
      tpu.enqueue_dma source(%dma_start3A_127 : memref<250x40xi32, #tpu.memory_space<hbm>>) target(%arg8 : memref<250x40xi32, #tpu.memory_space<vmem>>) target_semaphore(%run_scoped3A : memref<!tpu.dma_semaphore, #tpu.memory_space<semaphore_mem>>)
      %dma_wait3A_128 = arith.constant 0 : i32
      %dma_wait3A_129 = arith.constant 0 : i32
      %dma_wait3A_130 = tpu.memref_slice %arg2[%add3A, %dma_wait3A_128, %dma_wait3A_129] : memref<32x250x40xi32, #tpu.memory_space<hbm>> -> memref<1x250x40xi32, #tpu.memory_space<hbm>>
      %dma_wait3A_131 = tpu.memref_squeeze %dma_wait3A_130 : memref<1x250x40xi32, #tpu.memory_space<hbm>> -> memref<250x40xi32, #tpu.memory_space<hbm>>
      %dma_wait3A_132 = arith.constant 0 : i32
      %dma_wait3A_133 = arith.constant 0 : i32
      %dma_wait3A_134 = tpu.memref_slice %arg2[%add3A, %dma_wait3A_132, %dma_wait3A_133] : memref<32x250x40xi32, #tpu.memory_space<hbm>> -> memref<1x250x40xi32, #tpu.memory_space<hbm>>
      %dma_wait3A_135 = tpu.memref_squeeze %dma_wait3A_134 : memref<1x250x40xi32, #tpu.memory_space<hbm>> -> memref<250x40xi32, #tpu.memory_space<hbm>>
      tpu.wait_dma2 semaphore(%run_scoped3A : memref<!tpu.dma_semaphore, #tpu.memory_space<semaphore_mem>>) src(%dma_wait3A_135 : memref<250x40xi32, #tpu.memory_space<hbm>>) dst(%arg8 : memref<250x40xi32, #tpu.memory_space<vmem>>)
      tpu.yield
    }) : () -> ()
    "tpu.region"() ({
      %run_scoped3A = tpu.sem_alloc : memref<!tpu.dma_semaphore, #tpu.memory_space<semaphore_mem>>
      %dma_start3A_120 = arith.constant 0 : i32
      %dma_start3A_121 = arith.constant 0 : i32
      %dma_start3A_122 = tpu.memref_slice %arg3[%add3A, %dma_start3A_120, %dma_start3A_121] : memref<32x250x40xi32, #tpu.memory_space<hbm>> -> memref<1x250x40xi32, #tpu.memory_space<hbm>>
      %dma_start3A_123 = tpu.memref_squeeze %dma_start3A_122 : memref<1x250x40xi32, #tpu.memory_space<hbm>> -> memref<250x40xi32, #tpu.memory_space<hbm>>
      %dma_start3A_124 = arith.constant 0 : i32
      %dma_start3A_125 = arith.constant 0 : i32
      %dma_start3A_126 = tpu.memref_slice %arg3[%add3A, %dma_start3A_124, %dma_start3A_125] : memref<32x250x40xi32, #tpu.memory_space<hbm>> -> memref<1x250x40xi32, #tpu.memory_space<hbm>>
      %dma_start3A_127 = tpu.memref_squeeze %dma_start3A_126 : memref<1x250x40xi32, #tpu.memory_space<hbm>> -> memref<250x40xi32, #tpu.memory_space<hbm>>
      tpu.enqueue_dma source(%dma_start3A_127 : memref<250x40xi32, #tpu.memory_space<hbm>>) target(%arg9 : memref<250x40xi32, #tpu.memory_space<vmem>>) target_semaphore(%run_scoped3A : memref<!tpu.dma_semaphore, #tpu.memory_space<semaphore_mem>>)
      %dma_wait3A_128 = arith.constant 0 : i32
      %dma_wait3A_129 = arith.constant 0 : i32
      %dma_wait3A_130 = tpu.memref_slice %arg3[%add3A, %dma_wait3A_128, %dma_wait3A_129] : memref<32x250x40xi32, #tpu.memory_space<hbm>> -> memref<1x250x40xi32, #tpu.memory_space<hbm>>
      %dma_wait3A_131 = tpu.memref_squeeze %dma_wait3A_130 : memref<1x250x40xi32, #tpu.memory_space<hbm>> -> memref<250x40xi32, #tpu.memory_space<hbm>>
      %dma_wait3A_132 = arith.constant 0 : i32
      %dma_wait3A_133 = arith.constant 0 : i32
      %dma_wait3A_134 = tpu.memref_slice %arg3[%add3A, %dma_wait3A_132, %dma_wait3A_133] : memref<32x250x40xi32, #tpu.memory_space<hbm>> -> memref<1x250x40xi32, #tpu.memory_space<hbm>>
      %dma_wait3A_135 = tpu.memref_squeeze %dma_wait3A_134 : memref<1x250x40xi32, #tpu.memory_space<hbm>> -> memref<250x40xi32, #tpu.memory_space<hbm>>
      tpu.wait_dma2 semaphore(%run_scoped3A : memref<!tpu.dma_semaphore, #tpu.memory_space<semaphore_mem>>) src(%dma_wait3A_135 : memref<250x40xi32, #tpu.memory_space<hbm>>) dst(%arg9 : memref<250x40xi32, #tpu.memory_space<vmem>>)
      tpu.yield
    }) : () -> ()
    %scan3A = arith.constant 0 : i32
    %scan3A_3 = arith.constant 0 : i32
    %scan3A_4 = arith.constant 40 : i32
    %scan3A_5 = arith.addi %scan3A_3, %scan3A_4 : i32
    %scan3A_6 = arith.constant 1 : i32
    scf.for %scan3A_120 = %scan3A_3 to %scan3A_5 step %scan3A_6  : i32 {
      %broadcast_in_dim3A = arith.constant 0.000000e+00 : f32
      %broadcast_in_dim3A_121 = vector.broadcast %broadcast_in_dim3A : f32 to vector<16xf32>
      %swap3A = arith.index_cast %scan3A_120 : i32 to index
      %swap3A_122 = arith.constant 16 : index
      %swap3A_123 = tpu.vector_load %arg15[%swap3A, %swap3A_122] {strides = array<i32>} : memref<40x128xf32, #tpu.memory_space<vmem>>, vector<1x16xf32>,
      %swap3A_124 = vector.shape_cast %swap3A_123 : vector<1x16xf32> to vector<16xf32>
      %swap3A_125 = vector.shape_cast %broadcast_in_dim3A_121 : vector<16xf32> to vector<1x16xf32>
      tpu.vector_store %arg15[%swap3A, %swap3A_122], %swap3A_125 {strides = array<i32>} : memref<40x128xf32, #tpu.memory_space<vmem>>, vector<1x16xf32>,
      %broadcast_in_dim3A_126 = arith.constant 0.000000e+00 : f32
      %broadcast_in_dim3A_127 = vector.broadcast %broadcast_in_dim3A_126 : f32 to vector<16xf32>
      %swap3A_128 = arith.index_cast %scan3A_120 : i32 to index
      %swap3A_129 = arith.constant 32 : index
      %swap3A_130 = tpu.vector_load %arg15[%swap3A_128, %swap3A_129] {strides = array<i32>} : memref<40x128xf32, #tpu.memory_space<vmem>>, vector<1x16xf32>,
      %swap3A_131 = vector.shape_cast %swap3A_130 : vector<1x16xf32> to vector<16xf32>
      %swap3A_132 = vector.shape_cast %broadcast_in_dim3A_127 : vector<16xf32> to vector<1x16xf32>
      tpu.vector_store %arg15[%swap3A_128, %swap3A_129], %swap3A_132 {strides = array<i32>} : memref<40x128xf32, #tpu.memory_space<vmem>>, vector<1x16xf32>,
      %broadcast_in_dim3A_133 = arith.constant 0.000000e+00 : f32
      %broadcast_in_dim3A_134 = vector.broadcast %broadcast_in_dim3A_133 : f32 to vector<16xf32>
      %swap3A_135 = arith.index_cast %scan3A_120 : i32 to index
      %swap3A_136 = arith.constant 48 : index
      %swap3A_137 = tpu.vector_load %arg15[%swap3A_135, %swap3A_136] {strides = array<i32>} : memref<40x128xf32, #tpu.memory_space<vmem>>, vector<1x16xf32>,
      %swap3A_138 = vector.shape_cast %swap3A_137 : vector<1x16xf32> to vector<16xf32>
      %swap3A_139 = vector.shape_cast %broadcast_in_dim3A_134 : vector<16xf32> to vector<1x16xf32>
      tpu.vector_store %arg15[%swap3A_135, %swap3A_136], %swap3A_139 {strides = array<i32>} : memref<40x128xf32, #tpu.memory_space<vmem>>, vector<1x16xf32>,
      %broadcast_in_dim3A_140 = arith.constant 0.000000e+00 : f32
      %broadcast_in_dim3A_141 = vector.broadcast %broadcast_in_dim3A_140 : f32 to vector<16xf32>
      %swap3A_142 = arith.index_cast %scan3A_120 : i32 to index
      %swap3A_143 = arith.constant 64 : index
      %swap3A_144 = tpu.vector_load %arg15[%swap3A_142, %swap3A_143] {strides = array<i32>} : memref<40x128xf32, #tpu.memory_space<vmem>>, vector<1x16xf32>,
      %swap3A_145 = vector.shape_cast %swap3A_144 : vector<1x16xf32> to vector<16xf32>
      %swap3A_146 = vector.shape_cast %broadcast_in_dim3A_141 : vector<16xf32> to vector<1x16xf32>
      tpu.vector_store %arg15[%swap3A_142, %swap3A_143], %swap3A_146 {strides = array<i32>} : memref<40x128xf32, #tpu.memory_space<vmem>>, vector<1x16xf32>,
      %broadcast_in_dim3A_147 = arith.constant 0.000000e+00 : f32
      %broadcast_in_dim3A_148 = vector.broadcast %broadcast_in_dim3A_147 : f32 to vector<16xf32>
      %swap3A_149 = arith.index_cast %scan3A_120 : i32 to index
      %swap3A_150 = arith.constant 80 : index
      %swap3A_151 = tpu.vector_load %arg15[%swap3A_149, %swap3A_150] {strides = array<i32>} : memref<40x128xf32, #tpu.memory_space<vmem>>, vector<1x16xf32>,
      %swap3A_152 = vector.shape_cast %swap3A_151 : vector<1x16xf32> to vector<16xf32>
      %swap3A_153 = vector.shape_cast %broadcast_in_dim3A_148 : vector<16xf32> to vector<1x16xf32>
      tpu.vector_store %arg15[%swap3A_149, %swap3A_150], %swap3A_153 {strides = array<i32>} : memref<40x128xf32, #tpu.memory_space<vmem>>, vector<1x16xf32>,
      %broadcast_in_dim3A_154 = arith.constant 0.000000e+00 : f32
      %broadcast_in_dim3A_155 = vector.broadcast %broadcast_in_dim3A_154 : f32 to vector<16xf32>
      %swap3A_156 = arith.index_cast %scan3A_120 : i32 to index
      %swap3A_157 = arith.constant 96 : index
      %swap3A_158 = tpu.vector_load %arg15[%swap3A_156, %swap3A_157] {strides = array<i32>} : memref<40x128xf32, #tpu.memory_space<vmem>>, vector<1x16xf32>,
      %swap3A_159 = vector.shape_cast %swap3A_158 : vector<1x16xf32> to vector<16xf32>
      %swap3A_160 = vector.shape_cast %broadcast_in_dim3A_155 : vector<16xf32> to vector<1x16xf32>
      tpu.vector_store %arg15[%swap3A_156, %swap3A_157], %swap3A_160 {strides = array<i32>} : memref<40x128xf32, #tpu.memory_space<vmem>>, vector<1x16xf32>,
      %broadcast_in_dim3A_161 = arith.constant 0.000000e+00 : f32
      %broadcast_in_dim3A_162 = vector.broadcast %broadcast_in_dim3A_161 : f32 to vector<16xf32>
      %swap3A_163 = arith.index_cast %scan3A_120 : i32 to index
      %swap3A_164 = arith.constant 112 : index
      %swap3A_165 = tpu.vector_load %arg15[%swap3A_163, %swap3A_164] {strides = array<i32>} : memref<40x128xf32, #tpu.memory_space<vmem>>, vector<1x16xf32>,
      %swap3A_166 = vector.shape_cast %swap3A_165 : vector<1x16xf32> to vector<16xf32>
      %swap3A_167 = vector.shape_cast %broadcast_in_dim3A_162 : vector<16xf32> to vector<1x16xf32>
      tpu.vector_store %arg15[%swap3A_163, %swap3A_164], %swap3A_167 {strides = array<i32>} : memref<40x128xf32, #tpu.memory_space<vmem>>, vector<1x16xf32>,
    }
    %scan3A_7 = arith.constant 40 : i32
    %dma_start3A = arith.constant 0 : i32
    %dma_start3A_8 = arith.constant 0 : i32
    %dma_start3A_9 = tpu.memref_slice %arg8[%dma_start3A, %dma_start3A_8] : memref<250x40xi32, #tpu.memory_space<vmem>> -> memref<1x40xi32, #tpu.memory_space<vmem>>
    %dma_start3A_10 = tpu.memref_squeeze %dma_start3A_9 : memref<1x40xi32, #tpu.memory_space<vmem>> -> memref<40xi32, #tpu.memory_space<vmem>>
    %dma_start3A_11 = arith.constant 0 : i32
    %dma_start3A_12 = arith.constant 0 : i32
    %dma_start3A_13 = tpu.memref_slice %arg4[%dma_start3A_11, %dma_start3A_12] : memref<10000x256xf32, #tpu.memory_space<hbm>> -> memref<10000x256xf32, #tpu.memory_space<hbm>>
    tpu.enqueue_indirect_dma source(%dma_start3A_13 : memref<10000x256xf32, #tpu.memory_space<hbm>>) target(%arg10 : memref<40x256xf32, #tpu.memory_space<vmem>>) offsets(%dma_start3A_10 : memref<40xi32, #tpu.memory_space<vmem>>) semaphore(%arg16 : memref<!tpu.dma_semaphore, #tpu.memory_space<semaphore_mem>>)
    %dma_start3A_14 = arith.constant 0 : i32
    %dma_start3A_15 = arith.constant 0 : i32
    %dma_start3A_16 = tpu.memref_slice %arg9[%dma_start3A_14, %dma_start3A_15] : memref<250x40xi32, #tpu.memory_space<vmem>> -> memref<1x40xi32, #tpu.memory_space<vmem>>
    %dma_start3A_17 = tpu.memref_squeeze %dma_start3A_16 : memref<1x40xi32, #tpu.memory_space<vmem>> -> memref<40xi32, #tpu.memory_space<vmem>>
    %dma_start3A_18 = arith.constant 0 : i32
    %dma_start3A_19 = arith.constant 0 : i32
    %dma_start3A_20 = tpu.memref_slice %arg5[%dma_start3A_18, %dma_start3A_19] : memref<10000x256xf32, #tpu.memory_space<hbm>> -> memref<10000x256xf32, #tpu.memory_space<hbm>>
    tpu.enqueue_indirect_dma source(%dma_start3A_20 : memref<10000x256xf32, #tpu.memory_space<hbm>>) target(%arg11 : memref<40x256xf32, #tpu.memory_space<vmem>>) offsets(%dma_start3A_17 : memref<40xi32, #tpu.memory_space<vmem>>) semaphore(%arg17 : memref<!tpu.dma_semaphore, #tpu.memory_space<semaphore_mem>>)
    %dma_wait3A = arith.constant 0 : i32
    %dma_wait3A_21 = arith.constant 0 : i32
    %dma_wait3A_22 = tpu.memref_slice %arg8[%dma_wait3A, %dma_wait3A_21] : memref<250x40xi32, #tpu.memory_space<vmem>> -> memref<1x40xi32, #tpu.memory_space<vmem>>
    %dma_wait3A_23 = tpu.memref_squeeze %dma_wait3A_22 : memref<1x40xi32, #tpu.memory_space<vmem>> -> memref<40xi32, #tpu.memory_space<vmem>>
    %dma_wait3A_24 = arith.constant 0 : i32
    %dma_wait3A_25 = arith.constant 0 : i32
    %dma_wait3A_26 = tpu.memref_slice %arg4[%dma_wait3A_24, %dma_wait3A_25] : memref<10000x256xf32, #tpu.memory_space<hbm>> -> memref<10000x256xf32, #tpu.memory_space<hbm>>
    tpu.wait_indirect_dma semaphore(%arg16 : memref<!tpu.dma_semaphore, #tpu.memory_space<semaphore_mem>>) src(%dma_wait3A_26 : memref<10000x256xf32, #tpu.memory_space<hbm>>) dst(%arg10 : memref<40x256xf32, #tpu.memory_space<vmem>>)
    %dma_wait3A_27 = arith.constant 0 : i32
    %dma_wait3A_28 = arith.constant 0 : i32
    %dma_wait3A_29 = tpu.memref_slice %arg9[%dma_wait3A_27, %dma_wait3A_28] : memref<250x40xi32, #tpu.memory_space<vmem>> -> memref<1x40xi32, #tpu.memory_space<vmem>>
    %dma_wait3A_30 = tpu.memref_squeeze %dma_wait3A_29 : memref<1x40xi32, #tpu.memory_space<vmem>> -> memref<40xi32, #tpu.memory_space<vmem>>
    %dma_wait3A_31 = arith.constant 0 : i32
    %dma_wait3A_32 = arith.constant 0 : i32
    %dma_wait3A_33 = tpu.memref_slice %arg5[%dma_wait3A_31, %dma_wait3A_32] : memref<10000x256xf32, #tpu.memory_space<hbm>> -> memref<10000x256xf32, #tpu.memory_space<hbm>>
    tpu.wait_indirect_dma semaphore(%arg17 : memref<!tpu.dma_semaphore, #tpu.memory_space<semaphore_mem>>) src(%dma_wait3A_33 : memref<10000x256xf32, #tpu.memory_space<hbm>>) dst(%arg11 : memref<40x256xf32, #tpu.memory_space<vmem>>)
    %dma_start3A_34 = arith.constant 1 : i32
    %dma_start3A_35 = arith.constant 0 : i32
    %dma_start3A_36 = tpu.memref_slice %arg8[%dma_start3A_34, %dma_start3A_35] : memref<250x40xi32, #tpu.memory_space<vmem>> -> memref<1x40xi32, #tpu.memory_space<vmem>>
    %dma_start3A_37 = tpu.memref_squeeze %dma_start3A_36 : memref<1x40xi32, #tpu.memory_space<vmem>> -> memref<40xi32, #tpu.memory_space<vmem>>
    %dma_start3A_38 = arith.constant 0 : i32
    %dma_start3A_39 = arith.constant 0 : i32
    %dma_start3A_40 = tpu.memref_slice %arg4[%dma_start3A_38, %dma_start3A_39] : memref<10000x256xf32, #tpu.memory_space<hbm>> -> memref<10000x256xf32, #tpu.memory_space<hbm>>
    tpu.enqueue_indirect_dma source(%dma_start3A_40 : memref<10000x256xf32, #tpu.memory_space<hbm>>) target(%arg12 : memref<40x256xf32, #tpu.memory_space<vmem>>) offsets(%dma_start3A_37 : memref<40xi32, #tpu.memory_space<vmem>>) semaphore(%arg18 : memref<!tpu.dma_semaphore, #tpu.memory_space<semaphore_mem>>)
    %dma_start3A_41 = arith.constant 1 : i32
    %dma_start3A_42 = arith.constant 0 : i32
    %dma_start3A_43 = tpu.memref_slice %arg9[%dma_start3A_41, %dma_start3A_42] : memref<250x40xi32, #tpu.memory_space<vmem>> -> memref<1x40xi32, #tpu.memory_space<vmem>>
    %dma_start3A_44 = tpu.memref_squeeze %dma_start3A_43 : memref<1x40xi32, #tpu.memory_space<vmem>> -> memref<40xi32, #tpu.memory_space<vmem>>
    %dma_start3A_45 = arith.constant 0 : i32
    %dma_start3A_46 = arith.constant 0 : i32
    %dma_start3A_47 = tpu.memref_slice %arg5[%dma_start3A_45, %dma_start3A_46] : memref<10000x256xf32, #tpu.memory_space<hbm>> -> memref<10000x256xf32, #tpu.memory_space<hbm>>
    tpu.enqueue_indirect_dma source(%dma_start3A_47 : memref<10000x256xf32, #tpu.memory_space<hbm>>) target(%arg13 : memref<40x256xf32, #tpu.memory_space<vmem>>) offsets(%dma_start3A_44 : memref<40xi32, #tpu.memory_space<vmem>>) semaphore(%arg19 : memref<!tpu.dma_semaphore, #tpu.memory_space<semaphore_mem>>)
    %scan3A_48 = arith.constant 0 : i32
    %scan3A_49 = arith.constant 0 : i32
    %scan3A_50 = arith.constant 40 : i32
    %scan3A_51 = arith.addi %scan3A_49, %scan3A_50 : i32
    %scan3A_52 = arith.constant 1 : i32
    scf.for %scan3A_120 = %scan3A_49 to %scan3A_51 step %scan3A_52  : i32 {
      %get3A = arith.index_cast %scan3A_120 : i32 to index
      %get3A_121 = arith.constant 0 : index
      %get3A_122 = tpu.vector_load %arg10[%get3A, %get3A_121] {strides = array<i32>} : memref<40x256xf32, #tpu.memory_space<vmem>>, vector<1x16xf32>,
      %get3A_123 = vector.shape_cast %get3A_122 : vector<1x16xf32> to vector<16xf32>
      %get3A_124 = arith.index_cast %scan3A_120 : i32 to index
      %get3A_125 = arith.constant 0 : index
      %get3A_126 = tpu.vector_load %arg11[%get3A_124, %get3A_125] {strides = array<i32>} : memref<40x256xf32, #tpu.memory_space<vmem>>, vector<1x16xf32>,
      %get3A_127 = vector.shape_cast %get3A_126 : vector<1x16xf32> to vector<16xf32>
      %add3A_128 = arith.addf %get3A_123, %get3A_127 : vector<16xf32>
      %swap3A = arith.index_cast %scan3A_120 : i32 to index
      %swap3A_129 = arith.constant 0 : index
      %swap3A_130 = tpu.vector_load %arg14[%swap3A, %swap3A_129] {strides = array<i32>} : memref<40x128xf32, #tpu.memory_space<vmem>>, vector<1x16xf32>,
      %swap3A_131 = vector.shape_cast %swap3A_130 : vector<1x16xf32> to vector<16xf32>
      %swap3A_132 = vector.shape_cast %add3A_128 : vector<16xf32> to vector<1x16xf32>
      tpu.vector_store %arg14[%swap3A, %swap3A_129], %swap3A_132 {strides = array<i32>} : memref<40x128xf32, #tpu.memory_space<vmem>>, vector<1x16xf32>,
      %get3A_133 = arith.index_cast %scan3A_120 : i32 to index
      %get3A_134 = arith.constant 16 : index
      %get3A_135 = tpu.vector_load %arg10[%get3A_133, %get3A_134] {strides = array<i32>} : memref<40x256xf32, #tpu.memory_space<vmem>>, vector<1x16xf32>,
      %get3A_136 = vector.shape_cast %get3A_135 : vector<1x16xf32> to vector<16xf32>
      %get3A_137 = arith.index_cast %scan3A_120 : i32 to index
      %get3A_138 = arith.constant 16 : index
      %get3A_139 = tpu.vector_load %arg11[%get3A_137, %get3A_138] {strides = array<i32>} : memref<40x256xf32, #tpu.memory_space<vmem>>, vector<1x16xf32>,
      %get3A_140 = vector.shape_cast %get3A_139 : vector<1x16xf32> to vector<16xf32>
      %add3A_141 = arith.addf %get3A_136, %get3A_140 : vector<16xf32>
      %swap3A_142 = arith.index_cast %scan3A_120 : i32 to index
      %swap3A_143 = arith.constant 16 : index
      %swap3A_144 = tpu.vector_load %arg14[%swap3A_142, %swap3A_143] {strides = array<i32>} : memref<40x128xf32, #tpu.memory_space<vmem>>, vector<1x16xf32>,
      %swap3A_145 = vector.shape_cast %swap3A_144 : vector<1x16xf32> to vector<16xf32>
      %swap3A_146 = vector.shape_cast %add3A_141 : vector<16xf32> to vector<1x16xf32>
      tpu.vector_store %arg14[%swap3A_142, %swap3A_143], %swap3A_146 {strides = array<i32>} : memref<40x128xf32, #tpu.memory_space<vmem>>, vector<1x16xf32>,
      %get3A_147 = arith.index_cast %scan3A_120 : i32 to index
      %get3A_148 = arith.constant 32 : index
      %get3A_149 = tpu.vector_load %arg10[%get3A_147, %get3A_148] {strides = array<i32>} : memref<40x256xf32, #tpu.memory_space<vmem>>, vector<1x16xf32>,
      %get3A_150 = vector.shape_cast %get3A_149 : vector<1x16xf32> to vector<16xf32>
      %get3A_151 = arith.index_cast %scan3A_120 : i32 to index
      %get3A_152 = arith.constant 32 : index
      %get3A_153 = tpu.vector_load %arg11[%get3A_151, %get3A_152] {strides = array<i32>} : memref<40x256xf32, #tpu.memory_space<vmem>>, vector<1x16xf32>,
      %get3A_154 = vector.shape_cast %get3A_153 : vector<1x16xf32> to vector<16xf32>
      %add3A_155 = arith.addf %get3A_150, %get3A_154 : vector<16xf32>
      %swap3A_156 = arith.index_cast %scan3A_120 : i32 to index
      %swap3A_157 = arith.constant 32 : index
      %swap3A_158 = tpu.vector_load %arg14[%swap3A_156, %swap3A_157] {strides = array<i32>} : memref<40x128xf32, #tpu.memory_space<vmem>>, vector<1x16xf32>,
      %swap3A_159 = vector.shape_cast %swap3A_158 : vector<1x16xf32> to vector<16xf32>
      %swap3A_160 = vector.shape_cast %add3A_155 : vector<16xf32> to vector<1x16xf32>
      tpu.vector_store %arg14[%swap3A_156, %swap3A_157], %swap3A_160 {strides = array<i32>} : memref<40x128xf32, #tpu.memory_space<vmem>>, vector<1x16xf32>,
      %get3A_161 = arith.index_cast %scan3A_120 : i32 to index
      %get3A_162 = arith.constant 48 : index
      %get3A_163 = tpu.vector_load %arg10[%get3A_161, %get3A_162] {strides = array<i32>} : memref<40x256xf32, #tpu.memory_space<vmem>>, vector<1x16xf32>,
      %get3A_164 = vector.shape_cast %get3A_163 : vector<1x16xf32> to vector<16xf32>
      %get3A_165 = arith.index_cast %scan3A_120 : i32 to index
      %get3A_166 = arith.constant 48 : index
      %get3A_167 = tpu.vector_load %arg11[%get3A_165, %get3A_166] {strides = array<i32>} : memref<40x256xf32, #tpu.memory_space<vmem>>, vector<1x16xf32>,
      %get3A_168 = vector.shape_cast %get3A_167 : vector<1x16xf32> to vector<16xf32>
      %add3A_169 = arith.addf %get3A_164, %get3A_168 : vector<16xf32>
      %swap3A_170 = arith.index_cast %scan3A_120 : i32 to index
      %swap3A_171 = arith.constant 48 : index
      %swap3A_172 = tpu.vector_load %arg14[%swap3A_170, %swap3A_171] {strides = array<i32>} : memref<40x128xf32, #tpu.memory_space<vmem>>, vector<1x16xf32>,
      %swap3A_173 = vector.shape_cast %swap3A_172 : vector<1x16xf32> to vector<16xf32>
      %swap3A_174 = vector.shape_cast %add3A_169 : vector<16xf32> to vector<1x16xf32>
      tpu.vector_store %arg14[%swap3A_170, %swap3A_171], %swap3A_174 {strides = array<i32>} : memref<40x128xf32, #tpu.memory_space<vmem>>, vector<1x16xf32>,
      %get3A_175 = arith.index_cast %scan3A_120 : i32 to index
      %get3A_176 = arith.constant 64 : index
      %get3A_177 = tpu.vector_load %arg10[%get3A_175, %get3A_176] {strides = array<i32>} : memref<40x256xf32, #tpu.memory_space<vmem>>, vector<1x16xf32>,
      %get3A_178 = vector.shape_cast %get3A_177 : vector<1x16xf32> to vector<16xf32>
      %get3A_179 = arith.index_cast %scan3A_120 : i32 to index
      %get3A_180 = arith.constant 64 : index
      %get3A_181 = tpu.vector_load %arg11[%get3A_179, %get3A_180] {strides = array<i32>} : memref<40x256xf32, #tpu.memory_space<vmem>>, vector<1x16xf32>,
      %get3A_182 = vector.shape_cast %get3A_181 : vector<1x16xf32> to vector<16xf32>
      %add3A_183 = arith.addf %get3A_178, %get3A_182 : vector<16xf32>
      %swap3A_184 = arith.index_cast %scan3A_120 : i32 to index
      %swap3A_185 = arith.constant 64 : index
      %swap3A_186 = tpu.vector_load %arg14[%swap3A_184, %swap3A_185] {strides = array<i32>} : memref<40x128xf32, #tpu.memory_space<vmem>>, vector<1x16xf32>,
      %swap3A_187 = vector.shape_cast %swap3A_186 : vector<1x16xf32> to vector<16xf32>
      %swap3A_188 = vector.shape_cast %add3A_183 : vector<16xf32> to vector<1x16xf32>
      tpu.vector_store %arg14[%swap3A_184, %swap3A_185], %swap3A_188 {strides = array<i32>} : memref<40x128xf32, #tpu.memory_space<vmem>>, vector<1x16xf32>,
      %get3A_189 = arith.index_cast %scan3A_120 : i32 to index
      %get3A_190 = arith.constant 80 : index
      %get3A_191 = tpu.vector_load %arg10[%get3A_189, %get3A_190] {strides = array<i32>} : memref<40x256xf32, #tpu.memory_space<vmem>>, vector<1x16xf32>,
      %get3A_192 = vector.shape_cast %get3A_191 : vector<1x16xf32> to vector<16xf32>
      %get3A_193 = arith.index_cast %scan3A_120 : i32 to index
      %get3A_194 = arith.constant 80 : index
      %get3A_195 = tpu.vector_load %arg11[%get3A_193, %get3A_194] {strides = array<i32>} : memref<40x256xf32, #tpu.memory_space<vmem>>, vector<1x16xf32>,
      %get3A_196 = vector.shape_cast %get3A_195 : vector<1x16xf32> to vector<16xf32>
      %add3A_197 = arith.addf %get3A_192, %get3A_196 : vector<16xf32>
      %swap3A_198 = arith.index_cast %scan3A_120 : i32 to index
      %swap3A_199 = arith.constant 80 : index
      %swap3A_200 = tpu.vector_load %arg14[%swap3A_198, %swap3A_199] {strides = array<i32>} : memref<40x128xf32, #tpu.memory_space<vmem>>, vector<1x16xf32>,
      %swap3A_201 = vector.shape_cast %swap3A_200 : vector<1x16xf32> to vector<16xf32>
      %swap3A_202 = vector.shape_cast %add3A_197 : vector<16xf32> to vector<1x16xf32>
      tpu.vector_store %arg14[%swap3A_198, %swap3A_199], %swap3A_202 {strides = array<i32>} : memref<40x128xf32, #tpu.memory_space<vmem>>, vector<1x16xf32>,
      %get3A_203 = arith.index_cast %scan3A_120 : i32 to index
      %get3A_204 = arith.constant 96 : index
      %get3A_205 = tpu.vector_load %arg10[%get3A_203, %get3A_204] {strides = array<i32>} : memref<40x256xf32, #tpu.memory_space<vmem>>, vector<1x16xf32>,
      %get3A_206 = vector.shape_cast %get3A_205 : vector<1x16xf32> to vector<16xf32>
      %get3A_207 = arith.index_cast %scan3A_120 : i32 to index
      %get3A_208 = arith.constant 96 : index
      %get3A_209 = tpu.vector_load %arg11[%get3A_207, %get3A_208] {strides = array<i32>} : memref<40x256xf32, #tpu.memory_space<vmem>>, vector<1x16xf32>,
      %get3A_210 = vector.shape_cast %get3A_209 : vector<1x16xf32> to vector<16xf32>
      %add3A_211 = arith.addf %get3A_206, %get3A_210 : vector<16xf32>
      %swap3A_212 = arith.index_cast %scan3A_120 : i32 to index
      %swap3A_213 = arith.constant 96 : index
      %swap3A_214 = tpu.vector_load %arg14[%swap3A_212, %swap3A_213] {strides = array<i32>} : memref<40x128xf32, #tpu.memory_space<vmem>>, vector<1x16xf32>,
      %swap3A_215 = vector.shape_cast %swap3A_214 : vector<1x16xf32> to vector<16xf32>
      %swap3A_216 = vector.shape_cast %add3A_211 : vector<16xf32> to vector<1x16xf32>
      tpu.vector_store %arg14[%swap3A_212, %swap3A_213], %swap3A_216 {strides = array<i32>} : memref<40x128xf32, #tpu.memory_space<vmem>>, vector<1x16xf32>,
      %get3A_217 = arith.index_cast %scan3A_120 : i32 to index
      %get3A_218 = arith.constant 112 : index
      %get3A_219 = tpu.vector_load %arg10[%get3A_217, %get3A_218] {strides = array<i32>} : memref<40x256xf32, #tpu.memory_space<vmem>>, vector<1x16xf32>,
      %get3A_220 = vector.shape_cast %get3A_219 : vector<1x16xf32> to vector<16xf32>
      %get3A_221 = arith.index_cast %scan3A_120 : i32 to index
      %get3A_222 = arith.constant 112 : index
      %get3A_223 = tpu.vector_load %arg11[%get3A_221, %get3A_222] {strides = array<i32>} : memref<40x256xf32, #tpu.memory_space<vmem>>, vector<1x16xf32>,
      %get3A_224 = vector.shape_cast %get3A_223 : vector<1x16xf32> to vector<16xf32>
      %add3A_225 = arith.addf %get3A_220, %get3A_224 : vector<16xf32>
      %swap3A_226 = arith.index_cast %scan3A_120 : i32 to index
      %swap3A_227 = arith.constant 112 : index
      %swap3A_228 = tpu.vector_load %arg14[%swap3A_226, %swap3A_227] {strides = array<i32>} : memref<40x128xf32, #tpu.memory_space<vmem>>, vector<1x16xf32>,
      %swap3A_229 = vector.shape_cast %swap3A_228 : vector<1x16xf32> to vector<16xf32>
      %swap3A_230 = vector.shape_cast %add3A_225 : vector<16xf32> to vector<1x16xf32>
      tpu.vector_store %arg14[%swap3A_226, %swap3A_227], %swap3A_230 {strides = array<i32>} : memref<40x128xf32, #tpu.memory_space<vmem>>, vector<1x16xf32>,
      %get3A_231 = arith.index_cast %scan3A_120 : i32 to index
      %get3A_232 = arith.constant 128 : index
      %get3A_233 = tpu.vector_load %arg10[%get3A_231, %get3A_232] {strides = array<i32>} : memref<40x256xf32, #tpu.memory_space<vmem>>, vector<1x16xf32>,
      %get3A_234 = vector.shape_cast %get3A_233 : vector<1x16xf32> to vector<16xf32>
      %get3A_235 = arith.index_cast %scan3A_120 : i32 to index
      %get3A_236 = arith.constant 128 : index
      %get3A_237 = tpu.vector_load %arg11[%get3A_235, %get3A_236] {strides = array<i32>} : memref<40x256xf32, #tpu.memory_space<vmem>>, vector<1x16xf32>,
      %get3A_238 = vector.shape_cast %get3A_237 : vector<1x16xf32> to vector<16xf32>
      %sub3A = arith.subf %get3A_234, %get3A_238 : vector<16xf32>
      %swap3A_239 = arith.index_cast %scan3A_120 : i32 to index
      %swap3A_240 = arith.constant 0 : index
      %swap3A_241 = tpu.vector_load %arg15[%swap3A_239, %swap3A_240] {strides = array<i32>} : memref<40x128xf32, #tpu.memory_space<vmem>>, vector<1x16xf32>,
      %swap3A_242 = vector.shape_cast %swap3A_241 : vector<1x16xf32> to vector<16xf32>
      %swap3A_243 = vector.shape_cast %sub3A : vector<16xf32> to vector<1x16xf32>
      tpu.vector_store %arg15[%swap3A_239, %swap3A_240], %swap3A_243 {strides = array<i32>} : memref<40x128xf32, #tpu.memory_space<vmem>>, vector<1x16xf32>,
    }
    %scan3A_53 = arith.constant 40 : i32
    %add3A_54 = arith.constant 0 : i32
    %add3A_55 = arith.addi %mul3A_2, %add3A_54 : i32
    %dma_start3A_56 = arith.constant 0 : i32
    %dma_start3A_57 = tpu.memref_slice %arg6[%add3A_55, %dma_start3A_56] : memref<320000x128xf32, #tpu.memory_space<hbm>> -> memref<40x128xf32, #tpu.memory_space<hbm>>
    %dma_start3A_58 = arith.constant 0 : i32
    %dma_start3A_59 = tpu.memref_slice %arg6[%add3A_55, %dma_start3A_58] : memref<320000x128xf32, #tpu.memory_space<hbm>> -> memref<40x128xf32, #tpu.memory_space<hbm>>
    tpu.enqueue_dma source(%arg14 : memref<40x128xf32, #tpu.memory_space<vmem>>) target(%dma_start3A_59 : memref<40x128xf32, #tpu.memory_space<hbm>>) target_semaphore(%arg20 : memref<!tpu.dma_semaphore, #tpu.memory_space<semaphore_mem>>)
    %dma_start3A_60 = arith.constant 0 : i32
    %dma_start3A_61 = tpu.memref_slice %arg7[%add3A_55, %dma_start3A_60] : memref<320000x128xf32, #tpu.memory_space<hbm>> -> memref<40x128xf32, #tpu.memory_space<hbm>>
    %dma_start3A_62 = arith.constant 0 : i32
    %dma_start3A_63 = tpu.memref_slice %arg7[%add3A_55, %dma_start3A_62] : memref<320000x128xf32, #tpu.memory_space<hbm>> -> memref<40x128xf32, #tpu.memory_space<hbm>>
    tpu.enqueue_dma source(%arg15 : memref<40x128xf32, #tpu.memory_space<vmem>>) target(%dma_start3A_63 : memref<40x128xf32, #tpu.memory_space<hbm>>) target_semaphore(%arg20 : memref<!tpu.dma_semaphore, #tpu.memory_space<semaphore_mem>>)
    %scan3A_64 = arith.constant 0 : i32
    %scan3A_65 = arith.constant 0 : i32
    %scan3A_66 = arith.constant 124 : i32
    %scan3A_67 = arith.addi %scan3A_65, %scan3A_66 : i32
    %scan3A_68 = arith.constant 1 : i32
    scf.for %scan3A_120 = %scan3A_65 to %scan3A_67 step %scan3A_68  : i32 {
      %mul3A_121 = arith.constant 2 : i32
      %mul3A_122 = arith.muli %mul3A_121, %scan3A_120 : i32
      %add3A_123 = arith.constant 1 : i32
      %add3A_124 = arith.addi %mul3A_122, %add3A_123 : i32
      %dma_wait3A_125 = arith.constant 0 : i32
      %dma_wait3A_126 = arith.constant 0 : i32
      %dma_wait3A_127 = tpu.memref_slice %arg8[%dma_wait3A_125, %dma_wait3A_126] : memref<250x40xi32, #tpu.memory_space<vmem>> -> memref<1x40xi32, #tpu.memory_space<vmem>>
      %dma_wait3A_128 = tpu.memref_squeeze %dma_wait3A_127 : memref<1x40xi32, #tpu.memory_space<vmem>> -> memref<40xi32, #tpu.memory_space<vmem>>
      %dma_wait3A_129 = arith.constant 0 : i32
      %dma_wait3A_130 = arith.constant 0 : i32
      %dma_wait3A_131 = tpu.memref_slice %arg4[%dma_wait3A_129, %dma_wait3A_130] : memref<10000x256xf32, #tpu.memory_space<hbm>> -> memref<10000x256xf32, #tpu.memory_space<hbm>>
      tpu.wait_indirect_dma semaphore(%arg18 : memref<!tpu.dma_semaphore, #tpu.memory_space<semaphore_mem>>) src(%dma_wait3A_131 : memref<10000x256xf32, #tpu.memory_space<hbm>>) dst(%arg12 : memref<40x256xf32, #tpu.memory_space<vmem>>)
      %dma_wait3A_132 = arith.constant 0 : i32
      %dma_wait3A_133 = arith.constant 0 : i32
      %dma_wait3A_134 = tpu.memref_slice %arg9[%dma_wait3A_132, %dma_wait3A_133] : memref<250x40xi32, #tpu.memory_space<vmem>> -> memref<1x40xi32, #tpu.memory_space<vmem>>
      %dma_wait3A_135 = tpu.memref_squeeze %dma_wait3A_134 : memref<1x40xi32, #tpu.memory_space<vmem>> -> memref<40xi32, #tpu.memory_space<vmem>>
      %dma_wait3A_136 = arith.constant 0 : i32
      %dma_wait3A_137 = arith.constant 0 : i32
      %dma_wait3A_138 = tpu.memref_slice %arg5[%dma_wait3A_136, %dma_wait3A_137] : memref<10000x256xf32, #tpu.memory_space<hbm>> -> memref<10000x256xf32, #tpu.memory_space<hbm>>
      tpu.wait_indirect_dma semaphore(%arg19 : memref<!tpu.dma_semaphore, #tpu.memory_space<semaphore_mem>>) src(%dma_wait3A_138 : memref<10000x256xf32, #tpu.memory_space<hbm>>) dst(%arg13 : memref<40x256xf32, #tpu.memory_space<vmem>>)
      %add3A_139 = arith.constant 1 : i32
      %add3A_140 = arith.addi %add3A_124, %add3A_139 : i32
      %min3A = arith.constant 249 : i32
      %min3A_141 = arith.minsi %add3A_140, %min3A : i32
      %dma_start3A_142 = arith.constant 0 : i32
      %dma_start3A_143 = tpu.memref_slice %arg8[%min3A_141, %dma_start3A_142] : memref<250x40xi32, #tpu.memory_space<vmem>> -> memref<1x40xi32, #tpu.memory_space<vmem>>
      %dma_start3A_144 = tpu.memref_squeeze %dma_start3A_143 : memref<1x40xi32, #tpu.memory_space<vmem>> -> memref<40xi32, #tpu.memory_space<vmem>>
      %dma_start3A_145 = arith.constant 0 : i32
      %dma_start3A_146 = arith.constant 0 : i32
      %dma_start3A_147 = tpu.memref_slice %arg4[%dma_start3A_145, %dma_start3A_146] : memref<10000x256xf32, #tpu.memory_space<hbm>> -> memref<10000x256xf32, #tpu.memory_space<hbm>>
      tpu.enqueue_indirect_dma source(%dma_start3A_147 : memref<10000x256xf32, #tpu.memory_space<hbm>>) target(%arg10 : memref<40x256xf32, #tpu.memory_space<vmem>>) offsets(%dma_start3A_144 : memref<40xi32, #tpu.memory_space<vmem>>) semaphore(%arg16 : memref<!tpu.dma_semaphore, #tpu.memory_space<semaphore_mem>>)
      %dma_start3A_148 = arith.constant 0 : i32
      %dma_start3A_149 = tpu.memref_slice %arg9[%min3A_141, %dma_start3A_148] : memref<250x40xi32, #tpu.memory_space<vmem>> -> memref<1x40xi32, #tpu.memory_space<vmem>>
      %dma_start3A_150 = tpu.memref_squeeze %dma_start3A_149 : memref<1x40xi32, #tpu.memory_space<vmem>> -> memref<40xi32, #tpu.memory_space<vmem>>
      %dma_start3A_151 = arith.constant 0 : i32
      %dma_start3A_152 = arith.constant 0 : i32
      %dma_start3A_153 = tpu.memref_slice %arg5[%dma_start3A_151, %dma_start3A_152] : memref<10000x256xf32, #tpu.memory_space<hbm>> -> memref<10000x256xf32, #tpu.memory_space<hbm>>
      tpu.enqueue_indirect_dma source(%dma_start3A_153 : memref<10000x256xf32, #tpu.memory_space<hbm>>) target(%arg11 : memref<40x256xf32, #tpu.memory_space<vmem>>) offsets(%dma_start3A_150 : memref<40xi32, #tpu.memory_space<vmem>>) semaphore(%arg17 : memref<!tpu.dma_semaphore, #tpu.memory_space<semaphore_mem>>)
      %sub3A = arith.constant 1 : i32
      %sub3A_154 = arith.subi %add3A_124, %sub3A : i32
      %mul3A_155 = arith.constant 40 : i32
      %mul3A_156 = arith.muli %sub3A_154, %mul3A_155 : i32
      %add3A_157 = arith.addi %mul3A_2, %mul3A_156 : i32
      %dma_wait3A_158 = arith.constant 0 : i32
      %dma_wait3A_159 = tpu.memref_slice %arg6[%add3A_157, %dma_wait3A_158] : memref<320000x128xf32, #tpu.memory_space<hbm>> -> memref<40x128xf32, #tpu.memory_space<hbm>>
      %dma_wait3A_160 = arith.constant 0 : i32
      %dma_wait3A_161 = tpu.memref_slice %arg6[%add3A_157, %dma_wait3A_160] : memref<320000x128xf32, #tpu.memory_space<hbm>> -> memref<40x128xf32, #tpu.memory_space<hbm>>
      tpu.wait_dma2 semaphore(%arg20 : memref<!tpu.dma_semaphore, #tpu.memory_space<semaphore_mem>>) src(%arg14 : memref<40x128xf32, #tpu.memory_space<vmem>>) dst(%dma_wait3A_161 : memref<40x128xf32, #tpu.memory_space<hbm>>)
      %dma_wait3A_162 = arith.constant 0 : i32
      %dma_wait3A_163 = tpu.memref_slice %arg7[%add3A_157, %dma_wait3A_162] : memref<320000x128xf32, #tpu.memory_space<hbm>> -> memref<40x128xf32, #tpu.memory_space<hbm>>
      %dma_wait3A_164 = arith.constant 0 : i32
      %dma_wait3A_165 = tpu.memref_slice %arg7[%add3A_157, %dma_wait3A_164] : memref<320000x128xf32, #tpu.memory_space<hbm>> -> memref<40x128xf32, #tpu.memory_space<hbm>>
      tpu.wait_dma2 semaphore(%arg20 : memref<!tpu.dma_semaphore, #tpu.memory_space<semaphore_mem>>) src(%arg15 : memref<40x128xf32, #tpu.memory_space<vmem>>) dst(%dma_wait3A_165 : memref<40x128xf32, #tpu.memory_space<hbm>>)
      %scan3A_166 = arith.constant 0 : i32
      %scan3A_167 = arith.constant 0 : i32
      %scan3A_168 = arith.constant 40 : i32
      %scan3A_169 = arith.addi %scan3A_167, %scan3A_168 : i32
      %scan3A_170 = arith.constant 1 : i32
      scf.for %scan3A_245 = %scan3A_167 to %scan3A_169 step %scan3A_170  : i32 {
        %get3A = arith.index_cast %scan3A_245 : i32 to index
        %get3A_246 = arith.constant 0 : index
        %get3A_247 = tpu.vector_load %arg12[%get3A, %get3A_246] {strides = array<i32>} : memref<40x256xf32, #tpu.memory_space<vmem>>, vector<1x16xf32>,
        %get3A_248 = vector.shape_cast %get3A_247 : vector<1x16xf32> to vector<16xf32>
        %get3A_249 = arith.index_cast %scan3A_245 : i32 to index
        %get3A_250 = arith.constant 0 : index
        %get3A_251 = tpu.vector_load %arg13[%get3A_249, %get3A_250] {strides = array<i32>} : memref<40x256xf32, #tpu.memory_space<vmem>>, vector<1x16xf32>,
        %get3A_252 = vector.shape_cast %get3A_251 : vector<1x16xf32> to vector<16xf32>
        %add3A_253 = arith.addf %get3A_248, %get3A_252 : vector<16xf32>
        %swap3A = arith.index_cast %scan3A_245 : i32 to index
        %swap3A_254 = arith.constant 0 : index
        %swap3A_255 = tpu.vector_load %arg14[%swap3A, %swap3A_254] {strides = array<i32>} : memref<40x128xf32, #tpu.memory_space<vmem>>, vector<1x16xf32>,
        %swap3A_256 = vector.shape_cast %swap3A_255 : vector<1x16xf32> to vector<16xf32>
        %swap3A_257 = vector.shape_cast %add3A_253 : vector<16xf32> to vector<1x16xf32>
        tpu.vector_store %arg14[%swap3A, %swap3A_254], %swap3A_257 {strides = array<i32>} : memref<40x128xf32, #tpu.memory_space<vmem>>, vector<1x16xf32>,
        %get3A_258 = arith.index_cast %scan3A_245 : i32 to index
        %get3A_259 = arith.constant 16 : index
        %get3A_260 = tpu.vector_load %arg12[%get3A_258, %get3A_259] {strides = array<i32>} : memref<40x256xf32, #tpu.memory_space<vmem>>, vector<1x16xf32>,
        %get3A_261 = vector.shape_cast %get3A_260 : vector<1x16xf32> to vector<16xf32>
        %get3A_262 = arith.index_cast %scan3A_245 : i32 to index
        %get3A_263 = arith.constant 16 : index
        %get3A_264 = tpu.vector_load %arg13[%get3A_262, %get3A_263] {strides = array<i32>} : memref<40x256xf32, #tpu.memory_space<vmem>>, vector<1x16xf32>,
        %get3A_265 = vector.shape_cast %get3A_264 : vector<1x16xf32> to vector<16xf32>
        %add3A_266 = arith.addf %get3A_261, %get3A_265 : vector<16xf32>
        %swap3A_267 = arith.index_cast %scan3A_245 : i32 to index
        %swap3A_268 = arith.constant 16 : index
        %swap3A_269 = tpu.vector_load %arg14[%swap3A_267, %swap3A_268] {strides = array<i32>} : memref<40x128xf32, #tpu.memory_space<vmem>>, vector<1x16xf32>,
        %swap3A_270 = vector.shape_cast %swap3A_269 : vector<1x16xf32> to vector<16xf32>
        %swap3A_271 = vector.shape_cast %add3A_266 : vector<16xf32> to vector<1x16xf32>
        tpu.vector_store %arg14[%swap3A_267, %swap3A_268], %swap3A_271 {strides = array<i32>} : memref<40x128xf32, #tpu.memory_space<vmem>>, vector<1x16xf32>,
        %get3A_272 = arith.index_cast %scan3A_245 : i32 to index
        %get3A_273 = arith.constant 32 : index
        %get3A_274 = tpu.vector_load %arg12[%get3A_272, %get3A_273] {strides = array<i32>} : memref<40x256xf32, #tpu.memory_space<vmem>>, vector<1x16xf32>,
        %get3A_275 = vector.shape_cast %get3A_274 : vector<1x16xf32> to vector<16xf32>
        %get3A_276 = arith.index_cast %scan3A_245 : i32 to index
        %get3A_277 = arith.constant 32 : index
        %get3A_278 = tpu.vector_load %arg13[%get3A_276, %get3A_277] {strides = array<i32>} : memref<40x256xf32, #tpu.memory_space<vmem>>, vector<1x16xf32>,
        %get3A_279 = vector.shape_cast %get3A_278 : vector<1x16xf32> to vector<16xf32>
        %add3A_280 = arith.addf %get3A_275, %get3A_279 : vector<16xf32>
        %swap3A_281 = arith.index_cast %scan3A_245 : i32 to index
        %swap3A_282 = arith.constant 32 : index
        %swap3A_283 = tpu.vector_load %arg14[%swap3A_281, %swap3A_282] {strides = array<i32>} : memref<40x128xf32, #tpu.memory_space<vmem>>, vector<1x16xf32>,
        %swap3A_284 = vector.shape_cast %swap3A_283 : vector<1x16xf32> to vector<16xf32>
        %swap3A_285 = vector.shape_cast %add3A_280 : vector<16xf32> to vector<1x16xf32>
        tpu.vector_store %arg14[%swap3A_281, %swap3A_282], %swap3A_285 {strides = array<i32>} : memref<40x128xf32, #tpu.memory_space<vmem>>, vector<1x16xf32>,
        %get3A_286 = arith.index_cast %scan3A_245 : i32 to index
        %get3A_287 = arith.constant 48 : index
        %get3A_288 = tpu.vector_load %arg12[%get3A_286, %get3A_287] {strides = array<i32>} : memref<40x256xf32, #tpu.memory_space<vmem>>, vector<1x16xf32>,
        %get3A_289 = vector.shape_cast %get3A_288 : vector<1x16xf32> to vector<16xf32>
        %get3A_290 = arith.index_cast %scan3A_245 : i32 to index
        %get3A_291 = arith.constant 48 : index
        %get3A_292 = tpu.vector_load %arg13[%get3A_290, %get3A_291] {strides = array<i32>} : memref<40x256xf32, #tpu.memory_space<vmem>>, vector<1x16xf32>,
        %get3A_293 = vector.shape_cast %get3A_292 : vector<1x16xf32> to vector<16xf32>
        %add3A_294 = arith.addf %get3A_289, %get3A_293 : vector<16xf32>
        %swap3A_295 = arith.index_cast %scan3A_245 : i32 to index
        %swap3A_296 = arith.constant 48 : index
        %swap3A_297 = tpu.vector_load %arg14[%swap3A_295, %swap3A_296] {strides = array<i32>} : memref<40x128xf32, #tpu.memory_space<vmem>>, vector<1x16xf32>,
        %swap3A_298 = vector.shape_cast %swap3A_297 : vector<1x16xf32> to vector<16xf32>
        %swap3A_299 = vector.shape_cast %add3A_294 : vector<16xf32> to vector<1x16xf32>
        tpu.vector_store %arg14[%swap3A_295, %swap3A_296], %swap3A_299 {strides = array<i32>} : memref<40x128xf32, #tpu.memory_space<vmem>>, vector<1x16xf32>,
        %get3A_300 = arith.index_cast %scan3A_245 : i32 to index
        %get3A_301 = arith.constant 64 : index
        %get3A_302 = tpu.vector_load %arg12[%get3A_300, %get3A_301] {strides = array<i32>} : memref<40x256xf32, #tpu.memory_space<vmem>>, vector<1x16xf32>,
        %get3A_303 = vector.shape_cast %get3A_302 : vector<1x16xf32> to vector<16xf32>
        %get3A_304 = arith.index_cast %scan3A_245 : i32 to index
        %get3A_305 = arith.constant 64 : index
        %get3A_306 = tpu.vector_load %arg13[%get3A_304, %get3A_305] {strides = array<i32>} : memref<40x256xf32, #tpu.memory_space<vmem>>, vector<1x16xf32>,
        %get3A_307 = vector.shape_cast %get3A_306 : vector<1x16xf32> to vector<16xf32>
        %add3A_308 = arith.addf %get3A_303, %get3A_307 : vector<16xf32>
        %swap3A_309 = arith.index_cast %scan3A_245 : i32 to index
        %swap3A_310 = arith.constant 64 : index
        %swap3A_311 = tpu.vector_load %arg14[%swap3A_309, %swap3A_310] {strides = array<i32>} : memref<40x128xf32, #tpu.memory_space<vmem>>, vector<1x16xf32>,
        %swap3A_312 = vector.shape_cast %swap3A_311 : vector<1x16xf32> to vector<16xf32>
        %swap3A_313 = vector.shape_cast %add3A_308 : vector<16xf32> to vector<1x16xf32>
        tpu.vector_store %arg14[%swap3A_309, %swap3A_310], %swap3A_313 {strides = array<i32>} : memref<40x128xf32, #tpu.memory_space<vmem>>, vector<1x16xf32>,
        %get3A_314 = arith.index_cast %scan3A_245 : i32 to index
        %get3A_315 = arith.constant 80 : index
        %get3A_316 = tpu.vector_load %arg12[%get3A_314, %get3A_315] {strides = array<i32>} : memref<40x256xf32, #tpu.memory_space<vmem>>, vector<1x16xf32>,
        %get3A_317 = vector.shape_cast %get3A_316 : vector<1x16xf32> to vector<16xf32>
        %get3A_318 = arith.index_cast %scan3A_245 : i32 to index
        %get3A_319 = arith.constant 80 : index
        %get3A_320 = tpu.vector_load %arg13[%get3A_318, %get3A_319] {strides = array<i32>} : memref<40x256xf32, #tpu.memory_space<vmem>>, vector<1x16xf32>,
        %get3A_321 = vector.shape_cast %get3A_320 : vector<1x16xf32> to vector<16xf32>
        %add3A_322 = arith.addf %get3A_317, %get3A_321 : vector<16xf32>
        %swap3A_323 = arith.index_cast %scan3A_245 : i32 to index
        %swap3A_324 = arith.constant 80 : index
        %swap3A_325 = tpu.vector_load %arg14[%swap3A_323, %swap3A_324] {strides = array<i32>} : memref<40x128xf32, #tpu.memory_space<vmem>>, vector<1x16xf32>,
        %swap3A_326 = vector.shape_cast %swap3A_325 : vector<1x16xf32> to vector<16xf32>
        %swap3A_327 = vector.shape_cast %add3A_322 : vector<16xf32> to vector<1x16xf32>
        tpu.vector_store %arg14[%swap3A_323, %swap3A_324], %swap3A_327 {strides = array<i32>} : memref<40x128xf32, #tpu.memory_space<vmem>>, vector<1x16xf32>,
        %get3A_328 = arith.index_cast %scan3A_245 : i32 to index
        %get3A_329 = arith.constant 96 : index
        %get3A_330 = tpu.vector_load %arg12[%get3A_328, %get3A_329] {strides = array<i32>} : memref<40x256xf32, #tpu.memory_space<vmem>>, vector<1x16xf32>,
        %get3A_331 = vector.shape_cast %get3A_330 : vector<1x16xf32> to vector<16xf32>
        %get3A_332 = arith.index_cast %scan3A_245 : i32 to index
        %get3A_333 = arith.constant 96 : index
        %get3A_334 = tpu.vector_load %arg13[%get3A_332, %get3A_333] {strides = array<i32>} : memref<40x256xf32, #tpu.memory_space<vmem>>, vector<1x16xf32>,
        %get3A_335 = vector.shape_cast %get3A_334 : vector<1x16xf32> to vector<16xf32>
        %add3A_336 = arith.addf %get3A_331, %get3A_335 : vector<16xf32>
        %swap3A_337 = arith.index_cast %scan3A_245 : i32 to index
        %swap3A_338 = arith.constant 96 : index
        %swap3A_339 = tpu.vector_load %arg14[%swap3A_337, %swap3A_338] {strides = array<i32>} : memref<40x128xf32, #tpu.memory_space<vmem>>, vector<1x16xf32>,
        %swap3A_340 = vector.shape_cast %swap3A_339 : vector<1x16xf32> to vector<16xf32>
        %swap3A_341 = vector.shape_cast %add3A_336 : vector<16xf32> to vector<1x16xf32>
        tpu.vector_store %arg14[%swap3A_337, %swap3A_338], %swap3A_341 {strides = array<i32>} : memref<40x128xf32, #tpu.memory_space<vmem>>, vector<1x16xf32>,
        %get3A_342 = arith.index_cast %scan3A_245 : i32 to index
        %get3A_343 = arith.constant 112 : index
        %get3A_344 = tpu.vector_load %arg12[%get3A_342, %get3A_343] {strides = array<i32>} : memref<40x256xf32, #tpu.memory_space<vmem>>, vector<1x16xf32>,
        %get3A_345 = vector.shape_cast %get3A_344 : vector<1x16xf32> to vector<16xf32>
        %get3A_346 = arith.index_cast %scan3A_245 : i32 to index
        %get3A_347 = arith.constant 112 : index
        %get3A_348 = tpu.vector_load %arg13[%get3A_346, %get3A_347] {strides = array<i32>} : memref<40x256xf32, #tpu.memory_space<vmem>>, vector<1x16xf32>,
        %get3A_349 = vector.shape_cast %get3A_348 : vector<1x16xf32> to vector<16xf32>
        %add3A_350 = arith.addf %get3A_345, %get3A_349 : vector<16xf32>
        %swap3A_351 = arith.index_cast %scan3A_245 : i32 to index
        %swap3A_352 = arith.constant 112 : index
        %swap3A_353 = tpu.vector_load %arg14[%swap3A_351, %swap3A_352] {strides = array<i32>} : memref<40x128xf32, #tpu.memory_space<vmem>>, vector<1x16xf32>,
        %swap3A_354 = vector.shape_cast %swap3A_353 : vector<1x16xf32> to vector<16xf32>
        %swap3A_355 = vector.shape_cast %add3A_350 : vector<16xf32> to vector<1x16xf32>
        tpu.vector_store %arg14[%swap3A_351, %swap3A_352], %swap3A_355 {strides = array<i32>} : memref<40x128xf32, #tpu.memory_space<vmem>>, vector<1x16xf32>,
        %get3A_356 = arith.index_cast %scan3A_245 : i32 to index
        %get3A_357 = arith.constant 128 : index
        %get3A_358 = tpu.vector_load %arg12[%get3A_356, %get3A_357] {strides = array<i32>} : memref<40x256xf32, #tpu.memory_space<vmem>>, vector<1x16xf32>,
        %get3A_359 = vector.shape_cast %get3A_358 : vector<1x16xf32> to vector<16xf32>
        %get3A_360 = arith.index_cast %scan3A_245 : i32 to index
        %get3A_361 = arith.constant 128 : index
        %get3A_362 = tpu.vector_load %arg13[%get3A_360, %get3A_361] {strides = array<i32>} : memref<40x256xf32, #tpu.memory_space<vmem>>, vector<1x16xf32>,
        %get3A_363 = vector.shape_cast %get3A_362 : vector<1x16xf32> to vector<16xf32>
        %sub3A_364 = arith.subf %get3A_359, %get3A_363 : vector<16xf32>
        %swap3A_365 = arith.index_cast %scan3A_245 : i32 to index
        %swap3A_366 = arith.constant 0 : index
        %swap3A_367 = tpu.vector_load %arg15[%swap3A_365, %swap3A_366] {strides = array<i32>} : memref<40x128xf32, #tpu.memory_space<vmem>>, vector<1x16xf32>,
        %swap3A_368 = vector.shape_cast %swap3A_367 : vector<1x16xf32> to vector<16xf32>
        %swap3A_369 = vector.shape_cast %sub3A_364 : vector<16xf32> to vector<1x16xf32>
        tpu.vector_store %arg15[%swap3A_365, %swap3A_366], %swap3A_369 {strides = array<i32>} : memref<40x128xf32, #tpu.memory_space<vmem>>, vector<1x16xf32>,
      }
      %scan3A_171 = arith.constant 40 : i32
      %mul3A_172 = arith.constant 40 : i32
      %mul3A_173 = arith.muli %add3A_124, %mul3A_172 : i32
      %add3A_174 = arith.addi %mul3A_2, %mul3A_173 : i32
      %dma_start3A_175 = arith.constant 0 : i32
      %dma_start3A_176 = tpu.memref_slice %arg6[%add3A_174, %dma_start3A_175] : memref<320000x128xf32, #tpu.memory_space<hbm>> -> memref<40x128xf32, #tpu.memory_space<hbm>>
      %dma_start3A_177 = arith.constant 0 : i32
      %dma_start3A_178 = tpu.memref_slice %arg6[%add3A_174, %dma_start3A_177] : memref<320000x128xf32, #tpu.memory_space<hbm>> -> memref<40x128xf32, #tpu.memory_space<hbm>>
      tpu.enqueue_dma source(%arg14 : memref<40x128xf32, #tpu.memory_space<vmem>>) target(%dma_start3A_178 : memref<40x128xf32, #tpu.memory_space<hbm>>) target_semaphore(%arg20 : memref<!tpu.dma_semaphore, #tpu.memory_space<semaphore_mem>>)
      %dma_start3A_179 = arith.constant 0 : i32
      %dma_start3A_180 = tpu.memref_slice %arg7[%add3A_174, %dma_start3A_179] : memref<320000x128xf32, #tpu.memory_space<hbm>> -> memref<40x128xf32, #tpu.memory_space<hbm>>
      %dma_start3A_181 = arith.constant 0 : i32
      %dma_start3A_182 = tpu.memref_slice %arg7[%add3A_174, %dma_start3A_181] : memref<320000x128xf32, #tpu.memory_space<hbm>> -> memref<40x128xf32, #tpu.memory_space<hbm>>
      tpu.enqueue_dma source(%arg15 : memref<40x128xf32, #tpu.memory_space<vmem>>) target(%dma_start3A_182 : memref<40x128xf32, #tpu.memory_space<hbm>>) target_semaphore(%arg20 : memref<!tpu.dma_semaphore, #tpu.memory_space<semaphore_mem>>)
      %add3A_183 = arith.constant 1 : i32
      %add3A_184 = arith.addi %add3A_124, %add3A_183 : i32
      %dma_wait3A_185 = arith.constant 0 : i32
      %dma_wait3A_186 = arith.constant 0 : i32
      %dma_wait3A_187 = tpu.memref_slice %arg8[%dma_wait3A_185, %dma_wait3A_186] : memref<250x40xi32, #tpu.memory_space<vmem>> -> memref<1x40xi32, #tpu.memory_space<vmem>>
      %dma_wait3A_188 = tpu.memref_squeeze %dma_wait3A_187 : memref<1x40xi32, #tpu.memory_space<vmem>> -> memref<40xi32, #tpu.memory_space<vmem>>
      %dma_wait3A_189 = arith.constant 0 : i32
      %dma_wait3A_190 = arith.constant 0 : i32
      %dma_wait3A_191 = tpu.memref_slice %arg4[%dma_wait3A_189, %dma_wait3A_190] : memref<10000x256xf32, #tpu.memory_space<hbm>> -> memref<10000x256xf32, #tpu.memory_space<hbm>>
      tpu.wait_indirect_dma semaphore(%arg16 : memref<!tpu.dma_semaphore, #tpu.memory_space<semaphore_mem>>) src(%dma_wait3A_191 : memref<10000x256xf32, #tpu.memory_space<hbm>>) dst(%arg10 : memref<40x256xf32, #tpu.memory_space<vmem>>)
      %dma_wait3A_192 = arith.constant 0 : i32
      %dma_wait3A_193 = arith.constant 0 : i32
      %dma_wait3A_194 = tpu.memref_slice %arg9[%dma_wait3A_192, %dma_wait3A_193] : memref<250x40xi32, #tpu.memory_space<vmem>> -> memref<1x40xi32, #tpu.memory_space<vmem>>
      %dma_wait3A_195 = tpu.memref_squeeze %dma_wait3A_194 : memref<1x40xi32, #tpu.memory_space<vmem>> -> memref<40xi32, #tpu.memory_space<vmem>>
      %dma_wait3A_196 = arith.constant 0 : i32
      %dma_wait3A_197 = arith.constant 0 : i32
      %dma_wait3A_198 = tpu.memref_slice %arg5[%dma_wait3A_196, %dma_wait3A_197] : memref<10000x256xf32, #tpu.memory_space<hbm>> -> memref<10000x256xf32, #tpu.memory_space<hbm>>
      tpu.wait_indirect_dma semaphore(%arg17 : memref<!tpu.dma_semaphore, #tpu.memory_space<semaphore_mem>>) src(%dma_wait3A_198 : memref<10000x256xf32, #tpu.memory_space<hbm>>) dst(%arg11 : memref<40x256xf32, #tpu.memory_space<vmem>>)
      %add3A_199 = arith.constant 1 : i32
      %add3A_200 = arith.addi %add3A_184, %add3A_199 : i32
      %min3A_201 = arith.constant 249 : i32
      %min3A_202 = arith.minsi %add3A_200, %min3A_201 : i32
      %dma_start3A_203 = arith.constant 0 : i32
      %dma_start3A_204 = tpu.memref_slice %arg8[%min3A_202, %dma_start3A_203] : memref<250x40xi32, #tpu.memory_space<vmem>> -> memref<1x40xi32, #tpu.memory_space<vmem>>
      %dma_start3A_205 = tpu.memref_squeeze %dma_start3A_204 : memref<1x40xi32, #tpu.memory_space<vmem>> -> memref<40xi32, #tpu.memory_space<vmem>>
      %dma_start3A_206 = arith.constant 0 : i32
      %dma_start3A_207 = arith.constant 0 : i32
      %dma_start3A_208 = tpu.memref_slice %arg4[%dma_start3A_206, %dma_start3A_207] : memref<10000x256xf32, #tpu.memory_space<hbm>> -> memref<10000x256xf32, #tpu.memory_space<hbm>>
      tpu.enqueue_indirect_dma source(%dma_start3A_208 : memref<10000x256xf32, #tpu.memory_space<hbm>>) target(%arg12 : memref<40x256xf32, #tpu.memory_space<vmem>>) offsets(%dma_start3A_205 : memref<40xi32, #tpu.memory_space<vmem>>) semaphore(%arg18 : memref<!tpu.dma_semaphore, #tpu.memory_space<semaphore_mem>>)
      %dma_start3A_209 = arith.constant 0 : i32
      %dma_start3A_210 = tpu.memref_slice %arg9[%min3A_202, %dma_start3A_209] : memref<250x40xi32, #tpu.memory_space<vmem>> -> memref<1x40xi32, #tpu.memory_space<vmem>>
      %dma_start3A_211 = tpu.memref_squeeze %dma_start3A_210 : memref<1x40xi32, #tpu.memory_space<vmem>> -> memref<40xi32, #tpu.memory_space<vmem>>
      %dma_start3A_212 = arith.constant 0 : i32
      %dma_start3A_213 = arith.constant 0 : i32
      %dma_start3A_214 = tpu.memref_slice %arg5[%dma_start3A_212, %dma_start3A_213] : memref<10000x256xf32, #tpu.memory_space<hbm>> -> memref<10000x256xf32, #tpu.memory_space<hbm>>
      tpu.enqueue_indirect_dma source(%dma_start3A_214 : memref<10000x256xf32, #tpu.memory_space<hbm>>) target(%arg13 : memref<40x256xf32, #tpu.memory_space<vmem>>) offsets(%dma_start3A_211 : memref<40xi32, #tpu.memory_space<vmem>>) semaphore(%arg19 : memref<!tpu.dma_semaphore, #tpu.memory_space<semaphore_mem>>)
      %sub3A_215 = arith.constant 1 : i32
      %sub3A_216 = arith.subi %add3A_184, %sub3A_215 : i32
      %mul3A_217 = arith.constant 40 : i32
      %mul3A_218 = arith.muli %sub3A_216, %mul3A_217 : i32
      %add3A_219 = arith.addi %mul3A_2, %mul3A_218 : i32
      %dma_wait3A_220 = arith.constant 0 : i32
      %dma_wait3A_221 = tpu.memref_slice %arg6[%add3A_219, %dma_wait3A_220] : memref<320000x128xf32, #tpu.memory_space<hbm>> -> memref<40x128xf32, #tpu.memory_space<hbm>>
      %dma_wait3A_222 = arith.constant 0 : i32
      %dma_wait3A_223 = tpu.memref_slice %arg6[%add3A_219, %dma_wait3A_222] : memref<320000x128xf32, #tpu.memory_space<hbm>> -> memref<40x128xf32, #tpu.memory_space<hbm>>
      tpu.wait_dma2 semaphore(%arg20 : memref<!tpu.dma_semaphore, #tpu.memory_space<semaphore_mem>>) src(%arg14 : memref<40x128xf32, #tpu.memory_space<vmem>>) dst(%dma_wait3A_223 : memref<40x128xf32, #tpu.memory_space<hbm>>)
      %dma_wait3A_224 = arith.constant 0 : i32
      %dma_wait3A_225 = tpu.memref_slice %arg7[%add3A_219, %dma_wait3A_224] : memref<320000x128xf32, #tpu.memory_space<hbm>> -> memref<40x128xf32, #tpu.memory_space<hbm>>
      %dma_wait3A_226 = arith.constant 0 : i32
      %dma_wait3A_227 = tpu.memref_slice %arg7[%add3A_219, %dma_wait3A_226] : memref<320000x128xf32, #tpu.memory_space<hbm>> -> memref<40x128xf32, #tpu.memory_space<hbm>>
      tpu.wait_dma2 semaphore(%arg20 : memref<!tpu.dma_semaphore, #tpu.memory_space<semaphore_mem>>) src(%arg15 : memref<40x128xf32, #tpu.memory_space<vmem>>) dst(%dma_wait3A_227 : memref<40x128xf32, #tpu.memory_space<hbm>>)
      %scan3A_228 = arith.constant 0 : i32
      %scan3A_229 = arith.constant 0 : i32
      %scan3A_230 = arith.constant 40 : i32
      %scan3A_231 = arith.addi %scan3A_229, %scan3A_230 : i32
      %scan3A_232 = arith.constant 1 : i32
      scf.for %scan3A_245 = %scan3A_229 to %scan3A_231 step %scan3A_232  : i32 {
        %get3A = arith.index_cast %scan3A_245 : i32 to index
        %get3A_246 = arith.constant 0 : index
        %get3A_247 = tpu.vector_load %arg10[%get3A, %get3A_246] {strides = array<i32>} : memref<40x256xf32, #tpu.memory_space<vmem>>, vector<1x16xf32>,
        %get3A_248 = vector.shape_cast %get3A_247 : vector<1x16xf32> to vector<16xf32>
        %get3A_249 = arith.index_cast %scan3A_245 : i32 to index
        %get3A_250 = arith.constant 0 : index
        %get3A_251 = tpu.vector_load %arg11[%get3A_249, %get3A_250] {strides = array<i32>} : memref<40x256xf32, #tpu.memory_space<vmem>>, vector<1x16xf32>,
        %get3A_252 = vector.shape_cast %get3A_251 : vector<1x16xf32> to vector<16xf32>
        %add3A_253 = arith.addf %get3A_248, %get3A_252 : vector<16xf32>
        %swap3A = arith.index_cast %scan3A_245 : i32 to index
        %swap3A_254 = arith.constant 0 : index
        %swap3A_255 = tpu.vector_load %arg14[%swap3A, %swap3A_254] {strides = array<i32>} : memref<40x128xf32, #tpu.memory_space<vmem>>, vector<1x16xf32>,
        %swap3A_256 = vector.shape_cast %swap3A_255 : vector<1x16xf32> to vector<16xf32>
        %swap3A_257 = vector.shape_cast %add3A_253 : vector<16xf32> to vector<1x16xf32>
        tpu.vector_store %arg14[%swap3A, %swap3A_254], %swap3A_257 {strides = array<i32>} : memref<40x128xf32, #tpu.memory_space<vmem>>, vector<1x16xf32>,
        %get3A_258 = arith.index_cast %scan3A_245 : i32 to index
        %get3A_259 = arith.constant 16 : index
        %get3A_260 = tpu.vector_load %arg10[%get3A_258, %get3A_259] {strides = array<i32>} : memref<40x256xf32, #tpu.memory_space<vmem>>, vector<1x16xf32>,
        %get3A_261 = vector.shape_cast %get3A_260 : vector<1x16xf32> to vector<16xf32>
        %get3A_262 = arith.index_cast %scan3A_245 : i32 to index
        %get3A_263 = arith.constant 16 : index
        %get3A_264 = tpu.vector_load %arg11[%get3A_262, %get3A_263] {strides = array<i32>} : memref<40x256xf32, #tpu.memory_space<vmem>>, vector<1x16xf32>,
        %get3A_265 = vector.shape_cast %get3A_264 : vector<1x16xf32> to vector<16xf32>
        %add3A_266 = arith.addf %get3A_261, %get3A_265 : vector<16xf32>
        %swap3A_267 = arith.index_cast %scan3A_245 : i32 to index
        %swap3A_268 = arith.constant 16 : index
        %swap3A_269 = tpu.vector_load %arg14[%swap3A_267, %swap3A_268] {strides = array<i32>} : memref<40x128xf32, #tpu.memory_space<vmem>>, vector<1x16xf32>,
        %swap3A_270 = vector.shape_cast %swap3A_269 : vector<1x16xf32> to vector<16xf32>
        %swap3A_271 = vector.shape_cast %add3A_266 : vector<16xf32> to vector<1x16xf32>
        tpu.vector_store %arg14[%swap3A_267, %swap3A_268], %swap3A_271 {strides = array<i32>} : memref<40x128xf32, #tpu.memory_space<vmem>>, vector<1x16xf32>,
        %get3A_272 = arith.index_cast %scan3A_245 : i32 to index
        %get3A_273 = arith.constant 32 : index
        %get3A_274 = tpu.vector_load %arg10[%get3A_272, %get3A_273] {strides = array<i32>} : memref<40x256xf32, #tpu.memory_space<vmem>>, vector<1x16xf32>,
        %get3A_275 = vector.shape_cast %get3A_274 : vector<1x16xf32> to vector<16xf32>
        %get3A_276 = arith.index_cast %scan3A_245 : i32 to index
        %get3A_277 = arith.constant 32 : index
        %get3A_278 = tpu.vector_load %arg11[%get3A_276, %get3A_277] {strides = array<i32>} : memref<40x256xf32, #tpu.memory_space<vmem>>, vector<1x16xf32>,
        %get3A_279 = vector.shape_cast %get3A_278 : vector<1x16xf32> to vector<16xf32>
        %add3A_280 = arith.addf %get3A_275, %get3A_279 : vector<16xf32>
        %swap3A_281 = arith.index_cast %scan3A_245 : i32 to index
        %swap3A_282 = arith.constant 32 : index
        %swap3A_283 = tpu.vector_load %arg14[%swap3A_281, %swap3A_282] {strides = array<i32>} : memref<40x128xf32, #tpu.memory_space<vmem>>, vector<1x16xf32>,
        %swap3A_284 = vector.shape_cast %swap3A_283 : vector<1x16xf32> to vector<16xf32>
        %swap3A_285 = vector.shape_cast %add3A_280 : vector<16xf32> to vector<1x16xf32>
        tpu.vector_store %arg14[%swap3A_281, %swap3A_282], %swap3A_285 {strides = array<i32>} : memref<40x128xf32, #tpu.memory_space<vmem>>, vector<1x16xf32>,
        %get3A_286 = arith.index_cast %scan3A_245 : i32 to index
        %get3A_287 = arith.constant 48 : index
        %get3A_288 = tpu.vector_load %arg10[%get3A_286, %get3A_287] {strides = array<i32>} : memref<40x256xf32, #tpu.memory_space<vmem>>, vector<1x16xf32>,
        %get3A_289 = vector.shape_cast %get3A_288 : vector<1x16xf32> to vector<16xf32>
        %get3A_290 = arith.index_cast %scan3A_245 : i32 to index
        %get3A_291 = arith.constant 48 : index
        %get3A_292 = tpu.vector_load %arg11[%get3A_290, %get3A_291] {strides = array<i32>} : memref<40x256xf32, #tpu.memory_space<vmem>>, vector<1x16xf32>,
        %get3A_293 = vector.shape_cast %get3A_292 : vector<1x16xf32> to vector<16xf32>
        %add3A_294 = arith.addf %get3A_289, %get3A_293 : vector<16xf32>
        %swap3A_295 = arith.index_cast %scan3A_245 : i32 to index
        %swap3A_296 = arith.constant 48 : index
        %swap3A_297 = tpu.vector_load %arg14[%swap3A_295, %swap3A_296] {strides = array<i32>} : memref<40x128xf32, #tpu.memory_space<vmem>>, vector<1x16xf32>,
        %swap3A_298 = vector.shape_cast %swap3A_297 : vector<1x16xf32> to vector<16xf32>
        %swap3A_299 = vector.shape_cast %add3A_294 : vector<16xf32> to vector<1x16xf32>
        tpu.vector_store %arg14[%swap3A_295, %swap3A_296], %swap3A_299 {strides = array<i32>} : memref<40x128xf32, #tpu.memory_space<vmem>>, vector<1x16xf32>,
        %get3A_300 = arith.index_cast %scan3A_245 : i32 to index
        %get3A_301 = arith.constant 64 : index
        %get3A_302 = tpu.vector_load %arg10[%get3A_300, %get3A_301] {strides = array<i32>} : memref<40x256xf32, #tpu.memory_space<vmem>>, vector<1x16xf32>,
        %get3A_303 = vector.shape_cast %get3A_302 : vector<1x16xf32> to vector<16xf32>
        %get3A_304 = arith.index_cast %scan3A_245 : i32 to index
        %get3A_305 = arith.constant 64 : index
        %get3A_306 = tpu.vector_load %arg11[%get3A_304, %get3A_305] {strides = array<i32>} : memref<40x256xf32, #tpu.memory_space<vmem>>, vector<1x16xf32>,
        %get3A_307 = vector.shape_cast %get3A_306 : vector<1x16xf32> to vector<16xf32>
        %add3A_308 = arith.addf %get3A_303, %get3A_307 : vector<16xf32>
        %swap3A_309 = arith.index_cast %scan3A_245 : i32 to index
        %swap3A_310 = arith.constant 64 : index
        %swap3A_311 = tpu.vector_load %arg14[%swap3A_309, %swap3A_310] {strides = array<i32>} : memref<40x128xf32, #tpu.memory_space<vmem>>, vector<1x16xf32>,
        %swap3A_312 = vector.shape_cast %swap3A_311 : vector<1x16xf32> to vector<16xf32>
        %swap3A_313 = vector.shape_cast %add3A_308 : vector<16xf32> to vector<1x16xf32>
        tpu.vector_store %arg14[%swap3A_309, %swap3A_310], %swap3A_313 {strides = array<i32>} : memref<40x128xf32, #tpu.memory_space<vmem>>, vector<1x16xf32>,
        %get3A_314 = arith.index_cast %scan3A_245 : i32 to index
        %get3A_315 = arith.constant 80 : index
        %get3A_316 = tpu.vector_load %arg10[%get3A_314, %get3A_315] {strides = array<i32>} : memref<40x256xf32, #tpu.memory_space<vmem>>, vector<1x16xf32>,
        %get3A_317 = vector.shape_cast %get3A_316 : vector<1x16xf32> to vector<16xf32>
        %get3A_318 = arith.index_cast %scan3A_245 : i32 to index
        %get3A_319 = arith.constant 80 : index
        %get3A_320 = tpu.vector_load %arg11[%get3A_318, %get3A_319] {strides = array<i32>} : memref<40x256xf32, #tpu.memory_space<vmem>>, vector<1x16xf32>,
        %get3A_321 = vector.shape_cast %get3A_320 : vector<1x16xf32> to vector<16xf32>
        %add3A_322 = arith.addf %get3A_317, %get3A_321 : vector<16xf32>
        %swap3A_323 = arith.index_cast %scan3A_245 : i32 to index
        %swap3A_324 = arith.constant 80 : index
        %swap3A_325 = tpu.vector_load %arg14[%swap3A_323, %swap3A_324] {strides = array<i32>} : memref<40x128xf32, #tpu.memory_space<vmem>>, vector<1x16xf32>,
        %swap3A_326 = vector.shape_cast %swap3A_325 : vector<1x16xf32> to vector<16xf32>
        %swap3A_327 = vector.shape_cast %add3A_322 : vector<16xf32> to vector<1x16xf32>
        tpu.vector_store %arg14[%swap3A_323, %swap3A_324], %swap3A_327 {strides = array<i32>} : memref<40x128xf32, #tpu.memory_space<vmem>>, vector<1x16xf32>,
        %get3A_328 = arith.index_cast %scan3A_245 : i32 to index
        %get3A_329 = arith.constant 96 : index
        %get3A_330 = tpu.vector_load %arg10[%get3A_328, %get3A_329] {strides = array<i32>} : memref<40x256xf32, #tpu.memory_space<vmem>>, vector<1x16xf32>,
        %get3A_331 = vector.shape_cast %get3A_330 : vector<1x16xf32> to vector<16xf32>
        %get3A_332 = arith.index_cast %scan3A_245 : i32 to index
        %get3A_333 = arith.constant 96 : index
        %get3A_334 = tpu.vector_load %arg11[%get3A_332, %get3A_333] {strides = array<i32>} : memref<40x256xf32, #tpu.memory_space<vmem>>, vector<1x16xf32>,
        %get3A_335 = vector.shape_cast %get3A_334 : vector<1x16xf32> to vector<16xf32>
        %add3A_336 = arith.addf %get3A_331, %get3A_335 : vector<16xf32>
        %swap3A_337 = arith.index_cast %scan3A_245 : i32 to index
        %swap3A_338 = arith.constant 96 : index
        %swap3A_339 = tpu.vector_load %arg14[%swap3A_337, %swap3A_338] {strides = array<i32>} : memref<40x128xf32, #tpu.memory_space<vmem>>, vector<1x16xf32>,
        %swap3A_340 = vector.shape_cast %swap3A_339 : vector<1x16xf32> to vector<16xf32>
        %swap3A_341 = vector.shape_cast %add3A_336 : vector<16xf32> to vector<1x16xf32>
        tpu.vector_store %arg14[%swap3A_337, %swap3A_338], %swap3A_341 {strides = array<i32>} : memref<40x128xf32, #tpu.memory_space<vmem>>, vector<1x16xf32>,
        %get3A_342 = arith.index_cast %scan3A_245 : i32 to index
        %get3A_343 = arith.constant 112 : index
        %get3A_344 = tpu.vector_load %arg10[%get3A_342, %get3A_343] {strides = array<i32>} : memref<40x256xf32, #tpu.memory_space<vmem>>, vector<1x16xf32>,
        %get3A_345 = vector.shape_cast %get3A_344 : vector<1x16xf32> to vector<16xf32>
        %get3A_346 = arith.index_cast %scan3A_245 : i32 to index
        %get3A_347 = arith.constant 112 : index
        %get3A_348 = tpu.vector_load %arg11[%get3A_346, %get3A_347] {strides = array<i32>} : memref<40x256xf32, #tpu.memory_space<vmem>>, vector<1x16xf32>,
        %get3A_349 = vector.shape_cast %get3A_348 : vector<1x16xf32> to vector<16xf32>
        %add3A_350 = arith.addf %get3A_345, %get3A_349 : vector<16xf32>
        %swap3A_351 = arith.index_cast %scan3A_245 : i32 to index
        %swap3A_352 = arith.constant 112 : index
        %swap3A_353 = tpu.vector_load %arg14[%swap3A_351, %swap3A_352] {strides = array<i32>} : memref<40x128xf32, #tpu.memory_space<vmem>>, vector<1x16xf32>,
        %swap3A_354 = vector.shape_cast %swap3A_353 : vector<1x16xf32> to vector<16xf32>
        %swap3A_355 = vector.shape_cast %add3A_350 : vector<16xf32> to vector<1x16xf32>
        tpu.vector_store %arg14[%swap3A_351, %swap3A_352], %swap3A_355 {strides = array<i32>} : memref<40x128xf32, #tpu.memory_space<vmem>>, vector<1x16xf32>,
        %get3A_356 = arith.index_cast %scan3A_245 : i32 to index
        %get3A_357 = arith.constant 128 : index
        %get3A_358 = tpu.vector_load %arg10[%get3A_356, %get3A_357] {strides = array<i32>} : memref<40x256xf32, #tpu.memory_space<vmem>>, vector<1x16xf32>,
        %get3A_359 = vector.shape_cast %get3A_358 : vector<1x16xf32> to vector<16xf32>
        %get3A_360 = arith.index_cast %scan3A_245 : i32 to index
        %get3A_361 = arith.constant 128 : index
        %get3A_362 = tpu.vector_load %arg11[%get3A_360, %get3A_361] {strides = array<i32>} : memref<40x256xf32, #tpu.memory_space<vmem>>, vector<1x16xf32>,
        %get3A_363 = vector.shape_cast %get3A_362 : vector<1x16xf32> to vector<16xf32>
        %sub3A_364 = arith.subf %get3A_359, %get3A_363 : vector<16xf32>
        %swap3A_365 = arith.index_cast %scan3A_245 : i32 to index
        %swap3A_366 = arith.constant 0 : index
        %swap3A_367 = tpu.vector_load %arg15[%swap3A_365, %swap3A_366] {strides = array<i32>} : memref<40x128xf32, #tpu.memory_space<vmem>>, vector<1x16xf32>,
        %swap3A_368 = vector.shape_cast %swap3A_367 : vector<1x16xf32> to vector<16xf32>
        %swap3A_369 = vector.shape_cast %sub3A_364 : vector<16xf32> to vector<1x16xf32>
        tpu.vector_store %arg15[%swap3A_365, %swap3A_366], %swap3A_369 {strides = array<i32>} : memref<40x128xf32, #tpu.memory_space<vmem>>, vector<1x16xf32>,
      }
      %scan3A_233 = arith.constant 40 : i32
      %mul3A_234 = arith.constant 40 : i32
      %mul3A_235 = arith.muli %add3A_184, %mul3A_234 : i32
      %add3A_236 = arith.addi %mul3A_2, %mul3A_235 : i32
      %dma_start3A_237 = arith.constant 0 : i32
      %dma_start3A_238 = tpu.memref_slice %arg6[%add3A_236, %dma_start3A_237] : memref<320000x128xf32, #tpu.memory_space<hbm>> -> memref<40x128xf32, #tpu.memory_space<hbm>>
      %dma_start3A_239 = arith.constant 0 : i32
      %dma_start3A_240 = tpu.memref_slice %arg6[%add3A_236, %dma_start3A_239] : memref<320000x128xf32, #tpu.memory_space<hbm>> -> memref<40x128xf32, #tpu.memory_space<hbm>>
      tpu.enqueue_dma source(%arg14 : memref<40x128xf32, #tpu.memory_space<vmem>>) target(%dma_start3A_240 : memref<40x128xf32, #tpu.memory_space<hbm>>) target_semaphore(%arg20 : memref<!tpu.dma_semaphore, #tpu.memory_space<semaphore_mem>>)
      %dma_start3A_241 = arith.constant 0 : i32
      %dma_start3A_242 = tpu.memref_slice %arg7[%add3A_236, %dma_start3A_241] : memref<320000x128xf32, #tpu.memory_space<hbm>> -> memref<40x128xf32, #tpu.memory_space<hbm>>
      %dma_start3A_243 = arith.constant 0 : i32
      %dma_start3A_244 = tpu.memref_slice %arg7[%add3A_236, %dma_start3A_243] : memref<320000x128xf32, #tpu.memory_space<hbm>> -> memref<40x128xf32, #tpu.memory_space<hbm>>
      tpu.enqueue_dma source(%arg15 : memref<40x128xf32, #tpu.memory_space<vmem>>) target(%dma_start3A_244 : memref<40x128xf32, #tpu.memory_space<hbm>>) target_semaphore(%arg20 : memref<!tpu.dma_semaphore, #tpu.memory_space<semaphore_mem>>)
    }
    %scan3A_69 = arith.constant 124 : i32
    %dma_wait3A_70 = arith.constant 0 : i32
    %dma_wait3A_71 = arith.constant 0 : i32
    %dma_wait3A_72 = tpu.memref_slice %arg8[%dma_wait3A_70, %dma_wait3A_71] : memref<250x40xi32, #tpu.memory_space<vmem>> -> memref<1x40xi32, #tpu.memory_space<vmem>>
    %dma_wait3A_73 = tpu.memref_squeeze %dma_wait3A_72 : memref<1x40xi32, #tpu.memory_space<vmem>> -> memref<40xi32, #tpu.memory_space<vmem>>
    %dma_wait3A_74 = arith.constant 0 : i32
    %dma_wait3A_75 = arith.constant 0 : i32
    %dma_wait3A_76 = tpu.memref_slice %arg4[%dma_wait3A_74, %dma_wait3A_75] : memref<10000x256xf32, #tpu.memory_space<hbm>> -> memref<10000x256xf32, #tpu.memory_space<hbm>>
    tpu.wait_indirect_dma semaphore(%arg18 : memref<!tpu.dma_semaphore, #tpu.memory_space<semaphore_mem>>) src(%dma_wait3A_76 : memref<10000x256xf32, #tpu.memory_space<hbm>>) dst(%arg12 : memref<40x256xf32, #tpu.memory_space<vmem>>)
    %dma_wait3A_77 = arith.constant 0 : i32
    %dma_wait3A_78 = arith.constant 0 : i32
    %dma_wait3A_79 = tpu.memref_slice %arg9[%dma_wait3A_77, %dma_wait3A_78] : memref<250x40xi32, #tpu.memory_space<vmem>> -> memref<1x40xi32, #tpu.memory_space<vmem>>
    %dma_wait3A_80 = tpu.memref_squeeze %dma_wait3A_79 : memref<1x40xi32, #tpu.memory_space<vmem>> -> memref<40xi32, #tpu.memory_space<vmem>>
    %dma_wait3A_81 = arith.constant 0 : i32
    %dma_wait3A_82 = arith.constant 0 : i32
    %dma_wait3A_83 = tpu.memref_slice %arg5[%dma_wait3A_81, %dma_wait3A_82] : memref<10000x256xf32, #tpu.memory_space<hbm>> -> memref<10000x256xf32, #tpu.memory_space<hbm>>
    tpu.wait_indirect_dma semaphore(%arg19 : memref<!tpu.dma_semaphore, #tpu.memory_space<semaphore_mem>>) src(%dma_wait3A_83 : memref<10000x256xf32, #tpu.memory_space<hbm>>) dst(%arg13 : memref<40x256xf32, #tpu.memory_space<vmem>>)
    %add3A_84 = arith.constant 9920 : i32
    %add3A_85 = arith.addi %mul3A_2, %add3A_84 : i32
    %dma_wait3A_86 = arith.constant 0 : i32
    %dma_wait3A_87 = tpu.memref_slice %arg6[%add3A_85, %dma_wait3A_86] : memref<320000x128xf32, #tpu.memory_space<hbm>> -> memref<40x128xf32, #tpu.memory_space<hbm>>
    %dma_wait3A_88 = arith.constant 0 : i32
    %dma_wait3A_89 = tpu.memref_slice %arg6[%add3A_85, %dma_wait3A_88] : memref<320000x128xf32, #tpu.memory_space<hbm>> -> memref<40x128xf32, #tpu.memory_space<hbm>>
    tpu.wait_dma2 semaphore(%arg20 : memref<!tpu.dma_semaphore, #tpu.memory_space<semaphore_mem>>) src(%arg14 : memref<40x128xf32, #tpu.memory_space<vmem>>) dst(%dma_wait3A_89 : memref<40x128xf32, #tpu.memory_space<hbm>>)
    %dma_wait3A_90 = arith.constant 0 : i32
    %dma_wait3A_91 = tpu.memref_slice %arg7[%add3A_85, %dma_wait3A_90] : memref<320000x128xf32, #tpu.memory_space<hbm>> -> memref<40x128xf32, #tpu.memory_space<hbm>>
    %dma_wait3A_92 = arith.constant 0 : i32
    %dma_wait3A_93 = tpu.memref_slice %arg7[%add3A_85, %dma_wait3A_92] : memref<320000x128xf32, #tpu.memory_space<hbm>> -> memref<40x128xf32, #tpu.memory_space<hbm>>
    tpu.wait_dma2 semaphore(%arg20 : memref<!tpu.dma_semaphore, #tpu.memory_space<semaphore_mem>>) src(%arg15 : memref<40x128xf32, #tpu.memory_space<vmem>>) dst(%dma_wait3A_93 : memref<40x128xf32, #tpu.memory_space<hbm>>)
    %scan3A_94 = arith.constant 0 : i32
    %scan3A_95 = arith.constant 0 : i32
    %scan3A_96 = arith.constant 40 : i32
    %scan3A_97 = arith.addi %scan3A_95, %scan3A_96 : i32
    %scan3A_98 = arith.constant 1 : i32
    scf.for %scan3A_120 = %scan3A_95 to %scan3A_97 step %scan3A_98  : i32 {
      %get3A = arith.index_cast %scan3A_120 : i32 to index
      %get3A_121 = arith.constant 0 : index
      %get3A_122 = tpu.vector_load %arg12[%get3A, %get3A_121] {strides = array<i32>} : memref<40x256xf32, #tpu.memory_space<vmem>>, vector<1x16xf32>,
      %get3A_123 = vector.shape_cast %get3A_122 : vector<1x16xf32> to vector<16xf32>
      %get3A_124 = arith.index_cast %scan3A_120 : i32 to index
      %get3A_125 = arith.constant 0 : index
      %get3A_126 = tpu.vector_load %arg13[%get3A_124, %get3A_125] {strides = array<i32>} : memref<40x256xf32, #tpu.memory_space<vmem>>, vector<1x16xf32>,
      %get3A_127 = vector.shape_cast %get3A_126 : vector<1x16xf32> to vector<16xf32>
      %add3A_128 = arith.addf %get3A_123, %get3A_127 : vector<16xf32>
      %swap3A = arith.index_cast %scan3A_120 : i32 to index
      %swap3A_129 = arith.constant 0 : index
      %swap3A_130 = tpu.vector_load %arg14[%swap3A, %swap3A_129] {strides = array<i32>} : memref<40x128xf32, #tpu.memory_space<vmem>>, vector<1x16xf32>,
      %swap3A_131 = vector.shape_cast %swap3A_130 : vector<1x16xf32> to vector<16xf32>
      %swap3A_132 = vector.shape_cast %add3A_128 : vector<16xf32> to vector<1x16xf32>
      tpu.vector_store %arg14[%swap3A, %swap3A_129], %swap3A_132 {strides = array<i32>} : memref<40x128xf32, #tpu.memory_space<vmem>>, vector<1x16xf32>,
      %get3A_133 = arith.index_cast %scan3A_120 : i32 to index
      %get3A_134 = arith.constant 16 : index
      %get3A_135 = tpu.vector_load %arg12[%get3A_133, %get3A_134] {strides = array<i32>} : memref<40x256xf32, #tpu.memory_space<vmem>>, vector<1x16xf32>,
      %get3A_136 = vector.shape_cast %get3A_135 : vector<1x16xf32> to vector<16xf32>
      %get3A_137 = arith.index_cast %scan3A_120 : i32 to index
      %get3A_138 = arith.constant 16 : index
      %get3A_139 = tpu.vector_load %arg13[%get3A_137, %get3A_138] {strides = array<i32>} : memref<40x256xf32, #tpu.memory_space<vmem>>, vector<1x16xf32>,
      %get3A_140 = vector.shape_cast %get3A_139 : vector<1x16xf32> to vector<16xf32>
      %add3A_141 = arith.addf %get3A_136, %get3A_140 : vector<16xf32>
      %swap3A_142 = arith.index_cast %scan3A_120 : i32 to index
      %swap3A_143 = arith.constant 16 : index
      %swap3A_144 = tpu.vector_load %arg14[%swap3A_142, %swap3A_143] {strides = array<i32>} : memref<40x128xf32, #tpu.memory_space<vmem>>, vector<1x16xf32>,
      %swap3A_145 = vector.shape_cast %swap3A_144 : vector<1x16xf32> to vector<16xf32>
      %swap3A_146 = vector.shape_cast %add3A_141 : vector<16xf32> to vector<1x16xf32>
      tpu.vector_store %arg14[%swap3A_142, %swap3A_143], %swap3A_146 {strides = array<i32>} : memref<40x128xf32, #tpu.memory_space<vmem>>, vector<1x16xf32>,
      %get3A_147 = arith.index_cast %scan3A_120 : i32 to index
      %get3A_148 = arith.constant 32 : index
      %get3A_149 = tpu.vector_load %arg12[%get3A_147, %get3A_148] {strides = array<i32>} : memref<40x256xf32, #tpu.memory_space<vmem>>, vector<1x16xf32>,
      %get3A_150 = vector.shape_cast %get3A_149 : vector<1x16xf32> to vector<16xf32>
      %get3A_151 = arith.index_cast %scan3A_120 : i32 to index
      %get3A_152 = arith.constant 32 : index
      %get3A_153 = tpu.vector_load %arg13[%get3A_151, %get3A_152] {strides = array<i32>} : memref<40x256xf32, #tpu.memory_space<vmem>>, vector<1x16xf32>,
      %get3A_154 = vector.shape_cast %get3A_153 : vector<1x16xf32> to vector<16xf32>
      %add3A_155 = arith.addf %get3A_150, %get3A_154 : vector<16xf32>
      %swap3A_156 = arith.index_cast %scan3A_120 : i32 to index
      %swap3A_157 = arith.constant 32 : index
      %swap3A_158 = tpu.vector_load %arg14[%swap3A_156, %swap3A_157] {strides = array<i32>} : memref<40x128xf32, #tpu.memory_space<vmem>>, vector<1x16xf32>,
      %swap3A_159 = vector.shape_cast %swap3A_158 : vector<1x16xf32> to vector<16xf32>
      %swap3A_160 = vector.shape_cast %add3A_155 : vector<16xf32> to vector<1x16xf32>
      tpu.vector_store %arg14[%swap3A_156, %swap3A_157], %swap3A_160 {strides = array<i32>} : memref<40x128xf32, #tpu.memory_space<vmem>>, vector<1x16xf32>,
      %get3A_161 = arith.index_cast %scan3A_120 : i32 to index
      %get3A_162 = arith.constant 48 : index
      %get3A_163 = tpu.vector_load %arg12[%get3A_161, %get3A_162] {strides = array<i32>} : memref<40x256xf32, #tpu.memory_space<vmem>>, vector<1x16xf32>,
      %get3A_164 = vector.shape_cast %get3A_163 : vector<1x16xf32> to vector<16xf32>
      %get3A_165 = arith.index_cast %scan3A_120 : i32 to index
      %get3A_166 = arith.constant 48 : index
      %get3A_167 = tpu.vector_load %arg13[%get3A_165, %get3A_166] {strides = array<i32>} : memref<40x256xf32, #tpu.memory_space<vmem>>, vector<1x16xf32>,
      %get3A_168 = vector.shape_cast %get3A_167 : vector<1x16xf32> to vector<16xf32>
      %add3A_169 = arith.addf %get3A_164, %get3A_168 : vector<16xf32>
      %swap3A_170 = arith.index_cast %scan3A_120 : i32 to index
      %swap3A_171 = arith.constant 48 : index
      %swap3A_172 = tpu.vector_load %arg14[%swap3A_170, %swap3A_171] {strides = array<i32>} : memref<40x128xf32, #tpu.memory_space<vmem>>, vector<1x16xf32>,
      %swap3A_173 = vector.shape_cast %swap3A_172 : vector<1x16xf32> to vector<16xf32>
      %swap3A_174 = vector.shape_cast %add3A_169 : vector<16xf32> to vector<1x16xf32>
      tpu.vector_store %arg14[%swap3A_170, %swap3A_171], %swap3A_174 {strides = array<i32>} : memref<40x128xf32, #tpu.memory_space<vmem>>, vector<1x16xf32>,
      %get3A_175 = arith.index_cast %scan3A_120 : i32 to index
      %get3A_176 = arith.constant 64 : index
      %get3A_177 = tpu.vector_load %arg12[%get3A_175, %get3A_176] {strides = array<i32>} : memref<40x256xf32, #tpu.memory_space<vmem>>, vector<1x16xf32>,
      %get3A_178 = vector.shape_cast %get3A_177 : vector<1x16xf32> to vector<16xf32>
      %get3A_179 = arith.index_cast %scan3A_120 : i32 to index
      %get3A_180 = arith.constant 64 : index
      %get3A_181 = tpu.vector_load %arg13[%get3A_179, %get3A_180] {strides = array<i32>} : memref<40x256xf32, #tpu.memory_space<vmem>>, vector<1x16xf32>,
      %get3A_182 = vector.shape_cast %get3A_181 : vector<1x16xf32> to vector<16xf32>
      %add3A_183 = arith.addf %get3A_178, %get3A_182 : vector<16xf32>
      %swap3A_184 = arith.index_cast %scan3A_120 : i32 to index
      %swap3A_185 = arith.constant 64 : index
      %swap3A_186 = tpu.vector_load %arg14[%swap3A_184, %swap3A_185] {strides = array<i32>} : memref<40x128xf32, #tpu.memory_space<vmem>>, vector<1x16xf32>,
      %swap3A_187 = vector.shape_cast %swap3A_186 : vector<1x16xf32> to vector<16xf32>
      %swap3A_188 = vector.shape_cast %add3A_183 : vector<16xf32> to vector<1x16xf32>
      tpu.vector_store %arg14[%swap3A_184, %swap3A_185], %swap3A_188 {strides = array<i32>} : memref<40x128xf32, #tpu.memory_space<vmem>>, vector<1x16xf32>,
      %get3A_189 = arith.index_cast %scan3A_120 : i32 to index
      %get3A_190 = arith.constant 80 : index
      %get3A_191 = tpu.vector_load %arg12[%get3A_189, %get3A_190] {strides = array<i32>} : memref<40x256xf32, #tpu.memory_space<vmem>>, vector<1x16xf32>,
      %get3A_192 = vector.shape_cast %get3A_191 : vector<1x16xf32> to vector<16xf32>
      %get3A_193 = arith.index_cast %scan3A_120 : i32 to index
      %get3A_194 = arith.constant 80 : index
      %get3A_195 = tpu.vector_load %arg13[%get3A_193, %get3A_194] {strides = array<i32>} : memref<40x256xf32, #tpu.memory_space<vmem>>, vector<1x16xf32>,
      %get3A_196 = vector.shape_cast %get3A_195 : vector<1x16xf32> to vector<16xf32>
      %add3A_197 = arith.addf %get3A_192, %get3A_196 : vector<16xf32>
      %swap3A_198 = arith.index_cast %scan3A_120 : i32 to index
      %swap3A_199 = arith.constant 80 : index
      %swap3A_200 = tpu.vector_load %arg14[%swap3A_198, %swap3A_199] {strides = array<i32>} : memref<40x128xf32, #tpu.memory_space<vmem>>, vector<1x16xf32>,
      %swap3A_201 = vector.shape_cast %swap3A_200 : vector<1x16xf32> to vector<16xf32>
      %swap3A_202 = vector.shape_cast %add3A_197 : vector<16xf32> to vector<1x16xf32>
      tpu.vector_store %arg14[%swap3A_198, %swap3A_199], %swap3A_202 {strides = array<i32>} : memref<40x128xf32, #tpu.memory_space<vmem>>, vector<1x16xf32>,
      %get3A_203 = arith.index_cast %scan3A_120 : i32 to index
      %get3A_204 = arith.constant 96 : index
      %get3A_205 = tpu.vector_load %arg12[%get3A_203, %get3A_204] {strides = array<i32>} : memref<40x256xf32, #tpu.memory_space<vmem>>, vector<1x16xf32>,
      %get3A_206 = vector.shape_cast %get3A_205 : vector<1x16xf32> to vector<16xf32>
      %get3A_207 = arith.index_cast %scan3A_120 : i32 to index
      %get3A_208 = arith.constant 96 : index
      %get3A_209 = tpu.vector_load %arg13[%get3A_207, %get3A_208] {strides = array<i32>} : memref<40x256xf32, #tpu.memory_space<vmem>>, vector<1x16xf32>,
      %get3A_210 = vector.shape_cast %get3A_209 : vector<1x16xf32> to vector<16xf32>
      %add3A_211 = arith.addf %get3A_206, %get3A_210 : vector<16xf32>
      %swap3A_212 = arith.index_cast %scan3A_120 : i32 to index
      %swap3A_213 = arith.constant 96 : index
      %swap3A_214 = tpu.vector_load %arg14[%swap3A_212, %swap3A_213] {strides = array<i32>} : memref<40x128xf32, #tpu.memory_space<vmem>>, vector<1x16xf32>,
      %swap3A_215 = vector.shape_cast %swap3A_214 : vector<1x16xf32> to vector<16xf32>
      %swap3A_216 = vector.shape_cast %add3A_211 : vector<16xf32> to vector<1x16xf32>
      tpu.vector_store %arg14[%swap3A_212, %swap3A_213], %swap3A_216 {strides = array<i32>} : memref<40x128xf32, #tpu.memory_space<vmem>>, vector<1x16xf32>,
      %get3A_217 = arith.index_cast %scan3A_120 : i32 to index
      %get3A_218 = arith.constant 112 : index
      %get3A_219 = tpu.vector_load %arg12[%get3A_217, %get3A_218] {strides = array<i32>} : memref<40x256xf32, #tpu.memory_space<vmem>>, vector<1x16xf32>,
      %get3A_220 = vector.shape_cast %get3A_219 : vector<1x16xf32> to vector<16xf32>
      %get3A_221 = arith.index_cast %scan3A_120 : i32 to index
      %get3A_222 = arith.constant 112 : index
      %get3A_223 = tpu.vector_load %arg13[%get3A_221, %get3A_222] {strides = array<i32>} : memref<40x256xf32, #tpu.memory_space<vmem>>, vector<1x16xf32>,
      %get3A_224 = vector.shape_cast %get3A_223 : vector<1x16xf32> to vector<16xf32>
      %add3A_225 = arith.addf %get3A_220, %get3A_224 : vector<16xf32>
      %swap3A_226 = arith.index_cast %scan3A_120 : i32 to index
      %swap3A_227 = arith.constant 112 : index
      %swap3A_228 = tpu.vector_load %arg14[%swap3A_226, %swap3A_227] {strides = array<i32>} : memref<40x128xf32, #tpu.memory_space<vmem>>, vector<1x16xf32>,
      %swap3A_229 = vector.shape_cast %swap3A_228 : vector<1x16xf32> to vector<16xf32>
      %swap3A_230 = vector.shape_cast %add3A_225 : vector<16xf32> to vector<1x16xf32>
      tpu.vector_store %arg14[%swap3A_226, %swap3A_227], %swap3A_230 {strides = array<i32>} : memref<40x128xf32, #tpu.memory_space<vmem>>, vector<1x16xf32>,
      %get3A_231 = arith.index_cast %scan3A_120 : i32 to index
      %get3A_232 = arith.constant 128 : index
      %get3A_233 = tpu.vector_load %arg12[%get3A_231, %get3A_232] {strides = array<i32>} : memref<40x256xf32, #tpu.memory_space<vmem>>, vector<1x16xf32>,
      %get3A_234 = vector.shape_cast %get3A_233 : vector<1x16xf32> to vector<16xf32>
      %get3A_235 = arith.index_cast %scan3A_120 : i32 to index
      %get3A_236 = arith.constant 128 : index
      %get3A_237 = tpu.vector_load %arg13[%get3A_235, %get3A_236] {strides = array<i32>} : memref<40x256xf32, #tpu.memory_space<vmem>>, vector<1x16xf32>,
      %get3A_238 = vector.shape_cast %get3A_237 : vector<1x16xf32> to vector<16xf32>
      %sub3A = arith.subf %get3A_234, %get3A_238 : vector<16xf32>
      %swap3A_239 = arith.index_cast %scan3A_120 : i32 to index
      %swap3A_240 = arith.constant 0 : index
      %swap3A_241 = tpu.vector_load %arg15[%swap3A_239, %swap3A_240] {strides = array<i32>} : memref<40x128xf32, #tpu.memory_space<vmem>>, vector<1x16xf32>,
      %swap3A_242 = vector.shape_cast %swap3A_241 : vector<1x16xf32> to vector<16xf32>
      %swap3A_243 = vector.shape_cast %sub3A : vector<16xf32> to vector<1x16xf32>
      tpu.vector_store %arg15[%swap3A_239, %swap3A_240], %swap3A_243 {strides = array<i32>} : memref<40x128xf32, #tpu.memory_space<vmem>>, vector<1x16xf32>,
    }
    %scan3A_99 = arith.constant 40 : i32
    %add3A_100 = arith.constant 9960 : i32
    %add3A_101 = arith.addi %mul3A_2, %add3A_100 : i32
    %dma_start3A_102 = arith.constant 0 : i32
    %dma_start3A_103 = tpu.memref_slice %arg6[%add3A_101, %dma_start3A_102] : memref<320000x128xf32, #tpu.memory_space<hbm>> -> memref<40x128xf32, #tpu.memory_space<hbm>>
    %dma_start3A_104 = arith.constant 0 : i32
    %dma_start3A_105 = tpu.memref_slice %arg6[%add3A_101, %dma_start3A_104] : memref<320000x128xf32, #tpu.memory_space<hbm>> -> memref<40x128xf32, #tpu.memory_space<hbm>>
    tpu.enqueue_dma source(%arg14 : memref<40x128xf32, #tpu.memory_space<vmem>>) target(%dma_start3A_105 : memref<40x128xf32, #tpu.memory_space<hbm>>) target_semaphore(%arg20 : memref<!tpu.dma_semaphore, #tpu.memory_space<semaphore_mem>>)
    %dma_start3A_106 = arith.constant 0 : i32
    %dma_start3A_107 = tpu.memref_slice %arg7[%add3A_101, %dma_start3A_106] : memref<320000x128xf32, #tpu.memory_space<hbm>> -> memref<40x128xf32, #tpu.memory_space<hbm>>
    %dma_start3A_108 = arith.constant 0 : i32
    %dma_start3A_109 = tpu.memref_slice %arg7[%add3A_101, %dma_start3A_108] : memref<320000x128xf32, #tpu.memory_space<hbm>> -> memref<40x128xf32, #tpu.memory_space<hbm>>
    tpu.enqueue_dma source(%arg15 : memref<40x128xf32, #tpu.memory_space<vmem>>) target(%dma_start3A_109 : memref<40x128xf32, #tpu.memory_space<hbm>>) target_semaphore(%arg20 : memref<!tpu.dma_semaphore, #tpu.memory_space<semaphore_mem>>)
    %add3A_110 = arith.constant 9960 : i32
    %add3A_111 = arith.addi %mul3A_2, %add3A_110 : i32
    %dma_wait3A_112 = arith.constant 0 : i32
    %dma_wait3A_113 = tpu.memref_slice %arg6[%add3A_111, %dma_wait3A_112] : memref<320000x128xf32, #tpu.memory_space<hbm>> -> memref<40x128xf32, #tpu.memory_space<hbm>>
    %dma_wait3A_114 = arith.constant 0 : i32
    %dma_wait3A_115 = tpu.memref_slice %arg6[%add3A_111, %dma_wait3A_114] : memref<320000x128xf32, #tpu.memory_space<hbm>> -> memref<40x128xf32, #tpu.memory_space<hbm>>
    tpu.wait_dma2 semaphore(%arg20 : memref<!tpu.dma_semaphore, #tpu.memory_space<semaphore_mem>>) src(%arg14 : memref<40x128xf32, #tpu.memory_space<vmem>>) dst(%dma_wait3A_115 : memref<40x128xf32, #tpu.memory_space<hbm>>)
    %dma_wait3A_116 = arith.constant 0 : i32
    %dma_wait3A_117 = tpu.memref_slice %arg7[%add3A_111, %dma_wait3A_116] : memref<320000x128xf32, #tpu.memory_space<hbm>> -> memref<40x128xf32, #tpu.memory_space<hbm>>
    %dma_wait3A_118 = arith.constant 0 : i32
    %dma_wait3A_119 = tpu.memref_slice %arg7[%add3A_111, %dma_wait3A_118] : memref<320000x128xf32, #tpu.memory_space<hbm>> -> memref<40x128xf32, #tpu.memory_space<hbm>>
    tpu.wait_dma2 semaphore(%arg20 : memref<!tpu.dma_semaphore, #tpu.memory_space<semaphore_mem>>) src(%arg15 : memref<40x128xf32, #tpu.memory_space<vmem>>) dst(%dma_wait3A_119 : memref<40x128xf32, #tpu.memory_space<hbm>>)
    return
  }
}

module attributes {stable_mosaic.version = 14 : i64} {
  func.func @_nodeproj_body(%arg0: i32, %arg1: memref<2000x32xf32, #tpu.memory_space<vmem>>, %arg2: memref<2000x128xf32, #tpu.memory_space<vmem>>, %arg3: memref<32x128xf32, #tpu.memory_space<vmem>>, %arg4: memref<1x128xf32, #tpu.memory_space<vmem>>, %arg5: memref<128x128xf32, #tpu.memory_space<vmem>>, %arg6: memref<128x128xf32, #tpu.memory_space<vmem>>, %arg7: memref<2000x128xf32, #tpu.memory_space<vmem>>, %arg8: memref<2000x256xf32, #tpu.memory_space<vmem>>, %arg9: memref<2000x256xf32, #tpu.memory_space<vmem>>) attributes {dimension_semantics = [#tpu.dimension_semantics<arbitrary>], iteration_bounds = array<i64: 5>, scalar_prefetch = 0 : i64, scratch_operands = 0 : i64, tpu.core_type = #tpu.core_type<tc>, window_params = [{transform_indices = @transform_0, window_bounds = array<i64: 2000, 32>}, {transform_indices = @transform_1, window_bounds = array<i64: 2000, 128>}, {pipeline_mode = #tpu.pipeline_mode<synchronous>, transform_indices = @transform_2, window_bounds = array<i64: 32, 128>}, {pipeline_mode = #tpu.pipeline_mode<synchronous>, transform_indices = @transform_3, window_bounds = array<i64: 1, 128>}, {pipeline_mode = #tpu.pipeline_mode<synchronous>, transform_indices = @transform_4, window_bounds = array<i64: 128, 128>}, {pipeline_mode = #tpu.pipeline_mode<synchronous>, transform_indices = @transform_5, window_bounds = array<i64: 128, 128>}, {transform_indices = @transform_6, window_bounds = array<i64: 2000, 128>}, {transform_indices = @transform_7, window_bounds = array<i64: 2000, 256>}, {transform_indices = @transform_8, window_bounds = array<i64: 2000, 256>}]} {
    %get3A = arith.constant 0 : index
    %get3A_0 = arith.constant 0 : index
    %get3A_1 = vector.load %arg1[%get3A, %get3A_0] : memref<2000x32xf32, #tpu.memory_space<vmem>>, vector<2000x32xf32>
    %get3A_2 = arith.constant 0 : index
    %get3A_3 = arith.constant 0 : index
    %get3A_4 = vector.load %arg3[%get3A_2, %get3A_3] : memref<32x128xf32, #tpu.memory_space<vmem>>, vector<32x128xf32>
    %dot_general3A = arith.constant dense<0.000000e+00> : vector<2000x128xf32>
    %dot_general3A_5 = tpu.matmul %get3A_1, %get3A_4, %dot_general3A {dimension_numbers = #tpu.dot_dimension_numbers<[1], [0], [0], [1], [0, 0, 1, 1], [], []>, transpose_lhs_hint = false} : vector<2000x32xf32>, vector<32x128xf32>, vector<2000x128xf32> -> vector<2000x128xf32>
    %get3A_6 = arith.constant 0 : index
    %get3A_7 = arith.constant 0 : index
    %get3A_8 = vector.load %arg4[%get3A_6, %get3A_7] : memref<1x128xf32, #tpu.memory_space<vmem>>, vector<1x128xf32>
    %add3A = vector.broadcast %get3A_8 : vector<1x128xf32> to vector<2000x128xf32>
    %add3A_9 = arith.addf %dot_general3A_5, %add3A : vector<2000x128xf32>
    %swap3A = arith.constant 0 : index
    %swap3A_10 = arith.constant 0 : index
    %swap3A_11 = vector.load %arg7[%swap3A, %swap3A_10] : memref<2000x128xf32, #tpu.memory_space<vmem>>, vector<2000x128xf32>
    tpu.vector_store %arg7[%swap3A, %swap3A_10], %add3A_9 {strides = array<i32>} : memref<2000x128xf32, #tpu.memory_space<vmem>>, vector<2000x128xf32>,
    %get3A_12 = arith.constant 0 : index
    %get3A_13 = arith.constant 0 : index
    %get3A_14 = vector.load %arg2[%get3A_12, %get3A_13] : memref<2000x128xf32, #tpu.memory_space<vmem>>, vector<2000x128xf32>
    %get3A_15 = arith.constant 0 : index
    %get3A_16 = arith.constant 0 : index
    %get3A_17 = vector.load %arg5[%get3A_15, %get3A_16] : memref<128x128xf32, #tpu.memory_space<vmem>>, vector<128x128xf32>
    %dot_general3A_18 = arith.constant dense<0.000000e+00> : vector<2000x128xf32>
    %dot_general3A_19 = tpu.matmul %add3A_9, %get3A_17, %dot_general3A_18 {dimension_numbers = #tpu.dot_dimension_numbers<[1], [0], [0], [1], [0, 0, 1, 1], [], []>, transpose_lhs_hint = false} : vector<2000x128xf32>, vector<128x128xf32>, vector<2000x128xf32> -> vector<2000x128xf32>
    %get3A_20 = arith.constant 0 : index
    %get3A_21 = arith.constant 0 : index
    %get3A_22 = vector.load %arg6[%get3A_20, %get3A_21] : memref<128x128xf32, #tpu.memory_space<vmem>>, vector<128x128xf32>
    %dot_general3A_23 = arith.constant dense<0.000000e+00> : vector<2000x128xf32>
    %dot_general3A_24 = tpu.matmul %add3A_9, %get3A_22, %dot_general3A_23 {dimension_numbers = #tpu.dot_dimension_numbers<[1], [0], [0], [1], [0, 0, 1, 1], [], []>, transpose_lhs_hint = false} : vector<2000x128xf32>, vector<128x128xf32>, vector<2000x128xf32> -> vector<2000x128xf32>
    %concatenate3A = tpu.concatenate %dot_general3A_19, %get3A_14 in 1 : vector<2000x128xf32>, vector<2000x128xf32> -> vector<2000x256xf32>
    %swap3A_25 = arith.constant 0 : index
    %swap3A_26 = arith.constant 0 : index
    %swap3A_27 = vector.load %arg8[%swap3A_25, %swap3A_26] : memref<2000x256xf32, #tpu.memory_space<vmem>>, vector<2000x256xf32>
    tpu.vector_store %arg8[%swap3A_25, %swap3A_26], %concatenate3A {strides = array<i32>} : memref<2000x256xf32, #tpu.memory_space<vmem>>, vector<2000x256xf32>,
    %concatenate3A_28 = tpu.concatenate %dot_general3A_24, %get3A_14 in 1 : vector<2000x128xf32>, vector<2000x128xf32> -> vector<2000x256xf32>
    %swap3A_29 = arith.constant 0 : index
    %swap3A_30 = arith.constant 0 : index
    %swap3A_31 = vector.load %arg9[%swap3A_29, %swap3A_30] : memref<2000x256xf32, #tpu.memory_space<vmem>>, vector<2000x256xf32>
    tpu.vector_store %arg9[%swap3A_29, %swap3A_30], %concatenate3A_28 {strides = array<i32>} : memref<2000x256xf32, #tpu.memory_space<vmem>>, vector<2000x256xf32>,
    return
  }
  func.func @transform_0(%arg0: i32) -> (i32, i32) {
    %c0_i32 = arith.constant 0 : i32
    %c0_i32_0 = arith.constant 0 : i32
    return %arg0, %c0_i32 : i32, i32
  }
  func.func @transform_1(%arg0: i32) -> (i32, i32) {
    %c0_i32 = arith.constant 0 : i32
    %c0_i32_0 = arith.constant 0 : i32
    return %arg0, %c0_i32 : i32, i32
  }
  func.func @transform_2(%arg0: i32) -> (i32, i32) {
    %c0_i32 = arith.constant 0 : i32
    %c0_i32_0 = arith.constant 0 : i32
    %c0_i32_1 = arith.constant 0 : i32
    return %c0_i32, %c0_i32_0 : i32, i32
  }
  func.func @transform_3(%arg0: i32) -> (i32, i32) {
    %c0_i32 = arith.constant 0 : i32
    %c0_i32_0 = arith.constant 0 : i32
    %c0_i32_1 = arith.constant 0 : i32
    return %c0_i32, %c0_i32_0 : i32, i32
  }
  func.func @transform_4(%arg0: i32) -> (i32, i32) {
    %c0_i32 = arith.constant 0 : i32
    %c0_i32_0 = arith.constant 0 : i32
    %c0_i32_1 = arith.constant 0 : i32
    return %c0_i32, %c0_i32_0 : i32, i32
  }
  func.func @transform_5(%arg0: i32) -> (i32, i32) {
    %c0_i32 = arith.constant 0 : i32
    %c0_i32_0 = arith.constant 0 : i32
    %c0_i32_1 = arith.constant 0 : i32
    return %c0_i32, %c0_i32_0 : i32, i32
  }
  func.func @transform_6(%arg0: i32) -> (i32, i32) {
    %c0_i32 = arith.constant 0 : i32
    %c0_i32_0 = arith.constant 0 : i32
    return %arg0, %c0_i32 : i32, i32
  }
  func.func @transform_7(%arg0: i32) -> (i32, i32) {
    %c0_i32 = arith.constant 0 : i32
    %c0_i32_0 = arith.constant 0 : i32
    return %arg0, %c0_i32 : i32, i32
  }
  func.func @transform_8(%arg0: i32) -> (i32, i32) {
    %c0_i32 = arith.constant 0 : i32
    %c0_i32_0 = arith.constant 0 : i32
    return %arg0, %c0_i32 : i32, i32
  }
}

module attributes {stable_mosaic.version = 14 : i64} {
  func.func @_edge_body(%arg0: i32, %arg1: memref<1280x128xf32, #tpu.memory_space<vmem>>, %arg2: memref<1280x128xf32, #tpu.memory_space<vmem>>, %arg3: memref<1280x16xf32, #tpu.memory_space<vmem>>, %arg4: memref<1x128xf32, #tpu.memory_space<vmem>>, %arg5: memref<16x128xf32, #tpu.memory_space<vmem>>, %arg6: memref<1x128xf32, #tpu.memory_space<vmem>>, %arg7: memref<128x128xf32, #tpu.memory_space<vmem>>, %arg8: memref<1x128xf32, #tpu.memory_space<vmem>>, %arg9: memref<1280x128xf32, #tpu.memory_space<vmem>>) attributes {dimension_semantics = [#tpu.dimension_semantics<arbitrary>], iteration_bounds = array<i64: 250>, scalar_prefetch = 0 : i64, scratch_operands = 0 : i64, tpu.core_type = #tpu.core_type<tc>, window_params = [{transform_indices = @transform_0, window_bounds = array<i64: 1280, 128>}, {transform_indices = @transform_1, window_bounds = array<i64: 1280, 128>}, {transform_indices = @transform_2, window_bounds = array<i64: 1280, 16>}, {pipeline_mode = #tpu.pipeline_mode<synchronous>, transform_indices = @transform_3, window_bounds = array<i64: 1, 128>}, {pipeline_mode = #tpu.pipeline_mode<synchronous>, transform_indices = @transform_4, window_bounds = array<i64: 16, 128>}, {pipeline_mode = #tpu.pipeline_mode<synchronous>, transform_indices = @transform_5, window_bounds = array<i64: 1, 128>}, {pipeline_mode = #tpu.pipeline_mode<synchronous>, transform_indices = @transform_6, window_bounds = array<i64: 128, 128>}, {pipeline_mode = #tpu.pipeline_mode<synchronous>, transform_indices = @transform_7, window_bounds = array<i64: 1, 128>}, {transform_indices = @transform_8, window_bounds = array<i64: 1280, 128>}]} {
    %get3A = arith.constant 0 : index
    %get3A_0 = arith.constant 0 : index
    %get3A_1 = vector.load %arg2[%get3A, %get3A_0] : memref<1280x128xf32, #tpu.memory_space<vmem>>, vector<1280x128xf32>
    %mul3A = arith.mulf %get3A_1, %get3A_1 : vector<1280x128xf32>
    %reduce_sum3A = arith.constant dense<0.000000e+00> : vector<1280xf32>
    %reduce_sum3A_2 = vector.multi_reduction <add>, %mul3A, %reduce_sum3A [1] : vector<1280x128xf32> to vector<1280xf32>
    %broadcast_in_dim3A = vector.shape_cast %reduce_sum3A_2 : vector<1280xf32> to vector<1280x1xf32>
    %convert_element_type3A = arith.truncf %broadcast_in_dim3A : vector<1280x1xf32> to vector<1280x1xbf16>
    %convert_element_type3A_3 = arith.extf %convert_element_type3A : vector<1280x1xbf16> to vector<1280x1xf32>
    %get3A_4 = arith.constant 0 : index
    %get3A_5 = arith.constant 0 : index
    %get3A_6 = vector.load %arg4[%get3A_4, %get3A_5] : memref<1x128xf32, #tpu.memory_space<vmem>>, vector<1x128xf32>
    %convert_element_type3A_7 = arith.truncf %get3A_6 : vector<1x128xf32> to vector<1x128xbf16>
    %convert_element_type3A_8 = arith.extf %convert_element_type3A_7 : vector<1x128xbf16> to vector<1x128xf32>
    %get3A_9 = arith.constant 0 : index
    %get3A_10 = arith.constant 0 : index
    %get3A_11 = vector.load %arg1[%get3A_9, %get3A_10] : memref<1280x128xf32, #tpu.memory_space<vmem>>, vector<1280x128xf32>
    %mul3A_12 = vector.broadcast %convert_element_type3A_3 : vector<1280x1xf32> to vector<1280x128xf32>
    %mul3A_13 = vector.broadcast %convert_element_type3A_8 : vector<1x128xf32> to vector<1280x128xf32>
    %mul3A_14 = arith.mulf %mul3A_12, %mul3A_13 : vector<1280x128xf32>
    %add3A = arith.addf %get3A_11, %mul3A_14 : vector<1280x128xf32>
    %get3A_15 = arith.constant 0 : index
    %get3A_16 = arith.constant 0 : index
    %get3A_17 = vector.load %arg3[%get3A_15, %get3A_16] : memref<1280x16xf32, #tpu.memory_space<vmem>>, vector<1280x16xf32>
    %get3A_18 = arith.constant 0 : index
    %get3A_19 = arith.constant 0 : index
    %get3A_20 = vector.load %arg5[%get3A_18, %get3A_19] : memref<16x128xf32, #tpu.memory_space<vmem>>, vector<16x128xf32>
    %dot_general3A = arith.constant dense<0.000000e+00> : vector<1280x128xf32>
    %dot_general3A_21 = tpu.matmul %get3A_17, %get3A_20, %dot_general3A {dimension_numbers = #tpu.dot_dimension_numbers<[1], [0], [0], [1], [0, 0, 1, 1], [], []>, transpose_lhs_hint = false} : vector<1280x16xf32>, vector<16x128xf32>, vector<1280x128xf32> -> vector<1280x128xf32>
    %add3A_22 = arith.addf %add3A, %dot_general3A_21 : vector<1280x128xf32>
    %get3A_23 = arith.constant 0 : index
    %get3A_24 = arith.constant 0 : index
    %get3A_25 = vector.load %arg6[%get3A_23, %get3A_24] : memref<1x128xf32, #tpu.memory_space<vmem>>, vector<1x128xf32>
    %add3A_26 = vector.broadcast %get3A_25 : vector<1x128xf32> to vector<1280x128xf32>
    %add3A_27 = arith.addf %add3A_22, %add3A_26 : vector<1280x128xf32>
    %logistic3A = arith.negf %add3A_27 : vector<1280x128xf32>
    %logistic3A_28 = math.exp %logistic3A : vector<1280x128xf32>
    %logistic3A_29 = arith.constant 1.000000e+00 : f32
    %logistic3A_30 = vector.broadcast %logistic3A_29 : f32 to vector<1280x128xf32>
    %logistic3A_31 = arith.addf %logistic3A_30, %logistic3A_28 : vector<1280x128xf32>
    %logistic3A_32 = arith.divf %logistic3A_30, %logistic3A_31 : vector<1280x128xf32>
    %mul3A_33 = arith.mulf %add3A_27, %logistic3A_32 : vector<1280x128xf32>
    %get3A_34 = arith.constant 0 : index
    %get3A_35 = arith.constant 0 : index
    %get3A_36 = vector.load %arg7[%get3A_34, %get3A_35] : memref<128x128xf32, #tpu.memory_space<vmem>>, vector<128x128xf32>
    %dot_general3A_37 = arith.constant dense<0.000000e+00> : vector<1280x128xf32>
    %dot_general3A_38 = tpu.matmul %mul3A_33, %get3A_36, %dot_general3A_37 {dimension_numbers = #tpu.dot_dimension_numbers<[1], [0], [0], [1], [0, 0, 1, 1], [], []>, transpose_lhs_hint = false} : vector<1280x128xf32>, vector<128x128xf32>, vector<1280x128xf32> -> vector<1280x128xf32>
    %get3A_39 = arith.constant 0 : index
    %get3A_40 = arith.constant 0 : index
    %get3A_41 = vector.load %arg8[%get3A_39, %get3A_40] : memref<1x128xf32, #tpu.memory_space<vmem>>, vector<1x128xf32>
    %add3A_42 = vector.broadcast %get3A_41 : vector<1x128xf32> to vector<1280x128xf32>
    %add3A_43 = arith.addf %dot_general3A_38, %add3A_42 : vector<1280x128xf32>
    %logistic3A_44 = arith.negf %add3A_43 : vector<1280x128xf32>
    %logistic3A_45 = math.exp %logistic3A_44 : vector<1280x128xf32>
    %logistic3A_46 = arith.constant 1.000000e+00 : f32
    %logistic3A_47 = vector.broadcast %logistic3A_46 : f32 to vector<1280x128xf32>
    %logistic3A_48 = arith.addf %logistic3A_47, %logistic3A_45 : vector<1280x128xf32>
    %logistic3A_49 = arith.divf %logistic3A_47, %logistic3A_48 : vector<1280x128xf32>
    %mul3A_50 = arith.mulf %add3A_43, %logistic3A_49 : vector<1280x128xf32>
    %swap3A = arith.constant 0 : index
    %swap3A_51 = arith.constant 0 : index
    %swap3A_52 = vector.load %arg9[%swap3A, %swap3A_51] : memref<1280x128xf32, #tpu.memory_space<vmem>>, vector<1280x128xf32>
    tpu.vector_store %arg9[%swap3A, %swap3A_51], %mul3A_50 {strides = array<i32>} : memref<1280x128xf32, #tpu.memory_space<vmem>>, vector<1280x128xf32>,
    return
  }
  func.func @transform_0(%arg0: i32) -> (i32, i32) {
    %c0_i32 = arith.constant 0 : i32
    %c0_i32_0 = arith.constant 0 : i32
    return %arg0, %c0_i32 : i32, i32
  }
  func.func @transform_1(%arg0: i32) -> (i32, i32) {
    %c0_i32 = arith.constant 0 : i32
    %c0_i32_0 = arith.constant 0 : i32
    return %arg0, %c0_i32 : i32, i32
  }
  func.func @transform_2(%arg0: i32) -> (i32, i32) {
    %c0_i32 = arith.constant 0 : i32
    %c0_i32_0 = arith.constant 0 : i32
    return %arg0, %c0_i32 : i32, i32
  }
  func.func @transform_3(%arg0: i32) -> (i32, i32) {
    %c0_i32 = arith.constant 0 : i32
    %c0_i32_0 = arith.constant 0 : i32
    %c0_i32_1 = arith.constant 0 : i32
    return %c0_i32, %c0_i32_0 : i32, i32
  }
  func.func @transform_4(%arg0: i32) -> (i32, i32) {
    %c0_i32 = arith.constant 0 : i32
    %c0_i32_0 = arith.constant 0 : i32
    %c0_i32_1 = arith.constant 0 : i32
    return %c0_i32, %c0_i32_0 : i32, i32
  }
  func.func @transform_5(%arg0: i32) -> (i32, i32) {
    %c0_i32 = arith.constant 0 : i32
    %c0_i32_0 = arith.constant 0 : i32
    %c0_i32_1 = arith.constant 0 : i32
    return %c0_i32, %c0_i32_0 : i32, i32
  }
  func.func @transform_6(%arg0: i32) -> (i32, i32) {
    %c0_i32 = arith.constant 0 : i32
    %c0_i32_0 = arith.constant 0 : i32
    %c0_i32_1 = arith.constant 0 : i32
    return %c0_i32, %c0_i32_0 : i32, i32
  }
  func.func @transform_7(%arg0: i32) -> (i32, i32) {
    %c0_i32 = arith.constant 0 : i32
    %c0_i32_0 = arith.constant 0 : i32
    %c0_i32_1 = arith.constant 0 : i32
    return %c0_i32, %c0_i32_0 : i32, i32
  }
  func.func @transform_8(%arg0: i32) -> (i32, i32) {
    %c0_i32 = arith.constant 0 : i32
    %c0_i32_0 = arith.constant 0 : i32
    return %arg0, %c0_i32 : i32, i32
  }
}

module attributes {stable_mosaic.version = 14 : i64} {
  func.func @_node_body(%arg0: i32, %arg1: memref<2000x128xf32, #tpu.memory_space<vmem>>, %arg2: memref<2000x128xf32, #tpu.memory_space<vmem>>, %arg3: memref<2000x128xf32, #tpu.memory_space<vmem>>, %arg4: memref<2000x1xi32, #tpu.memory_space<vmem>>, %arg5: memref<128x128xf32, #tpu.memory_space<vmem>>, %arg6: memref<128x128xf32, #tpu.memory_space<vmem>>, %arg7: memref<1x128xf32, #tpu.memory_space<vmem>>, %arg8: memref<128x128xf32, #tpu.memory_space<vmem>>, %arg9: memref<1x128xf32, #tpu.memory_space<vmem>>, %arg10: memref<128x128xf32, #tpu.memory_space<vmem>>, %arg11: memref<1x128xf32, #tpu.memory_space<vmem>>, %arg12: memref<128x1xf32, #tpu.memory_space<vmem>>, %arg13: memref<1x1xf32, #tpu.memory_space<vmem>>, %arg14: memref<64x1xf32, #tpu.memory_space<vmem>>, %arg15: memref<64x128xf32, #tpu.memory_space<vmem>>, %arg16: memref<64x1xf32, #tpu.memory_space<vmem>>) attributes {dimension_semantics = [#tpu.dimension_semantics<arbitrary>], iteration_bounds = array<i64: 5>, scalar_prefetch = 0 : i64, scratch_operands = 2 : i64, tpu.core_type = #tpu.core_type<tc>, window_params = [{transform_indices = @transform_0, window_bounds = array<i64: 2000, 128>}, {transform_indices = @transform_1, window_bounds = array<i64: 2000, 128>}, {transform_indices = @transform_2, window_bounds = array<i64: 2000, 128>}, {transform_indices = @transform_3, window_bounds = array<i64: 2000, 1>}, {pipeline_mode = #tpu.pipeline_mode<synchronous>, transform_indices = @transform_4, window_bounds = array<i64: 128, 128>}, {pipeline_mode = #tpu.pipeline_mode<synchronous>, transform_indices = @transform_5, window_bounds = array<i64: 128, 128>}, {pipeline_mode = #tpu.pipeline_mode<synchronous>, transform_indices = @transform_6, window_bounds = array<i64: 1, 128>}, {pipeline_mode = #tpu.pipeline_mode<synchronous>, transform_indices = @transform_7, window_bounds = array<i64: 128, 128>}, {pipeline_mode = #tpu.pipeline_mode<synchronous>, transform_indices = @transform_8, window_bounds = array<i64: 1, 128>}, {pipeline_mode = #tpu.pipeline_mode<synchronous>, transform_indices = @transform_9, window_bounds = array<i64: 128, 128>}, {pipeline_mode = #tpu.pipeline_mode<synchronous>, transform_indices = @transform_10, window_bounds = array<i64: 1, 128>}, {pipeline_mode = #tpu.pipeline_mode<synchronous>, transform_indices = @transform_11, window_bounds = array<i64: 128, 1>}, {pipeline_mode = #tpu.pipeline_mode<synchronous>, transform_indices = @transform_12, window_bounds = array<i64: 1, 1>}, {pipeline_mode = #tpu.pipeline_mode<synchronous>, transform_indices = @transform_13, window_bounds = array<i64: 64, 1>}]} {
    %get3A = arith.constant 0 : index
    %get3A_0 = arith.constant 0 : index
    %get3A_1 = vector.load %arg2[%get3A, %get3A_0] : memref<2000x128xf32, #tpu.memory_space<vmem>>, vector<2000x128xf32>
    %get3A_2 = arith.constant 0 : index
    %get3A_3 = arith.constant 0 : index
    %get3A_4 = vector.load %arg3[%get3A_2, %get3A_3] : memref<2000x128xf32, #tpu.memory_space<vmem>>, vector<2000x128xf32>
    %add3A = arith.addf %get3A_1, %get3A_4 : vector<2000x128xf32>
    %get3A_5 = arith.constant 0 : index
    %get3A_6 = arith.constant 0 : index
    %get3A_7 = vector.load %arg1[%get3A_5, %get3A_6] : memref<2000x128xf32, #tpu.memory_space<vmem>>, vector<2000x128xf32>
    %get3A_8 = arith.constant 0 : index
    %get3A_9 = arith.constant 0 : index
    %get3A_10 = vector.load %arg5[%get3A_8, %get3A_9] : memref<128x128xf32, #tpu.memory_space<vmem>>, vector<128x128xf32>
    %dot_general3A = arith.constant dense<0.000000e+00> : vector<2000x128xf32>
    %dot_general3A_11 = tpu.matmul %get3A_7, %get3A_10, %dot_general3A {dimension_numbers = #tpu.dot_dimension_numbers<[1], [0], [0], [1], [0, 0, 1, 1], [], []>, transpose_lhs_hint = false} : vector<2000x128xf32>, vector<128x128xf32>, vector<2000x128xf32> -> vector<2000x128xf32>
    %get3A_12 = arith.constant 0 : index
    %get3A_13 = arith.constant 0 : index
    %get3A_14 = vector.load %arg6[%get3A_12, %get3A_13] : memref<128x128xf32, #tpu.memory_space<vmem>>, vector<128x128xf32>
    %dot_general3A_15 = arith.constant dense<0.000000e+00> : vector<2000x128xf32>
    %dot_general3A_16 = tpu.matmul %add3A, %get3A_14, %dot_general3A_15 {dimension_numbers = #tpu.dot_dimension_numbers<[1], [0], [0], [1], [0, 0, 1, 1], [], []>, transpose_lhs_hint = false} : vector<2000x128xf32>, vector<128x128xf32>, vector<2000x128xf32> -> vector<2000x128xf32>
    %add3A_17 = arith.addf %dot_general3A_11, %dot_general3A_16 : vector<2000x128xf32>
    %get3A_18 = arith.constant 0 : index
    %get3A_19 = arith.constant 0 : index
    %get3A_20 = vector.load %arg7[%get3A_18, %get3A_19] : memref<1x128xf32, #tpu.memory_space<vmem>>, vector<1x128xf32>
    %add3A_21 = vector.broadcast %get3A_20 : vector<1x128xf32> to vector<2000x128xf32>
    %add3A_22 = arith.addf %add3A_17, %add3A_21 : vector<2000x128xf32>
    %logistic3A = arith.negf %add3A_22 : vector<2000x128xf32>
    %logistic3A_23 = math.exp %logistic3A : vector<2000x128xf32>
    %logistic3A_24 = arith.constant 1.000000e+00 : f32
    %logistic3A_25 = vector.broadcast %logistic3A_24 : f32 to vector<2000x128xf32>
    %logistic3A_26 = arith.addf %logistic3A_25, %logistic3A_23 : vector<2000x128xf32>
    %logistic3A_27 = arith.divf %logistic3A_25, %logistic3A_26 : vector<2000x128xf32>
    %mul3A = arith.mulf %add3A_22, %logistic3A_27 : vector<2000x128xf32>
    %get3A_28 = arith.constant 0 : index
    %get3A_29 = arith.constant 0 : index
    %get3A_30 = vector.load %arg1[%get3A_28, %get3A_29] : memref<2000x128xf32, #tpu.memory_space<vmem>>, vector<2000x128xf32>
    %get3A_31 = arith.constant 0 : index
    %get3A_32 = arith.constant 0 : index
    %get3A_33 = vector.load %arg8[%get3A_31, %get3A_32] : memref<128x128xf32, #tpu.memory_space<vmem>>, vector<128x128xf32>
    %dot_general3A_34 = arith.constant dense<0.000000e+00> : vector<2000x128xf32>
    %dot_general3A_35 = tpu.matmul %mul3A, %get3A_33, %dot_general3A_34 {dimension_numbers = #tpu.dot_dimension_numbers<[1], [0], [0], [1], [0, 0, 1, 1], [], []>, transpose_lhs_hint = false} : vector<2000x128xf32>, vector<128x128xf32>, vector<2000x128xf32> -> vector<2000x128xf32>
    %add3A_36 = arith.addf %get3A_30, %dot_general3A_35 : vector<2000x128xf32>
    %get3A_37 = arith.constant 0 : index
    %get3A_38 = arith.constant 0 : index
    %get3A_39 = vector.load %arg9[%get3A_37, %get3A_38] : memref<1x128xf32, #tpu.memory_space<vmem>>, vector<1x128xf32>
    %add3A_40 = vector.broadcast %get3A_39 : vector<1x128xf32> to vector<2000x128xf32>
    %add3A_41 = arith.addf %add3A_36, %add3A_40 : vector<2000x128xf32>
    %get3A_42 = arith.constant 0 : index
    %get3A_43 = arith.constant 0 : index
    %get3A_44 = vector.load %arg4[%get3A_42, %get3A_43] : memref<2000x1xi32, #tpu.memory_space<vmem>>, vector<2000x1xi32>
    %iota3A = tpu.iota {dimensions = array<i32: 1>} : vector<1x64xi32>
    %eq3A = vector.broadcast %get3A_44 : vector<2000x1xi32> to vector<2000x64xi32>
    %eq3A_45 = vector.broadcast %iota3A : vector<1x64xi32> to vector<2000x64xi32>
    %eq3A_46 = arith.cmpi eq, %eq3A, %eq3A_45 : vector<2000x64xi32>
    %convert_element_type3A = arith.extui %eq3A_46 : vector<2000x64xi1> to vector<2000x64xi32>
    %convert_element_type3A_47 = arith.sitofp %convert_element_type3A : vector<2000x64xi32> to vector<2000x64xf32>
    %dot_general3A_48 = arith.constant dense<0.000000e+00> : vector<64x128xf32>
    %dot_general3A_49 = tpu.matmul %convert_element_type3A_47, %add3A_41, %dot_general3A_48 {dimension_numbers = #tpu.dot_dimension_numbers<[0], [0], [1], [1], [0, 1, 1, 1], [], []>, precision = #tpu.contract_precision<fp32>, transpose_lhs_hint = false} : vector<2000x64xf32>, vector<2000x128xf32>, vector<64x128xf32> -> vector<64x128xf32>
    %broadcast_in_dim3A = arith.constant 1.000000e+00 : f32
    %broadcast_in_dim3A_50 = vector.broadcast %broadcast_in_dim3A : f32 to vector<2000x1xf32>
    %dot_general3A_51 = arith.constant dense<0.000000e+00> : vector<64x1xf32>
    %dot_general3A_52 = tpu.matmul %convert_element_type3A_47, %broadcast_in_dim3A_50, %dot_general3A_51 {dimension_numbers = #tpu.dot_dimension_numbers<[0], [0], [1], [1], [0, 1, 1, 1], [], []>, precision = #tpu.contract_precision<fp32>, transpose_lhs_hint = false} : vector<2000x64xf32>, vector<2000x1xf32>, vector<64x1xf32> -> vector<64x1xf32>
    %eq3A_53 = arith.constant 0 : i32
    %eq3A_54 = arith.cmpi eq, %arg0, %eq3A_53 : i32
    %convert_element_type3A_55 = arith.extui %eq3A_54 : i1 to i32
    %cond3A = arith.constant 0 : i32
    %cond3A_56 = arith.cmpi ne, %convert_element_type3A_55, %cond3A : i32
    scf.if %cond3A_56 {
      %swap3A = arith.constant 0 : index
      %swap3A_66 = arith.constant 0 : index
      %swap3A_67 = vector.load %arg15[%swap3A, %swap3A_66] : memref<64x128xf32, #tpu.memory_space<vmem>>, vector<64x128xf32>
      tpu.vector_store %arg15[%swap3A, %swap3A_66], %dot_general3A_49 {strides = array<i32>} : memref<64x128xf32, #tpu.memory_space<vmem>>, vector<64x128xf32>,
      %swap3A_68 = arith.constant 0 : index
      %swap3A_69 = arith.constant 0 : index
      %swap3A_70 = vector.load %arg16[%swap3A_68, %swap3A_69] : memref<64x1xf32, #tpu.memory_space<vmem>>, vector<64x1xf32>
      tpu.vector_store %arg16[%swap3A_68, %swap3A_69], %dot_general3A_52 {strides = array<i32>} : memref<64x1xf32, #tpu.memory_space<vmem>>, vector<64x1xf32>,
    } else {
    }
    %gt3A = arith.constant 0 : i32
    %gt3A_57 = arith.cmpi sgt, %arg0, %gt3A : i32
    %convert_element_type3A_58 = arith.extui %gt3A_57 : i1 to i32
    %cond3A_59 = arith.constant 0 : i32
    %cond3A_60 = arith.cmpi ne, %convert_element_type3A_58, %cond3A_59 : i32
    scf.if %cond3A_60 {
      %get3A_66 = arith.constant 0 : index
      %get3A_67 = arith.constant 0 : index
      %get3A_68 = vector.load %arg15[%get3A_66, %get3A_67] : memref<64x128xf32, #tpu.memory_space<vmem>>, vector<64x128xf32>
      %add3A_69 = arith.addf %get3A_68, %dot_general3A_49 : vector<64x128xf32>
      %swap3A = arith.constant 0 : index
      %swap3A_70 = arith.constant 0 : index
      %swap3A_71 = vector.load %arg15[%swap3A, %swap3A_70] : memref<64x128xf32, #tpu.memory_space<vmem>>, vector<64x128xf32>
      tpu.vector_store %arg15[%swap3A, %swap3A_70], %add3A_69 {strides = array<i32>} : memref<64x128xf32, #tpu.memory_space<vmem>>, vector<64x128xf32>,
      %get3A_72 = arith.constant 0 : index
      %get3A_73 = arith.constant 0 : index
      %get3A_74 = vector.load %arg16[%get3A_72, %get3A_73] : memref<64x1xf32, #tpu.memory_space<vmem>>, vector<64x1xf32>
      %add3A_75 = arith.addf %get3A_74, %dot_general3A_52 : vector<64x1xf32>
      %swap3A_76 = arith.constant 0 : index
      %swap3A_77 = arith.constant 0 : index
      %swap3A_78 = vector.load %arg16[%swap3A_76, %swap3A_77] : memref<64x1xf32, #tpu.memory_space<vmem>>, vector<64x1xf32>
      tpu.vector_store %arg16[%swap3A_76, %swap3A_77], %add3A_75 {strides = array<i32>} : memref<64x1xf32, #tpu.memory_space<vmem>>, vector<64x1xf32>,
    } else {
    }
    %eq3A_61 = arith.constant 4 : i32
    %eq3A_62 = arith.cmpi eq, %arg0, %eq3A_61 : i32
    %convert_element_type3A_63 = arith.extui %eq3A_62 : i1 to i32
    %cond3A_64 = arith.constant 0 : i32
    %cond3A_65 = arith.cmpi ne, %convert_element_type3A_63, %cond3A_64 : i32
    scf.if %cond3A_65 {
      %get3A_66 = arith.constant 0 : index
      %get3A_67 = arith.constant 0 : index
      %get3A_68 = vector.load %arg15[%get3A_66, %get3A_67] : memref<64x128xf32, #tpu.memory_space<vmem>>, vector<64x128xf32>
      %get3A_69 = arith.constant 0 : index
      %get3A_70 = arith.constant 0 : index
      %get3A_71 = vector.load %arg16[%get3A_69, %get3A_70] : memref<64x1xf32, #tpu.memory_space<vmem>>, vector<64x1xf32>
      %max3A = arith.constant 1.000000e+00 : f32
      %max3A_72 = vector.broadcast %max3A : f32 to vector<64x1xf32>
      %max3A_73 = arith.maximumf %get3A_71, %max3A_72 : vector<64x1xf32>
      %div3A = vector.broadcast %max3A_73 : vector<64x1xf32> to vector<64x128xf32>
      %div3A_74 = arith.divf %get3A_68, %div3A : vector<64x128xf32>
      %get3A_75 = arith.constant 0 : index
      %get3A_76 = arith.constant 0 : index
      %get3A_77 = vector.load %arg10[%get3A_75, %get3A_76] : memref<128x128xf32, #tpu.memory_space<vmem>>, vector<128x128xf32>
      %dot_general3A_78 = arith.constant dense<0.000000e+00> : vector<64x128xf32>
      %dot_general3A_79 = tpu.matmul %div3A_74, %get3A_77, %dot_general3A_78 {dimension_numbers = #tpu.dot_dimension_numbers<[1], [0], [0], [1], [0, 0, 1, 1], [], []>, transpose_lhs_hint = false} : vector<64x128xf32>, vector<128x128xf32>, vector<64x128xf32> -> vector<64x128xf32>
      %get3A_80 = arith.constant 0 : index
      %get3A_81 = arith.constant 0 : index
      %get3A_82 = vector.load %arg11[%get3A_80, %get3A_81] : memref<1x128xf32, #tpu.memory_space<vmem>>, vector<1x128xf32>
      %add3A_83 = vector.broadcast %get3A_82 : vector<1x128xf32> to vector<64x128xf32>
      %add3A_84 = arith.addf %dot_general3A_79, %add3A_83 : vector<64x128xf32>
      %logistic3A_85 = arith.negf %add3A_84 : vector<64x128xf32>
      %logistic3A_86 = math.exp %logistic3A_85 : vector<64x128xf32>
      %logistic3A_87 = arith.constant 1.000000e+00 : f32
      %logistic3A_88 = vector.broadcast %logistic3A_87 : f32 to vector<64x128xf32>
      %logistic3A_89 = arith.addf %logistic3A_88, %logistic3A_86 : vector<64x128xf32>
      %logistic3A_90 = arith.divf %logistic3A_88, %logistic3A_89 : vector<64x128xf32>
      %mul3A_91 = arith.mulf %add3A_84, %logistic3A_90 : vector<64x128xf32>
      %get3A_92 = arith.constant 0 : index
      %get3A_93 = arith.constant 0 : index
      %get3A_94 = vector.load %arg12[%get3A_92, %get3A_93] : memref<128x1xf32, #tpu.memory_space<vmem>>, vector<128x1xf32>
      %dot_general3A_95 = arith.constant dense<0.000000e+00> : vector<64x1xf32>
      %dot_general3A_96 = tpu.matmul %mul3A_91, %get3A_94, %dot_general3A_95 {dimension_numbers = #tpu.dot_dimension_numbers<[1], [0], [0], [1], [0, 0, 1, 1], [], []>, transpose_lhs_hint = false} : vector<64x128xf32>, vector<128x1xf32>, vector<64x1xf32> -> vector<64x1xf32>
      %get3A_97 = arith.constant 0 : index
      %get3A_98 = arith.constant 0 : index
      %get3A_99 = vector.load %arg13[%get3A_97, %get3A_98] : memref<1x1xf32, #tpu.memory_space<vmem>>, vector<1x1xf32>
      %add3A_100 = vector.broadcast %get3A_99 : vector<1x1xf32> to vector<64x1xf32>
      %add3A_101 = arith.addf %dot_general3A_96, %add3A_100 : vector<64x1xf32>
      %swap3A = arith.constant 0 : index
      %swap3A_102 = arith.constant 0 : index
      %swap3A_103 = vector.load %arg14[%swap3A, %swap3A_102] : memref<64x1xf32, #tpu.memory_space<vmem>>, vector<64x1xf32>
      tpu.vector_store %arg14[%swap3A, %swap3A_102], %add3A_101 {strides = array<i32>} : memref<64x1xf32, #tpu.memory_space<vmem>>, vector<64x1xf32>,
    } else {
    }
    return
  }
  func.func @transform_0(%arg0: i32) -> (i32, i32) {
    %c0_i32 = arith.constant 0 : i32
    %c0_i32_0 = arith.constant 0 : i32
    return %arg0, %c0_i32 : i32, i32
  }
  func.func @transform_1(%arg0: i32) -> (i32, i32) {
    %c0_i32 = arith.constant 0 : i32
    %c0_i32_0 = arith.constant 0 : i32
    return %arg0, %c0_i32 : i32, i32
  }
  func.func @transform_2(%arg0: i32) -> (i32, i32) {
    %c0_i32 = arith.constant 0 : i32
    %c0_i32_0 = arith.constant 0 : i32
    return %arg0, %c0_i32 : i32, i32
  }
  func.func @transform_3(%arg0: i32) -> (i32, i32) {
    %c0_i32 = arith.constant 0 : i32
    %c0_i32_0 = arith.constant 0 : i32
    return %arg0, %c0_i32 : i32, i32
  }
  func.func @transform_4(%arg0: i32) -> (i32, i32) {
    %c0_i32 = arith.constant 0 : i32
    %c0_i32_0 = arith.constant 0 : i32
    %c0_i32_1 = arith.constant 0 : i32
    return %c0_i32, %c0_i32_0 : i32, i32
  }
  func.func @transform_5(%arg0: i32) -> (i32, i32) {
    %c0_i32 = arith.constant 0 : i32
    %c0_i32_0 = arith.constant 0 : i32
    %c0_i32_1 = arith.constant 0 : i32
    return %c0_i32, %c0_i32_0 : i32, i32
  }
  func.func @transform_6(%arg0: i32) -> (i32, i32) {
    %c0_i32 = arith.constant 0 : i32
    %c0_i32_0 = arith.constant 0 : i32
    %c0_i32_1 = arith.constant 0 : i32
    return %c0_i32, %c0_i32_0 : i32, i32
  }
  func.func @transform_7(%arg0: i32) -> (i32, i32) {
    %c0_i32 = arith.constant 0 : i32
    %c0_i32_0 = arith.constant 0 : i32
    %c0_i32_1 = arith.constant 0 : i32
    return %c0_i32, %c0_i32_0 : i32, i32
  }
  func.func @transform_8(%arg0: i32) -> (i32, i32) {
    %c0_i32 = arith.constant 0 : i32
    %c0_i32_0 = arith.constant 0 : i32
    %c0_i32_1 = arith.constant 0 : i32
    return %c0_i32, %c0_i32_0 : i32, i32
  }
  func.func @transform_9(%arg0: i32) -> (i32, i32) {
    %c0_i32 = arith.constant 0 : i32
    %c0_i32_0 = arith.constant 0 : i32
    %c0_i32_1 = arith.constant 0 : i32
    return %c0_i32, %c0_i32_0 : i32, i32
  }
  func.func @transform_10(%arg0: i32) -> (i32, i32) {
    %c0_i32 = arith.constant 0 : i32
    %c0_i32_0 = arith.constant 0 : i32
    %c0_i32_1 = arith.constant 0 : i32
    return %c0_i32, %c0_i32_0 : i32, i32
  }
  func.func @transform_11(%arg0: i32) -> (i32, i32) {
    %c0_i32 = arith.constant 0 : i32
    %c0_i32_0 = arith.constant 0 : i32
    %c0_i32_1 = arith.constant 0 : i32
    return %c0_i32, %c0_i32_0 : i32, i32
  }
  func.func @transform_12(%arg0: i32) -> (i32, i32) {
    %c0_i32 = arith.constant 0 : i32
    %c0_i32_0 = arith.constant 0 : i32
    %c0_i32_1 = arith.constant 0 : i32
    return %c0_i32, %c0_i32_0 : i32, i32
  }
  func.func @transform_13(%arg0: i32) -> (i32, i32) {
    %c0_i32 = arith.constant 0 : i32
    %c0_i32_0 = arith.constant 0 : i32
    %c0_i32_1 = arith.constant 0 : i32
    return %c0_i32, %c0_i32_0 : i32, i32
  }
}

</mosaic_0001>

<sc_bundles>
// kernel: kernel.10.cloned.1.call-start
scs
__scs_entry_jumppad:
0x0: {  	(pc) =	sbr.rel $0x88, $3  }
0x1: {  	(tag) =	ssettag $0x0;
	lr =	simm.s32 $0x1  }
0x2: {  	[smem:$0x3F8E] =	sst lr;
	_ =	strace $0xD0000000  }
0x3: {  	_ = 	snop  }
0x4: {  	_ = 	snop  }
0x5: {  	_ = 	snop  }
0x6: {  	_ = 	snop  }
0x7: {  	_ = 	snop  }
__scs_overlays_trampoline_lowered:
0x8: {  	[smem:$0x3F9D] =	sst s0  }
0x9: {  	[smem:$0x3F9E] =	sst s1  }
0xa: {  	[smem:$0x3F9F] =	sst s2  }
0xb: {  	[smem:$0x3FA0] =	sst s3  }
0xc: {  	[smem:$0x3FA1] =	sst s4  }
0xd: {  	[smem:$0x3FA2] =	sst s5  }
0xe: {  	[smem:$0x3FA3] =	sst s6  }
0xf: {  	[smem:$0x3FA4] =	sst s7  }
0x10: {  	[smem:$0x3FA5] =	sst s8  }
0x11: {  	[smem:$0x3FA6] =	sst s9;
	s0 =	simm.s32 @!p0 $0x0  }
0x12: {  	s1 =	sld [smem:$0x3F8C];
	s0 =	simm.s32 @p0 $0x1  }
0x13: {  	[smem:$0x3FA7] =	sst s0;
	s0 =	simm.s32 @!p1 $0x0  }
0x14: {  	s2 =	sld [smem:$0x3F8B];
	s0 =	simm.s32 @p1 $0x1  }
0x15: {  	[smem:$0x3FA8] =	sst s0;
	s0 =	simm.s32 @!p2 $0x0  }
0x16: {  	s3 =	sld [smem:$0x3FDB];
	s0 =	simm.s32 @p2 $0x1  }
0x17: {  	s4 =	simm.s32 $0x1BF5;
	[smem:$0x3FAA] =	sst s0  }
0x18: {  	s0 =	sld [smem:$0x3F8D];
	_ =	swait.ge [sflag:s4], $0x0  }
0x19: {  	s7 =	sld [smem:$0x3F8E]  }
0x1a: {  	s8 =	sadd.s32 $0xFFFFE003, lr  }
0x1b: {  	s9 =	sadd.s32 $0xFFFFFEF7, lr;
	s5 =	simm.s32 $0xFFFFFFFF;
	p2 =	slt.u32 s8, $0xFFFFF086  }
0x1c: {  	p1 =	slt.u32 s9, $0xF7A;
	s5 =	simm.s32 @!p2 $0x0  }
0x1d: {  	s5 =	simm.s32 @p1 $0x1;
	p0 =	seq.s32 s7, s2  }
0x1e: {  	s7 =	smul.u32 @!p0 $0xF7A, s2;
	p2 =	seq.s32 @!p0 s5, $0x0  }
0x1f: {  	s9 =	smul.u32 $0xF7A, s1;
	s8 =	simm.s32 @!p0 $0x1BF5;
	p2 =	por !p2, p0  }
0x20: {  	[sflag:s8] =	ssyncset.s32 @!p0 $0xFFFFF086;
	s6 =	sadd.s32 @!p0 s3, s7;
	s7 =	simm.s32 @!p0 $0x108  }
0x21: {  	s3 =	sadd.s32 s3, s9;
	s6 =	sadd.s32 @!p0 $0x88, s6;
	s7 =	simm.s32 @p2 $0x1082  }
0x22: {  	[simem:s7], [sflag:s8] =	dma.local @!p0 [hbm:s6], $0xF7A  }
0x23: {  	s9 =	sor.u32 $0xD0000000, s2;
	s6 =	simm.s32 $0x108;
	_ =	swait.ge @!p0 [sflag:s8], $0x0  }
0x24: {  	s3 =	sadd.s32 $0x88, s3;
	s6 =	simm.s32 @!p1 $0x1082;
	[sflag:s4] =	ssyncset.s32 $0xFFFFF086  }
0x25: {  	[simem:s6], [sflag:s4] =	dma.local [hbm:s3], $0xF7A  }
0x26: {  	[smem:$0x3F8E] =	sst s1;
	(tag) =	ssettag s2;
	_ =	strace s9  }
0x27: {  	s1 =	sld [smem:$0x3F9E]  }
0x28: {  	s2 =	sld [smem:$0x3F9F]  }
0x29: {  	s4 =	sld [smem:$0x3FA1]  }
0x2a: {  	p0 =	seq.s32 s5, $0x0;
	s5 =	sld [smem:$0x3FA2]  }
0x2b: {  	s6 =	sld [smem:$0x3FA3]  }
0x2c: {  	s7 =	sld [smem:$0x3FA4]  }
0x2d: {  	s3 =	simm.s32 $0x108;
	s8 =	sld [smem:$0x3FA5]  }
0x2e: {  	s3 =	simm.s32 @!p0 $0x1082;
	s9 =	sld [smem:$0x3FA6]  }
0x2f: {  	lr =	sadd.s32 s0, s3;
	s0 =	sld [smem:$0x3F9D]  }
0x30: {  	s3 =	sld [smem:$0x3FA0]  }
0x31: {  	[smem:$0x3FA9] =	sst s10  }
0x32: {  	s10 =	sld [smem:$0x3FA7];
	_ =	sdelay $0x3  }
0x33: {  	p0 =	seq.s32 s10, $0x1;
	s10 =	sld [smem:$0x3FA9];
	_ =	sdelay $0x3  }
0x34: {  	[smem:$0x3FA9] =	sst s10  }
0x35: {  	s10 =	sld [smem:$0x3FA8];
	_ =	sdelay $0x3  }
0x36: {  	p1 =	seq.s32 s10, $0x1;
	s10 =	sld [smem:$0x3FA9];
	_ =	sdelay $0x3  }
0x37: {  	[smem:$0x3FA9] =	sst s10  }
0x38: {  	s10 =	sld [smem:$0x3FAA]  }
0x39: {  	_ = 	snop;
	(pc) =	sbr.ind lr, $3  }
0x3a: {  	_ = 	snop  }
0x3b: {  	_ = 	snop  }
0x3c: {  	p2 =	seq.s32 s10, $0x1;
	s10 =	sld [smem:$0x3FA9]  }
0x3d: {  	_ =	shalt  }
0x3e: {  	_ =	shalt  }
0x3f: {  	_ =	shalt  }
0x40: {  	_ =	shalt  }
0x41: {  	_ =	shalt  }
0x42: {  	_ =	shalt  }
0x43: {  	_ =	shalt  }
0x44: {  	_ =	shalt  }
0x45: {  	_ =	shalt  }
0x46: {  	_ =	shalt  }
0x47: {  	_ =	shalt  }
0x48: {  	_ =	shalt  }
0x49: {  	_ =	shalt  }
0x4a: {  	_ =	shalt  }
0x4b: {  	_ =	shalt  }
0x4c: {  	_ =	shalt  }
0x4d: {  	_ =	shalt  }
0x4e: {  	_ =	shalt  }
0x4f: {  	_ =	shalt  }
0x50: {  	_ =	shalt  }
0x51: {  	_ =	shalt  }
0x52: {  	_ =	shalt  }
0x53: {  	_ =	shalt  }
0x54: {  	_ =	shalt  }
0x55: {  	_ =	shalt  }
0x56: {  	_ =	shalt  }
0x57: {  	_ =	shalt  }
0x58: {  	_ =	shalt  }
0x59: {  	_ =	shalt  }
0x5a: {  	_ =	shalt  }
0x5b: {  	_ =	shalt  }
0x5c: {  	_ =	shalt  }
0x5d: {  	_ =	shalt  }
0x5e: {  	_ =	shalt  }
0x5f: {  	_ =	shalt  }
0x60: {  	_ =	shalt  }
0x61: {  	_ =	shalt  }
0x62: {  	_ =	shalt  }
0x63: {  	_ =	shalt  }
0x64: {  	_ =	shalt  }
0x65: {  	_ =	shalt  }
0x66: {  	_ =	shalt  }
0x67: {  	_ =	shalt  }
0x68: {  	_ =	shalt  }
0x69: {  	_ =	shalt  }
0x6a: {  	_ =	shalt  }
0x6b: {  	_ =	shalt  }
0x6c: {  	_ =	shalt  }
0x6d: {  	_ =	shalt  }
0x6e: {  	_ =	shalt  }
0x6f: {  	_ =	shalt  }
0x70: {  	_ =	shalt  }
0x71: {  	_ =	shalt  }
0x72: {  	_ =	shalt  }
0x73: {  	_ =	shalt  }
0x74: {  	_ =	shalt  }
0x75: {  	_ =	shalt  }
0x76: {  	_ =	shalt  }
0x77: {  	_ =	shalt  }
0x78: {  	_ =	shalt  }
0x79: {  	_ =	shalt  }
0x7a: {  	_ =	shalt  }
0x7b: {  	_ =	shalt  }
0x7c: {  	_ =	shalt  }
0x7d: {  	_ =	shalt  }
0x7e: {  	_ =	shalt  }
0x7f: {  	_ =	shalt  }
0x80: {  	_ =	shalt  }
0x81: {  	_ =	shalt  }
0x82: {  	_ =	shalt  }
0x83: {  	_ =	shalt  }
0x84: {  	_ =	shalt  }
0x85: {  	_ =	shalt  }
0x86: {  	_ =	shalt  }
0x87: {  	_ =	shalt  }
.Lfunc_end0:
.L_simem_size_0:
called_computation.1_lowered:
.L_overlay_start_0:
0x88: {  	s2 =	sld [smem:$0x3FD9]  }
0x89: {  	s3 =	sld [smem:$0x3FFE];
	_ =	sdelay $0x1  }
0x8a: {  	s1 =	srdreg.scid  }
0x8b: {  	s0 =	sand.u32 $0x1, s1  }
0x8c: {  	s16 =	sshll.u32 s0, $0xA;
	s2 =	sadd.s32 s3, s2  }
0x8d: {  	s2 =	sadd.s32 s2, s16  }
0x8e: {  	[smem:$0x3FB5] =	sst s2  }
0x8f: {  	_ = 	snop  }
0x90: {  	(tm) =	ssettm $0x1  }
0x91: {  	s17 =	sld [smem:$0x3FFB];
	_ =	sdelay $0x3  }
0x92: {  	_ =	strace s17  }
0x93: {  	s2 =	sld [smem:$0x3FFC];
	_ =	sdelay $0x3  }
0x94: {  	_ =	strace s2  }
0x95: {  	s2 =	sld [smem:$0x3FFD];
	_ =	sdelay $0x3  }
0x96: {  	_ =	strace s2  }
0x97: {  	_ =	strace $0x8FFFFFFF  }
0x98: {  	s18 =	sld [smem:$0x3FDB];
	_ =	sdelay $0x1  }
0x99: {  	s19 =	simm.s32 $_scs_section_size  }
0x9a: {  	s4 =	simm.s32 $_size__tile_overlayer_lowered;
	s5 =	simm.s32 $_tile_overlayer_lowered  }
0x9b: {  	s22 =	simm.s32 $0x1BFF;
	s21 =	sshll.u32 s5, $0x1;
	s2 =	sadd.s32 s19, s18  }
0x9c: {  	s6 =	simm.s32 $0x0;
	s20 =	sshll.u32 s4, $0x1;
	s4 =	sadd.s32 s21, s2  }
0x9d: {  	[timem:s6], [sflag:s22] =	dma.local [hbm:s4], s20  }
0x9e: {  	_ =	swait.ge [sflag:s22], s20  }
0x9f: {  	s3 =	ssub.s32 $0x0, s20;
	[sflag:s22] =	ssyncset.done $0x0  }
0xa0: {  	[sflag:s22] =	ssyncadd.s32 s3;
	_ =	sdelay $0x1  }
0xa1: {  	s23 =	simm.s32 $0x1B8B  }
0xa2: {  	_ =	swait.ge [sflag:s23], $0x1  }
0xa3: {  	[sflag:s23] =	ssyncset.done $0x0  }
0xa4: {  	s25 =	simm.s32 $0x1B8E;
	s24 =	sld [smem:$0x3FFE];
	[sflag:s23] =	ssyncadd.s32 $0xFFFFFFFF  }
0xa5: {  	s26 =	simm.s32 $execute0_lowered;
	[smem:$0x3FD2] =	sst s25  }
0xa6: {  	s4 =	sshll.u32 s26, $0x1;
	_ =	strace $0x80000049;
	[dreg:$0x1] =	wrdreg $0xFFFFFFFF  }
0xa7: {  	s28 =	simm.s32 $_size_execute0_lowered;
	s2 =	sadd.s32 s2, s4;
	[dreg:$0x0] =	wrdreg $0x0  }
0xa8: {  	s4 =	sshll.u32 s28, $0x1;
	[dreg:$0x2] =	wrdreg s2  }
0xa9: {  	[dreg:$0x3] =	wrdreg s4  }
0xaa: {  	[dreg:$0x4] =	wrdreg $0xC0  }
0xab: {  	_ =	task [dreg:s6], $0x5FFFF  }
0xac: {  	[dreg:$0x1] =	wrdreg $0xFFFFFFFF  }
0xad: {  	[dreg:$0x0] =	wrdreg $0x60  }
0xae: {  	[dreg:$0x2] =	wrdreg s24  }
0xaf: {  	[dreg:$0x3] =	wrdreg $0x90000  }
0xb0: {  	[dreg:$0x4] =	wrdreg $0x9  }
0xb1: {  	_ =	task.clear_ibuf [dreg:s6], $0x5FFFF;
	_ =	strace $0x90000049  }
0xb2: {  	s29 =	simm.s32 $0x9;
	_ =	strace $0x8000004B  }
0xb3: {  	_ =	swait.ge [sflag:s29], $0x1  }
0xb4: {  	[sflag:s29] =	ssyncadd.s32 $0xFFFFFFFF  }
0xb5: {  	_ =	strace $0x9000004B  }
0xb6: {  	_ =	sfence  }
0xb7: {  	s30 =	sld [smem:$0x0];
	_ =	sdelay $0x2  }
0xb8: {  	s31 =	sshll.u32 s1, $0xD;
	s1 =	sshrl.u32 s1, $0x2  }
0xb9: {  	s3 =	sand.u32 $0x4000, s31;
	s1 =	sadd.s32 s1, s30  }
0xba: {  	s0 =	sor.u32 s3, s0;
	s1 =	sshll.u32 s1, $0x11  }
0xbb: {  	s0 =	sor.u32 s1, s0  }
0xbc: {  	s0 =	sadd.s32 $0x8F2B, s0  }
0xbd: {  	[sflag:s0] =	ssyncadd.remote.s32 $0x1  }
0xbe: {  	_ =	sfence.sel $0xFFFF  }
0xbf: {  	[dreg:$0x0] =	wrdreg $0xFFFFFFFF;
	(pc) =	sbr.abs _section_cstart, $3  }
0xc0: {  	[dreg:$0x1] =	wrdreg $0xFFFFFFFF  }
0xc1: {  	_ =	task.clear_ibuf [dreg:s6], $0x2FFFF;
	_ =	strace $0x9FFFFFFF  }
0xc2: {  	(tm) =	ssettm $0x7FFFFFFF  }
0xc3: {  	_ =	shalt  }
tec
execute0_lowered:
.L_overlay_start_1:
0x0: {  	(tag) =	ssettag $0x1  }
0x1: {  	s0 =	srdreg.scid  }
0x2: {  	s28 =	stileid.u32;
	s0 =	sand.u32 $0x1, s0  }
0x3: {  	s1 =	sshll.u32 s28, $0x1;
	s4 =	sor.u32 $0x10, s28;
	s9 =	smul.u32 $0x2800, s28  }
0x4: {  	s5 =	sor.u32 s0, s1;
	s1 =	smul.u32 $0xA000, s4  }
0x5: {  	s8 =	smul.u32 $0x138800, s0  }
0x6: {  	s13 =	sor.u32 $0x20, s28;
	s4 =	smul.u32 $0x2800, s4  }
0x7: {  	s6 =	rddreg [dreg:$0x0];
	s14 =	sor.u32 $0x30, s28;
	s11 =	smul.u32 $0x2800, s13  }
0x8: {  	s2 =	rddreg [dreg:$0x1];
	s16 =	sor.u32 $0x40, s28;
	s25 =	smul.u32 $0x2800, s14  }
0x9: {  	s3 =	simm.s32 $0x0;
	s17 =	sor.u32 $0x50, s28;
	s18 =	smul.u32 $0x2800, s16  }
0xa: {  	s29 =	simm.s32 $0x1;
	s20 =	sor.u32 $0x60, s28;
	s21 =	smul.u32 $0x2800, s17  }
0xb: {  	s30 =	simm.s32 $0x6800;
	s31 =	simm.s32 $0x50;
	s26 =	smul.u32 $0x2800, s20  }
0xc: {  	s24 =	sadd.s32 $0xFBDE00, s6;
	[smem:$0x7FF] =	sst s3;
	s20 =	smul.u32 $0xA000, s20  }
0xd: {  	p0 =	sgt.u32 s28, $0xC;
	s12 =	ssub.s32 $0x2, s0;
	s0 =	smul.u32 $0x27100, s0  }
0xe: {  	s7 =	smul.u32 $0x138800, s5;
	s10 =	sshll.u32 s5, $0xB;
	s19 =	sshrl.u32 s12, $0x1  }
0xf: {  	s5 =	smul.u32 $0x27100, s5;
	s15 =	sadd.s32 s10, s6;
	s23 =	ssub.s32 s12, s19  }
0x10: {  	s19 =	sor.u32 $0x70, s28;
	s9 =	sadd.s32 s9, s8;
	s4 =	sadd.s32 s8, s4  }
0x11: {  	s11 =	sadd.s32 s8, s11;
	s10 =	sadd.s32 s8, s25;
	s18 =	sadd.s32 s8, s18  }
0x12: {  	s21 =	sadd.s32 s8, s21;
	s12 =	sadd.s32 s8, s26;
	s25 =	sadd.s32 $0x4800, s6  }
0x13: {  	s1 =	sshrl.u32 s1, $0x2;
	s22 =	smul.u32 $0x2800, s19;
	s26 =	sshrl.u32 s7, $0x3  }
0x14: {  	s7 =	sshrl.u32 s9, $0x3;
	s4 =	sshrl.u32 s4, $0x3;
	s9 =	sshrl.u32 s10, $0x3  }
0x15: {  	s10 =	sshrl.u32 s18, $0x3;
	s12 =	sshrl.u32 s12, $0x3;
	s19 =	smul.u32 $0xA000, s19  }
0x16: {  	s23 =	smax.u32 s23, $0x1;
	s6 =	sadd.s32 s25, s7;
	s4 =	sadd.s32 s25, s4  }
0x17: {  	s7 =	smul.u32 $0xA000, s17;
	s22 =	sadd.s32 s8, s22;
	[dreg:$0x3] =	wrdreg s6  }
0x18: {  	[dreg:$0x4] =	wrdreg s4;
	s8 =	sshrl.u32 s11, $0x3;
	s11 =	sshrl.u32 s21, $0x3  }
0x19: {  	s21 =	smul.u32 $0x4E200, s28;
	s4 =	sadd.s32 s25, s8;
	s8 =	sadd.s32 s25, s10  }
0x1a: {  	s18 =	sshrl.u32 s22, $0x3;
	s10 =	sadd.s32 s25, s12;
	s22 =	smul.u32 $0xA000, s28  }
0x1b: {  	s12 =	sadd.s32 s24, s5;
	s5 =	sadd.s32 s24, s26;
	s26 =	smul.u32 $0xA000, s16  }
0x1c: {  	s28 =	simm.s32 $0x4000;
	[dreg:$0x5] =	wrdreg s4;
	s4 =	sadd.s32 s25, s9  }
0x1d: {  	s9 =	sadd.s32 s25, s11;
	s11 =	sadd.s32 s25, s18;
	s25 =	smul.u32 $0xA000, s14  }
0x1e: {  	[dreg:$0x6] =	wrdreg s4;
	s4 =	sadd.s32 s21, s24;
	s24 =	smul.u32 $0xA000, s13  }
0x1f: {  	s18 =	sshrl.u32 s22, $0x2;
	s13 =	sadd.s32 $0xACBE00, s15;
	s15 =	sadd.s32 s1, s2  }
0x20: {  	s1 =	sshrl.u32 s20, $0x2;
	s22 =	sadd.s32 $0x500, s5;
	_ =	strace $0x8000004A  }
0x21: {  	s14 =	sadd.s32 s18, s2;
	s18 =	sshrl.u32 s26, $0x2;
	s26 =	sshrl.u32 s19, $0x2  }
0x22: {  	s20 =	sadd.s32 s1, s2;
	s0 =	sadd.s32 s0, s4;
	s1 =	simm.s32 $0x2  }
0x23: {  	s6 =	sshrl.u32 s24, $0x2;
	s24 =	sshrl.u32 s25, $0x2;
	s18 =	sadd.s32 s18, s2  }
0x24: {  	s25 =	sshrl.u32 s7, $0x2;
	s21 =	sadd.s32 s26, s2;
	s5 =	sadd.s32 $0xF00, s0  }
0x25: {  	s26 =	simm.s32 $0x3;
	s0 =	simm.s32 $0x0;
	s16 =	sadd.s32 s6, s2  }
0x26: {  	v0 =	vimm.f32 $0.0e+00;
	s17 =	sadd.s32 s24, s2;
	s19 =	sadd.s32 s25, s2;
	s24 =	sadd.s32 $0x26C00, s12  }
.LBB2_1:
0x27: {  	[tilespmem:s3], [sflag:$0x3] =	stream.linear.gather [hbm4b:s13+s3], $0x3E80, $0x38;
	[tilespmem:$0x1C880] =	vst v63  }
0x28: {  	_ =	swait.ge [sflag:s26], $0x3E80  }
0x29: {  	[sflag:s26] =	ssyncset.done $0x0  }
0x2a: {  	s4 =	simm.s32 $0x0;
	s25 =	simm.s32 $0x200;
	[sflag:s26] =	ssyncadd.s32 $0xFFFFC180  }
.LBB2_2:
0x2b: {  	p1 =	sne.s32 s25, $0x9E00;
	[tilespmem:s4+$0x4070] =	vst v0  }
0x2c: {  	[tilespmem:s4+$0x4000] =	vst v0  }
0x2d: {  	[tilespmem:s4+$0x4010] =	vst v0  }
.Ltmp0:
0x2e: {  	[tilespmem:s4+$0x4020] =	vst v0;
	(pc) =	sbr.rel @p1 .LBB2_2-.Ltmp0, $4  }
0x2f: {  	[tilespmem:s4+$0x4030] =	vst v0  }
0x30: {  	[tilespmem:s4+$0x4040] =	vst v0  }
0x31: {  	[tilespmem:s4+$0x4050] =	vst v0  }
0x32: {  	[tilespmem:s4+$0x4060] =	vst v0;
	s4 =	sshra.s32 s25, $0x2;
	s25 =	sadd.s32 $0x200, s25  }
0x33: {  	[tilespmem:s4+$0x4070] =	vst v0  }
0x34: {  	[tilespmem:s4+$0x4000] =	vst v0  }
0x35: {  	[tilespmem:s4+$0x4010] =	vst v0  }
0x36: {  	[tilespmem:s4+$0x4020] =	vst v0  }
0x37: {  	[tilespmem:s4+$0x4030] =	vst v0  }
0x38: {  	[tilespmem:s4+$0x4040] =	vst v0  }
0x39: {  	[tilespmem:s4+$0x4050] =	vst v0  }
0x3a: {  	[tilespmem:s4+$0x4060] =	vst v0  }
0x3b: {  	[spmem:s14] =	stream.linear.scatter [tilespmem:s28], [sflag:$0x3], $0x2800, $0x38;
	[tilespmem:$0x1C880] =	vst v63  }
0x3c: {  	_ =	swait.ge [sflag:s26], $0x2800  }
0x3d: {  	[sflag:s26] =	ssyncset.done $0x0  }
0x3e: {  	[sflag:s26] =	ssyncadd.s32 $0xFFFFD800  }
0x3f: {  	[spmem:s15] =	stream.linear.scatter [tilespmem:s28], [sflag:$0x3], $0x2800, $0x38;
	[tilespmem:$0x1C880] =	vst v63  }
0x40: {  	_ =	swait.ge [sflag:s26], $0x2800  }
0x41: {  	[sflag:s26] =	ssyncset.done $0x0  }
0x42: {  	[sflag:s26] =	ssyncadd.s32 $0xFFFFD800  }
0x43: {  	[spmem:s16] =	stream.linear.scatter [tilespmem:s28], [sflag:$0x3], $0x2800, $0x38;
	[tilespmem:$0x1C880] =	vst v63  }
0x44: {  	_ =	swait.ge [sflag:s26], $0x2800  }
0x45: {  	[sflag:s26] =	ssyncset.done $0x0  }
0x46: {  	[sflag:s26] =	ssyncadd.s32 $0xFFFFD800  }
0x47: {  	[spmem:s17] =	stream.linear.scatter [tilespmem:s28], [sflag:$0x3], $0x2800, $0x38;
	[tilespmem:$0x1C880] =	vst v63  }
0x48: {  	_ =	swait.ge [sflag:s26], $0x2800  }
0x49: {  	[sflag:s26] =	ssyncset.done $0x0  }
0x4a: {  	[sflag:s26] =	ssyncadd.s32 $0xFFFFD800  }
0x4b: {  	[spmem:s18] =	stream.linear.scatter [tilespmem:s28], [sflag:$0x3], $0x2800, $0x38;
	[tilespmem:$0x1C880] =	vst v63  }
0x4c: {  	_ =	swait.ge [sflag:s26], $0x2800  }
0x4d: {  	[sflag:s26] =	ssyncset.done $0x0  }
0x4e: {  	[sflag:s26] =	ssyncadd.s32 $0xFFFFD800  }
0x4f: {  	[spmem:s19] =	stream.linear.scatter [tilespmem:s28], [sflag:$0x3], $0x2800, $0x38;
	[tilespmem:$0x1C880] =	vst v63  }
0x50: {  	_ =	swait.ge [sflag:s26], $0x2800  }
0x51: {  	[sflag:s26] =	ssyncset.done $0x0  }
0x52: {  	[sflag:s26] =	ssyncadd.s32 $0xFFFFD800  }
0x53: {  	[spmem:s20] =	stream.linear.scatter [tilespmem:s28], [sflag:$0x3], $0x2800, $0x38;
	[tilespmem:$0x1C880] =	vst v63  }
0x54: {  	_ =	swait.ge [sflag:s26], $0x2800  }
0x55: {  	[sflag:s26] =	ssyncset.done $0x0  }
0x56: {  	s4 =	simm.s32 @!p0 $0x4000;
	[sflag:s26] =	ssyncadd.s32 $0xFFFFD800  }
0x57: {  	[spmem:s21] =	stream.linear.scatter @!p0 [tilespmem:s4], [sflag:$0x3], $0x2800, $0x38;
	[tilespmem:$0x1C880] =	vst v63  }
0x58: {  	s4 =	simm.s32 @!p0 $0x3  }
0x59: {  	_ =	swait.ge @!p0 [sflag:s4], $0x2800  }
0x5a: {  	[sflag:s4] =	ssyncset.done @!p0 $0x0  }
0x5b: {  	[sflag:s4] =	ssyncadd.s32 @!p0 $0xFFFFD800  }
0x5c: {  	s25 =	simm.s32 $0x0;
	[bflag:$0x0] =	sbarrier.arrive $0xFFFF  }
0x5d: {  	[tilespmem:s28], [sflag:$0x1] =	stream.linear.gather [hbm4b:s12+s25], $0x2800, $0x38;
	[tilespmem:$0x1C880] =	vst v63  }
0x5e: {  	_ =	swait.ge [sflag:s29], $0x2800  }
0x5f: {  	[sflag:s29] =	ssyncset.done $0x0  }
0x60: {  	[sflag:s29] =	ssyncadd.s32 $0xFFFFD800  }
0x61: {  	[tilespmem:s30], [sflag:$0x2] =	stream.linear.gather [hbm4b:s22+s25], $0x2800, $0x38;
	[tilespmem:$0x1C880] =	vst v63  }
0x62: {  	_ = 	snop  }
0x63: {  	[spmem:s2] =	stream.indirect.scatter.add.f32 [tilespmem:s28], [sflag:$0x3], $0x80, s25, s31, $0xb8;
	[tilespmem:$0x1C880] =	vst v63  }
0x64: {  	_ =	swait.ge [sflag:s26], $0x2800  }
0x65: {  	[sflag:s26] =	ssyncset.done $0x0  }
0x66: {  	[sflag:s26] =	ssyncadd.s32 $0xFFFFD800  }
0x67: {  	_ =	swait.ge [sflag:s1], $0x2800  }
0x68: {  	[sflag:s1] =	ssyncset.done $0x0  }
0x69: {  	s6 =	sadd.s32 $0xFFFFFB00, s5;
	[sflag:s1] =	ssyncadd.s32 $0xFFFFD800  }
0x6a: {  	[tilespmem:s28], [sflag:$0x1] =	stream.linear.gather [hbm4b:s6+s3], $0x2800, $0x38;
	[tilespmem:$0x1C880] =	vst v63  }
0x6b: {  	s7 =	simm.s32 $0x80  }
0x6c: {  	[spmem:s2] =	stream.indirect.scatter.add.f32 [tilespmem:s30], [sflag:$0x3], $0x80, s7, s31, $0xb8;
	[tilespmem:$0x1C880] =	vst v63  }
0x6d: {  	_ =	swait.ge [sflag:s26], $0x2800  }
0x6e: {  	[sflag:s26] =	ssyncset.done $0x0  }
0x6f: {  	[sflag:s26] =	ssyncadd.s32 $0xFFFFD800  }
0x70: {  	_ =	swait.ge [sflag:s29], $0x2800  }
0x71: {  	[sflag:s29] =	ssyncset.done $0x0  }
0x72: {  	[sflag:s29] =	ssyncadd.s32 $0xFFFFD800  }
0x73: {  	[tilespmem:s30], [sflag:$0x2] =	stream.linear.gather [hbm4b:s5+s3], $0x2800, $0x38;
	[tilespmem:$0x1C880] =	vst v63  }
0x74: {  	s25 =	simm.s32 $0x100  }
0x75: {  	[spmem:s2] =	stream.indirect.scatter.add.f32 [tilespmem:s28], [sflag:$0x3], $0x80, s25, s31, $0xb8;
	[tilespmem:$0x1C880] =	vst v63  }
0x76: {  	_ =	swait.ge [sflag:s26], $0x2800  }
0x77: {  	s4 =	simm.s32 $0x400;
	s25 =	smov.u32 s5;
	[sflag:s26] =	ssyncset.done $0x0  }
.LBB2_4:
0x78: {  	p1 =	sne.s32 s4, $0xF000;
	[sflag:s26] =	ssyncadd.s32 $0xFFFFD800;
	s25 =	sadd.s32 $0xA00, s25  }
0x79: {  	s6 =	smov.u32 s4;
	s4 =	sadd.s32 $0x400, s4  }
0x7a: {  	_ =	swait.ge [sflag:s1], $0x2800  }
0x7b: {  	[sflag:s1] =	ssyncset.done $0x0  }
0x7c: {  	s7 =	sadd.s32 $0xFFFFFB00, s25;
	s6 =	sshra.s32 s6, $0x2;
	[sflag:s1] =	ssyncadd.s32 $0xFFFFD800  }
0x7d: {  	[tilespmem:s28], [sflag:$0x1] =	stream.linear.gather [hbm4b:s7+s3], $0x2800, $0x38;
	[tilespmem:$0x1C880] =	vst v63  }
0x7e: {  	s7 =	sadd.s32 $0x80, s6  }
0x7f: {  	[spmem:s2] =	stream.indirect.scatter.add.f32 [tilespmem:s30], [sflag:$0x3], $0x80, s7, s31, $0xb8;
	[tilespmem:$0x1C880] =	vst v63  }
0x80: {  	_ =	swait.ge [sflag:s26], $0x2800  }
0x81: {  	[sflag:s26] =	ssyncset.done $0x0  }
0x82: {  	[sflag:s26] =	ssyncadd.s32 $0xFFFFD800  }
0x83: {  	_ =	swait.ge [sflag:s29], $0x2800  }
0x84: {  	[sflag:s29] =	ssyncset.done $0x0  }
0x85: {  	[sflag:s29] =	ssyncadd.s32 $0xFFFFD800  }
0x86: {  	[tilespmem:s30], [sflag:$0x2] =	stream.linear.gather [hbm4b:s25+s3], $0x2800, $0x38;
	[tilespmem:$0x1C880] =	vst v63  }
.Ltmp1:
0x87: {  	_ = 	snop;
	(pc) =	sbr.rel @p1 .LBB2_4-.Ltmp1, $4  }
0x88: {  	s6 =	sadd.s32 $0x100, s6  }
0x89: {  	[spmem:s2] =	stream.indirect.scatter.add.f32 [tilespmem:s28], [sflag:$0x3], $0x80, s6, s31, $0xb8;
	[tilespmem:$0x1C880] =	vst v63  }
0x8a: {  	_ =	swait.ge [sflag:s26], $0x2800  }
0x8b: {  	[sflag:s26] =	ssyncset.done $0x0  }
0x8c: {  	[sflag:s26] =	ssyncadd.s32 $0xFFFFD800  }
0x8d: {  	_ =	swait.ge [sflag:s1], $0x2800  }
0x8e: {  	[sflag:s1] =	ssyncset.done $0x0  }
0x8f: {  	[sflag:s1] =	ssyncadd.s32 $0xFFFFD800  }
0x90: {  	[tilespmem:s28], [sflag:$0x1] =	stream.linear.gather [hbm4b:s24+s3], $0x2800, $0x38;
	[tilespmem:$0x1C880] =	vst v63  }
0x91: {  	s4 =	simm.s32 $0x3D80  }
0x92: {  	[spmem:s2] =	stream.indirect.scatter.add.f32 [tilespmem:s30], [sflag:$0x3], $0x80, s4, s31, $0xb8;
	[tilespmem:$0x1C880] =	vst v63  }
0x93: {  	_ =	swait.ge [sflag:s26], $0x2800  }
0x94: {  	[sflag:s26] =	ssyncset.done $0x0  }
0x95: {  	[sflag:s26] =	ssyncadd.s32 $0xFFFFD800  }
0x96: {  	_ =	swait.ge [sflag:s29], $0x2800  }
0x97: {  	[sflag:s29] =	ssyncset.done $0x0  }
0x98: {  	[sflag:s29] =	ssyncadd.s32 $0xFFFFD800  }
0x99: {  	[tilespmem:s30], [sflag:$0x2] =	stream.linear.gather [hbm4b:s24+s3], $0x2800, $0x38;
	[tilespmem:$0x1C880] =	vst v63  }
0x9a: {  	s7 =	simm.s32 $0x3E00  }
0x9b: {  	[spmem:s2] =	stream.indirect.scatter.add.f32 [tilespmem:s28], [sflag:$0x3], $0x80, s7, s31, $0xb8;
	[tilespmem:$0x1C880] =	vst v63  }
0x9c: {  	_ =	swait.ge [sflag:s26], $0x2800  }
0x9d: {  	[sflag:s26] =	ssyncset.done $0x0  }
0x9e: {  	[sflag:s26] =	ssyncadd.s32 $0xFFFFD800  }
0x9f: {  	_ =	swait.ge [sflag:s1], $0x2800  }
0xa0: {  	[sflag:s1] =	ssyncset.done $0x0  }
0xa1: {  	[sflag:s1] =	ssyncadd.s32 $0xFFFFD800  }
0xa2: {  	[bflag:$0x0] =	sbarrier.arrive $0xFFFF  }
0xa3: {  	[tilespmem:s28], [sflag:$0x3] =	stream.linear.gather [spmem:s14], $0x2800, $0x38;
	[tilespmem:$0x1C880] =	vst v63  }
0xa4: {  	_ =	swait.ge [sflag:s26], $0x2800  }
0xa5: {  	[sflag:s26] =	ssyncset.done $0x0  }
0xa6: {  	s25 =	rddreg [dreg:$0x3];
	[sflag:s26] =	ssyncadd.s32 $0xFFFFD800  }
0xa7: {  	[hbm4b:s25+s3] =	stream.linear.scatter [tilespmem:s28], [sflag:$0x3], $0x2800, $0x38;
	[tilespmem:$0x1C880] =	vst v63  }
0xa8: {  	_ =	swait.ge [sflag:s26], $0x2800  }
0xa9: {  	[sflag:s26] =	ssyncset.done $0x0  }
0xaa: {  	[sflag:s26] =	ssyncadd.s32 $0xFFFFD800  }
0xab: {  	[tilespmem:s28], [sflag:$0x3] =	stream.linear.gather [spmem:s15], $0x2800, $0x38;
	[tilespmem:$0x1C880] =	vst v63  }
0xac: {  	_ =	swait.ge [sflag:s26], $0x2800  }
0xad: {  	[sflag:s26] =	ssyncset.done $0x0  }
0xae: {  	s6 =	rddreg [dreg:$0x4];
	[sflag:s26] =	ssyncadd.s32 $0xFFFFD800  }
0xaf: {  	[hbm4b:s6+s3] =	stream.linear.scatter [tilespmem:s28], [sflag:$0x3], $0x2800, $0x38;
	[tilespmem:$0x1C880] =	vst v63  }
0xb0: {  	_ =	swait.ge [sflag:s26], $0x2800  }
0xb1: {  	[sflag:s26] =	ssyncset.done $0x0  }
0xb2: {  	[sflag:s26] =	ssyncadd.s32 $0xFFFFD800  }
0xb3: {  	[tilespmem:s28], [sflag:$0x3] =	stream.linear.gather [spmem:s16], $0x2800, $0x38;
	[tilespmem:$0x1C880] =	vst v63  }
0xb4: {  	_ =	swait.ge [sflag:s26], $0x2800  }
0xb5: {  	[sflag:s26] =	ssyncset.done $0x0  }
0xb6: {  	s7 =	rddreg [dreg:$0x5];
	[sflag:s26] =	ssyncadd.s32 $0xFFFFD800  }
0xb7: {  	[hbm4b:s7+s3] =	stream.linear.scatter [tilespmem:s28], [sflag:$0x3], $0x2800, $0x38;
	[tilespmem:$0x1C880] =	vst v63  }
0xb8: {  	_ =	swait.ge [sflag:s26], $0x2800  }
0xb9: {  	[sflag:s26] =	ssyncset.done $0x0  }
0xba: {  	[sflag:s26] =	ssyncadd.s32 $0xFFFFD800  }
0xbb: {  	[tilespmem:s28], [sflag:$0x3] =	stream.linear.gather [spmem:s17], $0x2800, $0x38;
	[tilespmem:$0x1C880] =	vst v63  }
0xbc: {  	_ =	swait.ge [sflag:s26], $0x2800  }
0xbd: {  	[sflag:s26] =	ssyncset.done $0x0  }
0xbe: {  	s25 =	rddreg [dreg:$0x6];
	[sflag:s26] =	ssyncadd.s32 $0xFFFFD800  }
0xbf: {  	[hbm4b:s25+s3] =	stream.linear.scatter [tilespmem:s28], [sflag:$0x3], $0x2800, $0x38;
	[tilespmem:$0x1C880] =	vst v63  }
0xc0: {  	_ =	swait.ge [sflag:s26], $0x2800  }
0xc1: {  	[sflag:s26] =	ssyncset.done $0x0  }
0xc2: {  	[sflag:s26] =	ssyncadd.s32 $0xFFFFD800  }
0xc3: {  	[tilespmem:s28], [sflag:$0x3] =	stream.linear.gather [spmem:s18], $0x2800, $0x38;
	[tilespmem:$0x1C880] =	vst v63  }
0xc4: {  	_ =	swait.ge [sflag:s26], $0x2800  }
0xc5: {  	[sflag:s26] =	ssyncset.done $0x0  }
0xc6: {  	[sflag:s26] =	ssyncadd.s32 $0xFFFFD800  }
0xc7: {  	[hbm4b:s8+s3] =	stream.linear.scatter [tilespmem:s28], [sflag:$0x3], $0x2800, $0x38;
	[tilespmem:$0x1C880] =	vst v63  }
0xc8: {  	_ =	swait.ge [sflag:s26], $0x2800  }
0xc9: {  	[sflag:s26] =	ssyncset.done $0x0  }
0xca: {  	[sflag:s26] =	ssyncadd.s32 $0xFFFFD800  }
0xcb: {  	[tilespmem:s28], [sflag:$0x3] =	stream.linear.gather [spmem:s19], $0x2800, $0x38;
	[tilespmem:$0x1C880] =	vst v63  }
0xcc: {  	_ =	swait.ge [sflag:s26], $0x2800  }
0xcd: {  	[sflag:s26] =	ssyncset.done $0x0  }
0xce: {  	[sflag:s26] =	ssyncadd.s32 $0xFFFFD800  }
0xcf: {  	[hbm4b:s9+s3] =	stream.linear.scatter [tilespmem:s28], [sflag:$0x3], $0x2800, $0x38;
	[tilespmem:$0x1C880] =	vst v63  }
0xd0: {  	_ =	swait.ge [sflag:s26], $0x2800  }
0xd1: {  	[sflag:s26] =	ssyncset.done $0x0  }
0xd2: {  	[sflag:s26] =	ssyncadd.s32 $0xFFFFD800  }
0xd3: {  	[tilespmem:s28], [sflag:$0x3] =	stream.linear.gather [spmem:s20], $0x2800, $0x38;
	[tilespmem:$0x1C880] =	vst v63  }
0xd4: {  	_ =	swait.ge [sflag:s26], $0x2800  }
0xd5: {  	[sflag:s26] =	ssyncset.done $0x0  }
0xd6: {  	[sflag:s26] =	ssyncadd.s32 $0xFFFFD800  }
0xd7: {  	[hbm4b:s10+s3] =	stream.linear.scatter [tilespmem:s28], [sflag:$0x3], $0x2800, $0x38;
	[tilespmem:$0x1C880] =	vst v63  }
0xd8: {  	_ =	swait.ge [sflag:s26], $0x2800  }
0xd9: {  	[sflag:s26] =	ssyncset.done $0x0  }
0xda: {  	s4 =	simm.s32 @!p0 $0x4000;
	s6 =	simm.s32 @!p0 $0x3;
	[sflag:s26] =	ssyncadd.s32 $0xFFFFD800  }
0xdb: {  	[tilespmem:s4], [sflag:$0x3] =	stream.linear.gather @!p0 [spmem:s21], $0x2800, $0x38;
	[tilespmem:$0x1C880] =	vst v63  }
0xdc: {  	s0 =	sadd.s32 $0x1, s0;
	_ =	swait.ge @!p0 [sflag:s6], $0x2800  }
0xdd: {  	p1 =	sne.s32 s0, s23;
	[sflag:s6] =	ssyncset.done @!p0 $0x0  }
.Ltmp2:
0xde: {  	s7 =	simm.s32 @!p0 $0x0;
	[sflag:s6] =	ssyncadd.s32 @!p0 $0xFFFFD800;
	(pc) =	sbr.rel @p1 .LBB2_1-.Ltmp2, $4  }
0xdf: {  	[hbm4b:s11+s7] =	stream.linear.scatter @!p0 [tilespmem:s4], [sflag:$0x3], $0x2800, $0x38;
	[tilespmem:$0x1C880] =	vst v63  }
0xe0: {  	_ =	swait.ge @!p0 [sflag:s6], $0x2800  }
0xe1: {  	[sflag:s6] =	ssyncset.done @!p0 $0x0  }
0xe2: {  	[sflag:s6] =	ssyncadd.s32 @!p0 $0xFFFFD800  }
0xe3: {  	_ =	sfence.sel $0x180000  }
0xe4: {  	[bflag:$0x0] =	sbarrier.arrive $0xFFFF  }
0xe5: {  	_ =	strace $0x9000004A  }
0xe6: {  	s0 =	stileid.u32;
	[bflag:$0x2] =	sbarrier.arrive $0xFFFF  }
0xe7: {  	p0 =	sne.s32 s0, $0x0;
	s0 =	rddreg [dreg:$0x2]  }
0xe8: {  	s0 =	sadd.s32 @!p0 $0x100000, s0  }
0xe9: {  	[sflag:s0] =	ssyncadd.tile.s32 @!p0 $0x1;
	_ =	shalt  }
.Lfunc_end2:
_tile_overlayer_lowered:
.L_overlay_start_2:
0xea: {  	(tag) =	ssettag $0x2  }
0xeb: {  	s0 =	rddreg [dreg:$0x0];
	s2 =	stileid.u32  }
0xec: {  	s1 =	rddreg [dreg:$0x1];
	p0 =	sne.s32 s2, $0x0  }
0xed: {  	s3 =	rddreg [dreg:$0x2];
	[bflag:$0x3] =	sbarrier.arrive $0xFFFF;
	s2 =	simm.s32 @!p0 $0x1C03  }
0xee: {  	[timem:s3], [sflag:s2] =	dma.local @!p0 [hbm:s0], s1  }
0xef: {  	s0 =	simm.s32 @!p0 $0x3  }
0xf0: {  	_ =	swait.ge @!p0 [sflag:s0], s1  }
0xf1: {  	s1 =	ssub.s32 @!p0 $0x0, s1;
	[sflag:s0] =	ssyncset.done @!p0 $0x0  }
0xf2: {  	[sflag:s0] =	ssyncadd.s32 @!p0 s1  }
0xf3: {  	[bflag:$0x3] =	sbarrier.arrive $0xFFFF  }
0xf4: {  	_ =	shalt  }

// kernel: kernel.7.cloned.1.call-start
scs
__scs_entry_jumppad:
0x0: {  	(pc) =	sbr.rel $0x88, $3  }
0x1: {  	(tag) =	ssettag $0x0;
	lr =	simm.s32 $0x1  }
0x2: {  	[smem:$0x3F8E] =	sst lr;
	_ =	strace $0xD0000000  }
0x3: {  	_ = 	snop  }
0x4: {  	_ = 	snop  }
0x5: {  	_ = 	snop  }
0x6: {  	_ = 	snop  }
0x7: {  	_ = 	snop  }
__scs_overlays_trampoline_lowered:
0x8: {  	[smem:$0x3F9D] =	sst s0  }
0x9: {  	[smem:$0x3F9E] =	sst s1  }
0xa: {  	[smem:$0x3F9F] =	sst s2  }
0xb: {  	[smem:$0x3FA0] =	sst s3  }
0xc: {  	[smem:$0x3FA1] =	sst s4  }
0xd: {  	[smem:$0x3FA2] =	sst s5  }
0xe: {  	[smem:$0x3FA3] =	sst s6  }
0xf: {  	[smem:$0x3FA4] =	sst s7  }
0x10: {  	[smem:$0x3FA5] =	sst s8  }
0x11: {  	[smem:$0x3FA6] =	sst s9;
	s0 =	simm.s32 @!p0 $0x0  }
0x12: {  	s1 =	sld [smem:$0x3F8C];
	s0 =	simm.s32 @p0 $0x1  }
0x13: {  	[smem:$0x3FA7] =	sst s0;
	s0 =	simm.s32 @!p1 $0x0  }
0x14: {  	s2 =	sld [smem:$0x3F8B];
	s0 =	simm.s32 @p1 $0x1  }
0x15: {  	[smem:$0x3FA8] =	sst s0;
	s0 =	simm.s32 @!p2 $0x0  }
0x16: {  	s3 =	sld [smem:$0x3FDB];
	s0 =	simm.s32 @p2 $0x1  }
0x17: {  	s4 =	simm.s32 $0x1BF5;
	[smem:$0x3FAA] =	sst s0  }
0x18: {  	s0 =	sld [smem:$0x3F8D];
	_ =	swait.ge [sflag:s4], $0x0  }
0x19: {  	s7 =	sld [smem:$0x3F8E]  }
0x1a: {  	s8 =	sadd.s32 $0xFFFFE003, lr  }
0x1b: {  	s9 =	sadd.s32 $0xFFFFFEF7, lr;
	s5 =	simm.s32 $0xFFFFFFFF;
	p2 =	slt.u32 s8, $0xFFFFF086  }
0x1c: {  	p1 =	slt.u32 s9, $0xF7A;
	s5 =	simm.s32 @!p2 $0x0  }
0x1d: {  	s5 =	simm.s32 @p1 $0x1;
	p0 =	seq.s32 s7, s2  }
0x1e: {  	s7 =	smul.u32 @!p0 $0xF7A, s2;
	p2 =	seq.s32 @!p0 s5, $0x0  }
0x1f: {  	s9 =	smul.u32 $0xF7A, s1;
	s8 =	simm.s32 @!p0 $0x1BF5;
	p2 =	por !p2, p0  }
0x20: {  	[sflag:s8] =	ssyncset.s32 @!p0 $0xFFFFF086;
	s6 =	sadd.s32 @!p0 s3, s7;
	s7 =	simm.s32 @!p0 $0x108  }
0x21: {  	s3 =	sadd.s32 s3, s9;
	s6 =	sadd.s32 @!p0 $0x88, s6;
	s7 =	simm.s32 @p2 $0x1082  }
0x22: {  	[simem:s7], [sflag:s8] =	dma.local @!p0 [hbm:s6], $0xF7A  }
0x23: {  	s9 =	sor.u32 $0xD0000000, s2;
	s6 =	simm.s32 $0x108;
	_ =	swait.ge @!p0 [sflag:s8], $0x0  }
0x24: {  	s3 =	sadd.s32 $0x88, s3;
	s6 =	simm.s32 @!p1 $0x1082;
	[sflag:s4] =	ssyncset.s32 $0xFFFFF086  }
0x25: {  	[simem:s6], [sflag:s4] =	dma.local [hbm:s3], $0xF7A  }
0x26: {  	[smem:$0x3F8E] =	sst s1;
	(tag) =	ssettag s2;
	_ =	strace s9  }
0x27: {  	s1 =	sld [smem:$0x3F9E]  }
0x28: {  	s2 =	sld [smem:$0x3F9F]  }
0x29: {  	s4 =	sld [smem:$0x3FA1]  }
0x2a: {  	p0 =	seq.s32 s5, $0x0;
	s5 =	sld [smem:$0x3FA2]  }
0x2b: {  	s6 =	sld [smem:$0x3FA3]  }
0x2c: {  	s7 =	sld [smem:$0x3FA4]  }
0x2d: {  	s3 =	simm.s32 $0x108;
	s8 =	sld [smem:$0x3FA5]  }
0x2e: {  	s3 =	simm.s32 @!p0 $0x1082;
	s9 =	sld [smem:$0x3FA6]  }
0x2f: {  	lr =	sadd.s32 s0, s3;
	s0 =	sld [smem:$0x3F9D]  }
0x30: {  	s3 =	sld [smem:$0x3FA0]  }
0x31: {  	[smem:$0x3FA9] =	sst s10  }
0x32: {  	s10 =	sld [smem:$0x3FA7];
	_ =	sdelay $0x3  }
0x33: {  	p0 =	seq.s32 s10, $0x1;
	s10 =	sld [smem:$0x3FA9];
	_ =	sdelay $0x3  }
0x34: {  	[smem:$0x3FA9] =	sst s10  }
0x35: {  	s10 =	sld [smem:$0x3FA8];
	_ =	sdelay $0x3  }
0x36: {  	p1 =	seq.s32 s10, $0x1;
	s10 =	sld [smem:$0x3FA9];
	_ =	sdelay $0x3  }
0x37: {  	[smem:$0x3FA9] =	sst s10  }
0x38: {  	s10 =	sld [smem:$0x3FAA]  }
0x39: {  	_ = 	snop;
	(pc) =	sbr.ind lr, $3  }
0x3a: {  	_ = 	snop  }
0x3b: {  	_ = 	snop  }
0x3c: {  	p2 =	seq.s32 s10, $0x1;
	s10 =	sld [smem:$0x3FA9]  }
0x3d: {  	_ =	shalt  }
0x3e: {  	_ =	shalt  }
0x3f: {  	_ =	shalt  }
0x40: {  	_ =	shalt  }
0x41: {  	_ =	shalt  }
0x42: {  	_ =	shalt  }
0x43: {  	_ =	shalt  }
0x44: {  	_ =	shalt  }
0x45: {  	_ =	shalt  }
0x46: {  	_ =	shalt  }
0x47: {  	_ =	shalt  }
0x48: {  	_ =	shalt  }
0x49: {  	_ =	shalt  }
0x4a: {  	_ =	shalt  }
0x4b: {  	_ =	shalt  }
0x4c: {  	_ =	shalt  }
0x4d: {  	_ =	shalt  }
0x4e: {  	_ =	shalt  }
0x4f: {  	_ =	shalt  }
0x50: {  	_ =	shalt  }
0x51: {  	_ =	shalt  }
0x52: {  	_ =	shalt  }
0x53: {  	_ =	shalt  }
0x54: {  	_ =	shalt  }
0x55: {  	_ =	shalt  }
0x56: {  	_ =	shalt  }
0x57: {  	_ =	shalt  }
0x58: {  	_ =	shalt  }
0x59: {  	_ =	shalt  }
0x5a: {  	_ =	shalt  }
0x5b: {  	_ =	shalt  }
0x5c: {  	_ =	shalt  }
0x5d: {  	_ =	shalt  }
0x5e: {  	_ =	shalt  }
0x5f: {  	_ =	shalt  }
0x60: {  	_ =	shalt  }
0x61: {  	_ =	shalt  }
0x62: {  	_ =	shalt  }
0x63: {  	_ =	shalt  }
0x64: {  	_ =	shalt  }
0x65: {  	_ =	shalt  }
0x66: {  	_ =	shalt  }
0x67: {  	_ =	shalt  }
0x68: {  	_ =	shalt  }
0x69: {  	_ =	shalt  }
0x6a: {  	_ =	shalt  }
0x6b: {  	_ =	shalt  }
0x6c: {  	_ =	shalt  }
0x6d: {  	_ =	shalt  }
0x6e: {  	_ =	shalt  }
0x6f: {  	_ =	shalt  }
0x70: {  	_ =	shalt  }
0x71: {  	_ =	shalt  }
0x72: {  	_ =	shalt  }
0x73: {  	_ =	shalt  }
0x74: {  	_ =	shalt  }
0x75: {  	_ =	shalt  }
0x76: {  	_ =	shalt  }
0x77: {  	_ =	shalt  }
0x78: {  	_ =	shalt  }
0x79: {  	_ =	shalt  }
0x7a: {  	_ =	shalt  }
0x7b: {  	_ =	shalt  }
0x7c: {  	_ =	shalt  }
0x7d: {  	_ =	shalt  }
0x7e: {  	_ =	shalt  }
0x7f: {  	_ =	shalt  }
0x80: {  	_ =	shalt  }
0x81: {  	_ =	shalt  }
0x82: {  	_ =	shalt  }
0x83: {  	_ =	shalt  }
0x84: {  	_ =	shalt  }
0x85: {  	_ =	shalt  }
0x86: {  	_ =	shalt  }
0x87: {  	_ =	shalt  }
.Lfunc_end0:
.L_simem_size_0:
called_computation_lowered:
.L_overlay_start_0:
0x88: {  	s2 =	sld [smem:$0x3FD9]  }
0x89: {  	s3 =	sld [smem:$0x3FFE];
	_ =	sdelay $0x1  }
0x8a: {  	s1 =	srdreg.scid  }
0x8b: {  	s0 =	sand.u32 $0x1, s1  }
0x8c: {  	s16 =	sshll.u32 s0, $0xA;
	s2 =	sadd.s32 s3, s2  }
0x8d: {  	s2 =	sadd.s32 s2, s16  }
0x8e: {  	[smem:$0x3FB5] =	sst s2  }
0x8f: {  	_ = 	snop  }
0x90: {  	(tm) =	ssettm $0x1  }
0x91: {  	s17 =	sld [smem:$0x3FFB];
	_ =	sdelay $0x3  }
0x92: {  	_ =	strace s17  }
0x93: {  	s2 =	sld [smem:$0x3FFC];
	_ =	sdelay $0x3  }
0x94: {  	_ =	strace s2  }
0x95: {  	s2 =	sld [smem:$0x3FFD];
	_ =	sdelay $0x3  }
0x96: {  	_ =	strace s2  }
0x97: {  	_ =	strace $0x8FFFFFFF  }
0x98: {  	s18 =	sld [smem:$0x3FDB];
	_ =	sdelay $0x1  }
0x99: {  	s19 =	simm.s32 $_scs_section_size  }
0x9a: {  	s4 =	simm.s32 $_size__tile_overlayer_lowered;
	s5 =	simm.s32 $_tile_overlayer_lowered  }
0x9b: {  	s22 =	simm.s32 $0x1BFF;
	s21 =	sshll.u32 s5, $0x1;
	s2 =	sadd.s32 s19, s18  }
0x9c: {  	s6 =	simm.s32 $0x0;
	s20 =	sshll.u32 s4, $0x1;
	s4 =	sadd.s32 s21, s2  }
0x9d: {  	[timem:s6], [sflag:s22] =	dma.local [hbm:s4], s20  }
0x9e: {  	_ =	swait.ge [sflag:s22], s20  }
0x9f: {  	s3 =	ssub.s32 $0x0, s20;
	[sflag:s22] =	ssyncset.done $0x0  }
0xa0: {  	[sflag:s22] =	ssyncadd.s32 s3;
	_ =	sdelay $0x1  }
0xa1: {  	s23 =	simm.s32 $0x1B8B  }
0xa2: {  	_ =	swait.ge [sflag:s23], $0x1  }
0xa3: {  	[sflag:s23] =	ssyncset.done $0x0  }
0xa4: {  	s25 =	simm.s32 $0x1B8E;
	s24 =	sld [smem:$0x3FFE];
	[sflag:s23] =	ssyncadd.s32 $0xFFFFFFFF  }
0xa5: {  	s26 =	simm.s32 $execute0_lowered;
	[smem:$0x3FD2] =	sst s25  }
0xa6: {  	s4 =	sshll.u32 s26, $0x1;
	_ =	strace $0x80000046;
	[dreg:$0x1] =	wrdreg $0xFFFFFFFF  }
0xa7: {  	s28 =	simm.s32 $_size_execute0_lowered;
	s2 =	sadd.s32 s2, s4;
	[dreg:$0x0] =	wrdreg $0x0  }
0xa8: {  	s4 =	sshll.u32 s28, $0x1;
	[dreg:$0x2] =	wrdreg s2  }
0xa9: {  	[dreg:$0x3] =	wrdreg s4  }
0xaa: {  	[dreg:$0x4] =	wrdreg $0xC0  }
0xab: {  	_ =	task [dreg:s6], $0x5FFFF  }
0xac: {  	[dreg:$0x1] =	wrdreg $0xFFFFFFFF  }
0xad: {  	[dreg:$0x0] =	wrdreg $0x60  }
0xae: {  	[dreg:$0x2] =	wrdreg s24  }
0xaf: {  	[dreg:$0x3] =	wrdreg $0x9  }
0xb0: {  	_ =	task.clear_ibuf [dreg:s6], $0x4FFFF;
	_ =	strace $0x90000046  }
0xb1: {  	s29 =	simm.s32 $0x9;
	_ =	strace $0x80000048  }
0xb2: {  	_ =	swait.ge [sflag:s29], $0x1  }
0xb3: {  	[sflag:s29] =	ssyncadd.s32 $0xFFFFFFFF  }
0xb4: {  	_ =	strace $0x90000048  }
0xb5: {  	_ =	sfence  }
0xb6: {  	s30 =	sld [smem:$0x0];
	_ =	sdelay $0x2  }
0xb7: {  	s31 =	sshll.u32 s1, $0xD;
	s1 =	sshrl.u32 s1, $0x2  }
0xb8: {  	s3 =	sand.u32 $0x4000, s31;
	s1 =	sadd.s32 s1, s30  }
0xb9: {  	s0 =	sor.u32 s3, s0;
	s1 =	sshll.u32 s1, $0x11  }
0xba: {  	s0 =	sor.u32 s1, s0  }
0xbb: {  	s0 =	sadd.s32 $0x8F2B, s0  }
0xbc: {  	[sflag:s0] =	ssyncadd.remote.s32 $0x1  }
0xbd: {  	_ =	sfence.sel $0xFFFF  }
0xbe: {  	[dreg:$0x0] =	wrdreg $0xFFFFFFFF;
	(pc) =	sbr.abs _section_cstart, $3  }
0xbf: {  	[dreg:$0x1] =	wrdreg $0xFFFFFFFF  }
0xc0: {  	_ =	task.clear_ibuf [dreg:s6], $0x2FFFF;
	_ =	strace $0x9FFFFFFF  }
0xc1: {  	(tm) =	ssettm $0x7FFFFFFF  }
tec
execute0_lowered:
.L_overlay_start_1:
0x0: {  	(tag) =	ssettag $0x1  }
0x1: {  	s0 =	rddreg [dreg:$0x0];
	s1 =	srdreg.scid  }
0x2: {  	s3 =	stileid.u32;
	s2 =	simm.s32 $0x0;
	s29 =	simm.s32 $0x1  }
0x3: {  	s30 =	simm.s32 $0x2;
	s17 =	simm.s32 $0x16800;
	s11 =	simm.s32 $0x18800  }
0x4: {  	s13 =	simm.s32 $0x19000;
	s14 =	simm.s32 $0x19800;
	s15 =	simm.s32 $0x1A000  }
0x5: {  	s16 =	simm.s32 $0x1B400;
	s18 =	simm.s32 $0x3;
	s19 =	simm.s32 $0x4  }
0x6: {  	s20 =	simm.s32 $0x5;
	s1 =	sand.u32 $0x1, s1;
	s3 =	sshll.u32 s3, $0x1  }
0x7: {  	[smem:$0x7FF] =	sst s2;
	s4 =	sadd.s32 $0x92A00, s0;
	s5 =	sadd.s32 $0x107E00, s0  }
0x8: {  	s6 =	sadd.s32 $0x5E9E00, s0;
	s7 =	sor.u32 s1, s3;
	_ =	strace $0x80000047  }
0x9: {  	s1 =	ssub.s32 $0x2, s1;
	s3 =	sshll.u32 s7, $0xC;
	s9 =	smul.u32 $0x27100, s7  }
0xa: {  	s22 =	sshrl.u32 s1, $0x1;
	s10 =	smul.u32 $0x138800, s7;
	s8 =	sadd.s32 s3, s0  }
0xb: {  	s7 =	smul.u32 $0x2710, s7;
	s3 =	sadd.s32 $0x44800, s0;
	s23 =	sadd.s32 $0x4800, s8  }
0xc: {  	s0 =	ssub.s32 s1, s22;
	s24 =	sadd.s32 $0x24800, s8;
	[dreg:$0x2] =	wrdreg s23  }
0xd: {  	s25 =	sadd.s32 s5, s9;
	s26 =	sshrl.u32 s10, $0x3;
	[dreg:$0x3] =	wrdreg s24  }
0xe: {  	s28 =	sadd.s32 s6, s9;
	s12 =	sadd.s32 $0x28, s7;
	[dreg:$0x4] =	wrdreg s25  }
0xf: {  	s0 =	smax.u32 s0, $0x1;
	[dreg:$0x5] =	wrdreg s28;
	s1 =	sadd.s32 $0x26E80, s26  }
0x10: {  	v3 =	vlaneseq.u32;
	s8 =	simm.s32 $0x17000;
	[dreg:$0x8] =	wrdreg s0;
	s31 =	sadd.s32 s5, s1  }
0x11: {  	v0 =	vimm.f32 $0.0e+00;
	vm0 =	vmmov $0xffff;
	v2 =	vshrl.u32 v3, $0x3;
	s9 =	simm.s32 $0x17800;
	s1 =	sadd.s32 s6, s1;
	[dreg:$0x6] =	wrdreg s31  }
0x12: {  	v1 =	vand.u32 $0x7, v3;
	v3 =	vor.u32 $0x8, v3;
	v2 =	vmul.u32 $0x8, v2;
	s10 =	simm.s32 $0x18000;
	[dreg:$0x7] =	wrdreg s1;
	s1 =	simm.s32 $0x0  }
.LBB2_1:
0x13: {  	[dreg:$0x9] =	wrdreg s1  }
0x14: {  	s0 =	rddreg [dreg:$0x2];
	s28 =	simm.s32 $0x6  }
0x15: {  	[tilespmem:s2], [sflag:$0x6] =	stream.linear.gather [hbm4b:s0+s2], $0x7D00, $0x38;
	[tilespmem:$0x1C800] =	vst v63  }
0x16: {  	_ =	swait.ge [sflag:s28], $0x7D00  }
0x17: {  	[sflag:s28] =	ssyncset.done $0x0  }
0x18: {  	s21 =	simm.s32 $0x8000;
	s31 =	rddreg [dreg:$0x3];
	[sflag:s28] =	ssyncadd.s32 $0xFFFF8300  }
0x19: {  	[tilespmem:s21], [sflag:$0x6] =	stream.linear.gather [hbm4b:s31+s2], $0x7D00, $0x38;
	[tilespmem:$0x1C800] =	vst v63  }
0x1a: {  	_ =	swait.ge [sflag:s28], $0x7D00  }
0x1b: {  	[sflag:s28] =	ssyncset.done $0x0  }
0x1c: {  	s0 =	simm.s32 $0x0;
	s21 =	simm.s32 $0x200;
	[sflag:s28] =	ssyncadd.s32 $0xFFFF8300  }
.LBB2_2:
0x1d: {  	p0 =	sne.s32 s21, $0x4E00;
	[tilespmem:s0+$0x1B470] =	vst v0  }
0x1e: {  	[tilespmem:s0+$0x1B410] =	vst v0  }
.Ltmp0:
0x1f: {  	[tilespmem:s0+$0x1B420] =	vst v0;
	(pc) =	sbr.rel @p0 .LBB2_2-.Ltmp0, $4  }
0x20: {  	[tilespmem:s0+$0x1B430] =	vst v0  }
0x21: {  	[tilespmem:s0+$0x1B440] =	vst v0  }
0x22: {  	[tilespmem:s0+$0x1B450] =	vst v0  }
0x23: {  	[tilespmem:s0+$0x1B460] =	vst v0;
	s0 =	sshra.s32 s21, $0x2;
	s21 =	sadd.s32 $0x200, s21  }
0x24: {  	[tilespmem:s0+$0x1B470] =	vst v0  }
0x25: {  	[tilespmem:s0+$0x1B410] =	vst v0  }
0x26: {  	[tilespmem:s0+$0x1B420] =	vst v0  }
0x27: {  	[tilespmem:s0+$0x1B430] =	vst v0  }
0x28: {  	[tilespmem:s0+$0x1B440] =	vst v0  }
0x29: {  	[tilespmem:s0+$0x1B450] =	vst v0  }
0x2a: {  	[tilespmem:s0+$0x1B460] =	vst v0  }
0x2b: {  	v4 =	vld [tilespmem:$0x0];
	_ =	sdelay $0x4  }
0x2c: {  	v5 =	vshll.u32 v4, $0x1  }
0x2d: {  	v4 =	vand.u32 $0x7, v4;
	v5 =	vand.u32 $0xFFFFFFF0, v5  }
0x2e: {  	v4 =	vor.u32 v4, v5  }
0x2f: {  	v5 =	vperm.xlane v4, v1;
	_ =	sdelay $0x1  }
0x30: {  	v4 =	vperm.xlane v4, v3;
	v5 =	vadd.s32 v2, v5;
	_ =	sdelay $0x1  }
0x31: {  	v4 =	vadd.s32 v2, v4;
	_ =	sdelay $0x1  }
0x32: {  	s21 =	simm.s32 $0x0;
	s23 =	simm.s32 $0x10000  }
0x33: {  	[tilespmem:s23], [sflag:$0x1] =	stream.indirect_vreg.gather [hbm4b:s3+s21], $0x80, v5, vm0, $0xb8;
	[tilespmem:$0x1C800] =	vst v63  }
0x34: {  	s24 =	simm.s32 $0x10800  }
0x35: {  	[tilespmem:s24], [sflag:$0x1] =	stream.indirect_vreg.gather [hbm4b:s3+s21], $0x80, v4, vm0, $0xb8;
	[tilespmem:$0x1C800] =	vst v63  }
0x36: {  	v4 =	vld [tilespmem:$0x10];
	_ =	sdelay $0x4  }
0x37: {  	v5 =	vshll.u32 v4, $0x1  }
0x38: {  	v4 =	vand.u32 $0x7, v4;
	v5 =	vand.u32 $0xFFFFFFF0, v5  }
0x39: {  	v4 =	vor.u32 v4, v5  }
0x3a: {  	v5 =	vperm.xlane v4, v1;
	_ =	sdelay $0x1  }
0x3b: {  	v4 =	vperm.xlane v4, v3;
	v5 =	vadd.s32 v2, v5;
	_ =	sdelay $0x1  }
0x3c: {  	v4 =	vadd.s32 v2, v4;
	_ =	sdelay $0x1  }
0x3d: {  	s25 =	simm.s32 $0x11000  }
0x3e: {  	[tilespmem:s25], [sflag:$0x1] =	stream.indirect_vreg.gather [hbm4b:s3+s21], $0x80, v5, vm0, $0xb8;
	[tilespmem:$0x1C800] =	vst v63  }
0x3f: {  	s26 =	simm.s32 $0x11800  }
0x40: {  	[tilespmem:s26], [sflag:$0x1] =	stream.indirect_vreg.gather [hbm4b:s3+s21], $0x80, v4, vm0, $0xb8;
	[tilespmem:$0x1C800] =	vst v63  }
0x41: {  	v4 =	vld.msk [tilespmem:$0x20], $0xff;
	_ =	sdelay $0x4  }
0x42: {  	v5 =	vshll.u32 v4, $0x1  }
0x43: {  	v4 =	vand.u32 $0x7, v4;
	v5 =	vand.u32 $0xFFFFFFF0, v5  }
0x44: {  	v4 =	vor.u32 v4, v5  }
0x45: {  	v4 =	vperm.xlane v4, v1;
	_ =	sdelay $0x1  }
0x46: {  	v4 =	vadd.s32 v2, v4;
	_ =	sdelay $0x3  }
0x47: {  	s28 =	simm.s32 $0x12000  }
0x48: {  	[tilespmem:s28], [sflag:$0x1] =	stream.indirect_vreg.gather [hbm4b:s3+s21], $0x80, v4, vm0, $0xb8;
	[tilespmem:$0x1C800] =	vst v63  }
0x49: {  	v4 =	vld [tilespmem:$0x8000];
	_ =	sdelay $0x4  }
0x4a: {  	v5 =	vshll.u32 v4, $0x1  }
0x4b: {  	v4 =	vand.u32 $0x7, v4;
	v5 =	vand.u32 $0xFFFFFFF0, v5  }
0x4c: {  	v4 =	vor.u32 v4, v5  }
0x4d: {  	v5 =	vperm.xlane v4, v1;
	_ =	sdelay $0x1  }
0x4e: {  	v4 =	vperm.xlane v4, v3;
	v5 =	vadd.s32 v2, v5;
	_ =	sdelay $0x1  }
0x4f: {  	v4 =	vadd.s32 v2, v4;
	_ =	sdelay $0x1  }
0x50: {  	s31 =	simm.s32 $0x12800  }
0x51: {  	[tilespmem:s31], [sflag:$0x2] =	stream.indirect_vreg.gather [hbm4b:s4+s21], $0x80, v5, vm0, $0xb8;
	[tilespmem:$0x1C800] =	vst v63  }
0x52: {  	s1 =	simm.s32 $0x13000  }
0x53: {  	[tilespmem:s1], [sflag:$0x2] =	stream.indirect_vreg.gather [hbm4b:s4+s21], $0x80, v4, vm0, $0xb8;
	[tilespmem:$0x1C800] =	vst v63  }
0x54: {  	v4 =	vld [tilespmem:$0x8010];
	_ =	sdelay $0x4  }
0x55: {  	v5 =	vshll.u32 v4, $0x1  }
0x56: {  	v4 =	vand.u32 $0x7, v4;
	v5 =	vand.u32 $0xFFFFFFF0, v5  }
0x57: {  	v4 =	vor.u32 v4, v5  }
0x58: {  	v5 =	vperm.xlane v4, v1;
	_ =	sdelay $0x1  }
0x59: {  	v4 =	vperm.xlane v4, v3;
	v5 =	vadd.s32 v2, v5;
	_ =	sdelay $0x1  }
0x5a: {  	v4 =	vadd.s32 v2, v4;
	_ =	sdelay $0x1  }
0x5b: {  	s22 =	simm.s32 $0x13800  }
0x5c: {  	[tilespmem:s22], [sflag:$0x2] =	stream.indirect_vreg.gather [hbm4b:s4+s21], $0x80, v5, vm0, $0xb8;
	[tilespmem:$0x1C800] =	vst v63  }
0x5d: {  	s23 =	simm.s32 $0x14000  }
0x5e: {  	[tilespmem:s23], [sflag:$0x2] =	stream.indirect_vreg.gather [hbm4b:s4+s21], $0x80, v4, vm0, $0xb8;
	[tilespmem:$0x1C800] =	vst v63  }
0x5f: {  	v4 =	vld.msk [tilespmem:$0x8020], $0xff;
	_ =	sdelay $0x4  }
0x60: {  	v5 =	vshll.u32 v4, $0x1  }
0x61: {  	v4 =	vand.u32 $0x7, v4;
	v5 =	vand.u32 $0xFFFFFFF0, v5  }
0x62: {  	v4 =	vor.u32 v4, v5  }
0x63: {  	v4 =	vperm.xlane v4, v1;
	_ =	sdelay $0x1  }
0x64: {  	v4 =	vadd.s32 v2, v4;
	_ =	sdelay $0x3  }
0x65: {  	s24 =	simm.s32 $0x14800  }
0x66: {  	[tilespmem:s24], [sflag:$0x2] =	stream.indirect_vreg.gather [hbm4b:s4+s21], $0x80, v4, vm0, $0xb8;
	[tilespmem:$0x1C800] =	vst v63  }
0x67: {  	_ =	swait.ge [sflag:s29], $0x2800  }
0x68: {  	[sflag:s29] =	ssyncset.done $0x0  }
0x69: {  	[sflag:s29] =	ssyncadd.s32 $0xFFFFD800  }
0x6a: {  	_ =	swait.ge [sflag:s30], $0x2800  }
0x6b: {  	[sflag:s30] =	ssyncset.done $0x0  }
0x6c: {  	[sflag:s30] =	ssyncadd.s32 $0xFFFFD800  }
0x6d: {  	v4 =	vld [tilespmem:$0x80];
	_ =	sdelay $0x4  }
0x6e: {  	v5 =	vshll.u32 v4, $0x1  }
0x6f: {  	v4 =	vand.u32 $0x7, v4;
	v5 =	vand.u32 $0xFFFFFFF0, v5  }
0x70: {  	v4 =	vor.u32 v4, v5  }
0x71: {  	v5 =	vperm.xlane v4, v1;
	_ =	sdelay $0x1  }
0x72: {  	v4 =	vperm.xlane v4, v3;
	v5 =	vadd.s32 v2, v5;
	_ =	sdelay $0x1  }
0x73: {  	v4 =	vadd.s32 v2, v4;
	_ =	sdelay $0x1  }
0x74: {  	s25 =	simm.s32 $0x15000  }
0x75: {  	[tilespmem:s25], [sflag:$0x3] =	stream.indirect_vreg.gather [hbm4b:s3+s21], $0x80, v5, vm0, $0xb8;
	[tilespmem:$0x1C800] =	vst v63  }
0x76: {  	s26 =	simm.s32 $0x15800  }
0x77: {  	[tilespmem:s26], [sflag:$0x3] =	stream.indirect_vreg.gather [hbm4b:s3+s21], $0x80, v4, vm0, $0xb8;
	[tilespmem:$0x1C800] =	vst v63  }
0x78: {  	v4 =	vld [tilespmem:$0x90];
	_ =	sdelay $0x4  }
0x79: {  	v5 =	vshll.u32 v4, $0x1  }
0x7a: {  	v4 =	vand.u32 $0x7, v4;
	v5 =	vand.u32 $0xFFFFFFF0, v5  }
0x7b: {  	v4 =	vor.u32 v4, v5  }
0x7c: {  	v5 =	vperm.xlane v4, v1;
	_ =	sdelay $0x1  }
0x7d: {  	v4 =	vperm.xlane v4, v3;
	v5 =	vadd.s32 v2, v5;
	_ =	sdelay $0x1  }
0x7e: {  	v4 =	vadd.s32 v2, v4;
	_ =	sdelay $0x1  }
0x7f: {  	s28 =	simm.s32 $0x16000  }
0x80: {  	[tilespmem:s28], [sflag:$0x3] =	stream.indirect_vreg.gather [hbm4b:s3+s21], $0x80, v5, vm0, $0xb8;
	[tilespmem:$0x1C800] =	vst v63  }
0x81: {  	_ = 	snop  }
0x82: {  	[tilespmem:s17], [sflag:$0x3] =	stream.indirect_vreg.gather [hbm4b:s3+s21], $0x80, v4, vm0, $0xb8;
	[tilespmem:$0x1C800] =	vst v63  }
0x83: {  	v4 =	vld.msk [tilespmem:$0xA0], $0xff;
	_ =	sdelay $0x4  }
0x84: {  	v5 =	vshll.u32 v4, $0x1  }
0x85: {  	v4 =	vand.u32 $0x7, v4;
	v5 =	vand.u32 $0xFFFFFFF0, v5  }
0x86: {  	v4 =	vor.u32 v4, v5  }
0x87: {  	v4 =	vperm.xlane v4, v1;
	_ =	sdelay $0x1  }
0x88: {  	v4 =	vadd.s32 v2, v4;
	_ =	sdelay $0x4  }
0x89: {  	[tilespmem:s8], [sflag:$0x3] =	stream.indirect_vreg.gather [hbm4b:s3+s21], $0x80, v4, vm0, $0xb8;
	[tilespmem:$0x1C800] =	vst v63  }
0x8a: {  	v4 =	vld [tilespmem:$0x8080];
	_ =	sdelay $0x4  }
0x8b: {  	v5 =	vshll.u32 v4, $0x1  }
0x8c: {  	v4 =	vand.u32 $0x7, v4;
	v5 =	vand.u32 $0xFFFFFFF0, v5  }
0x8d: {  	v4 =	vor.u32 v4, v5  }
0x8e: {  	v5 =	vperm.xlane v4, v1;
	_ =	sdelay $0x1  }
0x8f: {  	v4 =	vperm.xlane v4, v3;
	v5 =	vadd.s32 v2, v5;
	_ =	sdelay $0x1  }
0x90: {  	v4 =	vadd.s32 v2, v4;
	_ =	sdelay $0x2  }
0x91: {  	[tilespmem:s9], [sflag:$0x4] =	stream.indirect_vreg.gather [hbm4b:s4+s21], $0x80, v5, vm0, $0xb8;
	[tilespmem:$0x1C800] =	vst v63  }
0x92: {  	_ = 	snop  }
0x93: {  	[tilespmem:s10], [sflag:$0x4] =	stream.indirect_vreg.gather [hbm4b:s4+s21], $0x80, v4, vm0, $0xb8;
	[tilespmem:$0x1C800] =	vst v63  }
0x94: {  	v4 =	vld [tilespmem:$0x8090];
	_ =	sdelay $0x4  }
0x95: {  	v5 =	vshll.u32 v4, $0x1  }
0x96: {  	v4 =	vand.u32 $0x7, v4;
	v5 =	vand.u32 $0xFFFFFFF0, v5  }
0x97: {  	v4 =	vor.u32 v4, v5  }
0x98: {  	v5 =	vperm.xlane v4, v1;
	_ =	sdelay $0x1  }
0x99: {  	v4 =	vperm.xlane v4, v3;
	v5 =	vadd.s32 v2, v5;
	_ =	sdelay $0x1  }
0x9a: {  	v4 =	vadd.s32 v2, v4;
	_ =	sdelay $0x2  }
0x9b: {  	[tilespmem:s11], [sflag:$0x4] =	stream.indirect_vreg.gather [hbm4b:s4+s21], $0x80, v5, vm0, $0xb8;
	[tilespmem:$0x1C800] =	vst v63  }
0x9c: {  	_ = 	snop  }
0x9d: {  	[tilespmem:s13], [sflag:$0x4] =	stream.indirect_vreg.gather [hbm4b:s4+s21], $0x80, v4, vm0, $0xb8;
	[tilespmem:$0x1C800] =	vst v63  }
0x9e: {  	v4 =	vld.msk [tilespmem:$0x80A0], $0xff;
	_ =	sdelay $0x4  }
0x9f: {  	v5 =	vshll.u32 v4, $0x1  }
0xa0: {  	v4 =	vand.u32 $0x7, v4;
	v5 =	vand.u32 $0xFFFFFFF0, v5  }
0xa1: {  	v4 =	vor.u32 v4, v5  }
0xa2: {  	v4 =	vperm.xlane v4, v1;
	_ =	sdelay $0x1  }
0xa3: {  	v4 =	vadd.s32 v2, v4;
	_ =	sdelay $0x2  }
0xa4: {  	s31 =	sand.u32 $0x3800, s21;
	s22 =	sand.u32 $0x380, s21  }
0xa5: {  	s23 =	sor.u32 s22, s31  }
0xa6: {  	[tilespmem:s14], [sflag:$0x4] =	stream.indirect_vreg.gather [hbm4b:s4+s21], $0x80, v4, vm0, $0xb8;
	[tilespmem:$0x1C800] =	vst v63  }
0xa7: {  	v4 =	vld [tilespmem:s23+$0x10000]  }
0xa8: {  	v5 =	vld [tilespmem:s23+$0x12800];
	_ =	sdelay $0x4  }
0xa9: {  	v4 =	vadd.f32 v5, v4  }
0xaa: {  	s22 =	simm.s32 $0x1A040  }
0xab: {  	[tilespmem:s22+$0xFFFFFFC0] =	vst v4  }
0xac: {  	v4 =	vld [tilespmem:s23+$0x10010]  }
0xad: {  	v5 =	vld [tilespmem:s23+$0x12810];
	_ =	sdelay $0x4  }
0xae: {  	v4 =	vadd.f32 v5, v4;
	_ =	sdelay $0x1  }
0xaf: {  	[tilespmem:s22+$0xFFFFFFD0] =	vst v4  }
0xb0: {  	v4 =	vld [tilespmem:s23+$0x10020]  }
0xb1: {  	v5 =	vld [tilespmem:s23+$0x12820];
	_ =	sdelay $0x4  }
0xb2: {  	v4 =	vadd.f32 v5, v4;
	_ =	sdelay $0x1  }
0xb3: {  	[tilespmem:s22+$0xFFFFFFE0] =	vst v4  }
0xb4: {  	v4 =	vld [tilespmem:s23+$0x10030]  }
0xb5: {  	v5 =	vld [tilespmem:s23+$0x12830];
	_ =	sdelay $0x4  }
0xb6: {  	v4 =	vadd.f32 v5, v4;
	_ =	sdelay $0x1  }
0xb7: {  	[tilespmem:s22+$0xFFFFFFF0] =	vst v4  }
0xb8: {  	v4 =	vld [tilespmem:s23+$0x10040]  }
0xb9: {  	v5 =	vld [tilespmem:s23+$0x12840];
	_ =	sdelay $0x4  }
0xba: {  	v4 =	vadd.f32 v5, v4;
	_ =	sdelay $0x1  }
0xbb: {  	[tilespmem:s22+$0x0] =	vst v4  }
0xbc: {  	v4 =	vld [tilespmem:s23+$0x10050]  }
0xbd: {  	v5 =	vld [tilespmem:s23+$0x12850];
	_ =	sdelay $0x4  }
0xbe: {  	v4 =	vadd.f32 v5, v4;
	_ =	sdelay $0x1  }
0xbf: {  	[tilespmem:s22+$0x10] =	vst v4  }
0xc0: {  	v4 =	vld [tilespmem:s23+$0x10060]  }
0xc1: {  	v5 =	vld [tilespmem:s23+$0x12860];
	_ =	sdelay $0x4  }
0xc2: {  	v4 =	vadd.f32 v5, v4;
	_ =	sdelay $0x1  }
0xc3: {  	[tilespmem:s22+$0x20] =	vst v4  }
0xc4: {  	v4 =	vld [tilespmem:s23+$0x10070]  }
0xc5: {  	v5 =	vld [tilespmem:s23+$0x12870];
	_ =	sdelay $0x4  }
0xc6: {  	s24 =	simm.s32 $0x1B400;
	s25 =	simm.s32 $0x1B400;
	s26 =	simm.s32 $0x100;
	v4 =	vadd.f32 v5, v4  }
.LBB2_4:
0xc7: {  	_ = 	snop  }
0xc8: {  	s25 =	sadd.s32 $0x80, s25;
	s21 =	sadd.s32 $0x80, s21;
	[tilespmem:s22+$0x30] =	vst v4;
	s22 =	sadd.s32 $0x80, s22  }
0xc9: {  	p0 =	sne.s32 s26, $0x2700;
	s0 =	smov.u32 s26;
	s26 =	sadd.s32 $0x100, s26;
	v4 =	vld [tilespmem:s23+$0x10400]  }
0xca: {  	v5 =	vld [tilespmem:s23+$0x12C00];
	_ =	sdelay $0x4  }
0xcb: {  	v4 =	vsub.f32 v4, v5  }
0xcc: {  	s0 =	sand.u32 $0x3800, s0;
	s23 =	sand.u32 $0x380, s21  }
0xcd: {  	s23 =	sor.u32 s23, s0;
	[tilespmem:s24+$0x0] =	vst v4;
	s24 =	smov.u32 s25  }
0xce: {  	v4 =	vld [tilespmem:s23+$0x10000]  }
0xcf: {  	v5 =	vld [tilespmem:s23+$0x12800];
	_ =	sdelay $0x4  }
0xd0: {  	v4 =	vadd.f32 v5, v4;
	_ =	sdelay $0x1  }
0xd1: {  	[tilespmem:s22+$0xFFFFFFC0] =	vst v4  }
0xd2: {  	v4 =	vld [tilespmem:s23+$0x10010]  }
0xd3: {  	v5 =	vld [tilespmem:s23+$0x12810];
	_ =	sdelay $0x4  }
0xd4: {  	v4 =	vadd.f32 v5, v4;
	_ =	sdelay $0x1  }
0xd5: {  	[tilespmem:s22+$0xFFFFFFD0] =	vst v4  }
0xd6: {  	v4 =	vld [tilespmem:s23+$0x10020]  }
0xd7: {  	v5 =	vld [tilespmem:s23+$0x12820];
	_ =	sdelay $0x4  }
0xd8: {  	v4 =	vadd.f32 v5, v4;
	_ =	sdelay $0x1  }
0xd9: {  	[tilespmem:s22+$0xFFFFFFE0] =	vst v4  }
0xda: {  	v4 =	vld [tilespmem:s23+$0x10030]  }
0xdb: {  	v5 =	vld [tilespmem:s23+$0x12830];
	_ =	sdelay $0x4  }
0xdc: {  	v4 =	vadd.f32 v5, v4;
	_ =	sdelay $0x1  }
0xdd: {  	[tilespmem:s22+$0xFFFFFFF0] =	vst v4  }
0xde: {  	v4 =	vld [tilespmem:s23+$0x10040]  }
0xdf: {  	v5 =	vld [tilespmem:s23+$0x12840];
	_ =	sdelay $0x4  }
0xe0: {  	v4 =	vadd.f32 v5, v4;
	_ =	sdelay $0x1  }
0xe1: {  	[tilespmem:s22+$0x0] =	vst v4  }
0xe2: {  	v4 =	vld [tilespmem:s23+$0x10050]  }
0xe3: {  	v5 =	vld [tilespmem:s23+$0x12850];
	_ =	sdelay $0x4  }
0xe4: {  	v4 =	vadd.f32 v5, v4;
	_ =	sdelay $0x1  }
0xe5: {  	[tilespmem:s22+$0x10] =	vst v4  }
0xe6: {  	v4 =	vld [tilespmem:s23+$0x10060]  }
0xe7: {  	v5 =	vld [tilespmem:s23+$0x12860];
	_ =	sdelay $0x4  }
0xe8: {  	v4 =	vadd.f32 v5, v4;
	_ =	sdelay $0x1  }
0xe9: {  	[tilespmem:s22+$0x20] =	vst v4  }
0xea: {  	v4 =	vld [tilespmem:s23+$0x10070]  }
0xeb: {  	v5 =	vld [tilespmem:s23+$0x12870]  }
.Ltmp1:
0xec: {  	(pc) =	sbr.rel @p0 .LBB2_4-.Ltmp1, $2  }
0xed: {  	_ =	sdelay $0x2  }
0xee: {  	v4 =	vadd.f32 v5, v4  }
0xef: {  	_ = 	snop  }
0xf0: {  	[tilespmem:s22+$0x30] =	vst v4  }
0xf1: {  	v4 =	vld [tilespmem:s23+$0x10400]  }
0xf2: {  	v5 =	vld [tilespmem:s23+$0x12C00];
	_ =	sdelay $0x4  }
0xf3: {  	v4 =	vsub.f32 v4, v5;
	_ =	sdelay $0x1  }
0xf4: {  	s21 =	simm.s32 $0x0;
	s0 =	rddreg [dreg:$0x4];
	[tilespmem:s24+$0x0] =	vst v4  }
0xf5: {  	[hbm4b:s0+s21] =	stream.linear.scatter [tilespmem:s15], [sflag:$0x5], $0x1400, $0x38;
	[tilespmem:$0x1C800] =	vst v63  }
0xf6: {  	s31 =	rddreg [dreg:$0x5];
	s22 =	simm.s32 $0x0  }
0xf7: {  	[hbm4b:s31+s21] =	stream.linear.scatter [tilespmem:s16], [sflag:$0x5], $0x1400, $0x38;
	[tilespmem:$0x1C800] =	vst v63  }
.LBB2_6:
0xf8: {  	_ =	swait.ge [sflag:s18], $0x2800  }
0xf9: {  	[sflag:s18] =	ssyncset.done $0x0  }
0xfa: {  	[sflag:s18] =	ssyncadd.s32 $0xFFFFD800  }
0xfb: {  	s0 =	sshll.u32 s22, $0x1;
	_ =	swait.ge [sflag:s19], $0x2800  }
0xfc: {  	s23 =	sadd.s32 $0x2, s0;
	[sflag:s19] =	ssyncset.done $0x0  }
0xfd: {  	s0 =	sshll.u32 s23, $0x7;
	[sflag:s19] =	ssyncadd.s32 $0xFFFFD800  }
0xfe: {  	v4 =	vld [tilespmem:s0+$0x0];
	_ =	sdelay $0x4  }
0xff: {  	v5 =	vshll.u32 v4, $0x1  }
0x100: {  	v4 =	vand.u32 $0x7, v4;
	v5 =	vand.u32 $0xFFFFFFF0, v5  }
0x101: {  	v4 =	vor.u32 v4, v5  }
0x102: {  	v5 =	vperm.xlane v4, v1;
	_ =	sdelay $0x1  }
0x103: {  	v4 =	vperm.xlane v4, v3;
	v5 =	vadd.s32 v2, v5;
	_ =	sdelay $0x1  }
0x104: {  	v4 =	vadd.s32 v2, v4;
	_ =	sdelay $0x1  }
0x105: {  	s1 =	simm.s32 $0x10000  }
0x106: {  	[tilespmem:s1], [sflag:$0x1] =	stream.indirect_vreg.gather [hbm4b:s3+s21], $0x80, v5, vm0, $0xb8;
	[tilespmem:$0x1C800] =	vst v63  }
0x107: {  	s25 =	simm.s32 $0x10800  }
0x108: {  	[tilespmem:s25], [sflag:$0x1] =	stream.indirect_vreg.gather [hbm4b:s3+s21], $0x80, v4, vm0, $0xb8;
	[tilespmem:$0x1C800] =	vst v63  }
0x109: {  	v4 =	vld [tilespmem:s0+$0x10];
	_ =	sdelay $0x4  }
0x10a: {  	v5 =	vshll.u32 v4, $0x1  }
0x10b: {  	v4 =	vand.u32 $0x7, v4;
	v5 =	vand.u32 $0xFFFFFFF0, v5  }
0x10c: {  	v4 =	vor.u32 v4, v5  }
0x10d: {  	v5 =	vperm.xlane v4, v1;
	_ =	sdelay $0x1  }
0x10e: {  	v4 =	vperm.xlane v4, v3;
	v5 =	vadd.s32 v2, v5;
	_ =	sdelay $0x1  }
0x10f: {  	v4 =	vadd.s32 v2, v4;
	_ =	sdelay $0x1  }
0x110: {  	s26 =	simm.s32 $0x11000  }
0x111: {  	[tilespmem:s26], [sflag:$0x1] =	stream.indirect_vreg.gather [hbm4b:s3+s21], $0x80, v5, vm0, $0xb8;
	[tilespmem:$0x1C800] =	vst v63  }
0x112: {  	s24 =	simm.s32 $0x11800  }
0x113: {  	[tilespmem:s24], [sflag:$0x1] =	stream.indirect_vreg.gather [hbm4b:s3+s21], $0x80, v4, vm0, $0xb8;
	[tilespmem:$0x1C800] =	vst v63  }
0x114: {  	s24 =	sor.u32 $0x20, s0  }
0x115: {  	v4 =	vld.msk [tilespmem:s24+$0x0], $0xff;
	_ =	sdelay $0x4  }
0x116: {  	v5 =	vshll.u32 v4, $0x1  }
0x117: {  	v4 =	vand.u32 $0x7, v4;
	v5 =	vand.u32 $0xFFFFFFF0, v5  }
0x118: {  	v4 =	vor.u32 v4, v5  }
0x119: {  	v4 =	vperm.xlane v4, v1;
	_ =	sdelay $0x1  }
0x11a: {  	v4 =	vadd.s32 v2, v4;
	_ =	sdelay $0x3  }
0x11b: {  	s25 =	simm.s32 $0x12000  }
0x11c: {  	[tilespmem:s25], [sflag:$0x1] =	stream.indirect_vreg.gather [hbm4b:s3+s21], $0x80, v4, vm0, $0xb8;
	[tilespmem:$0x1C800] =	vst v63  }
0x11d: {  	v4 =	vld [tilespmem:s0+$0x8000];
	_ =	sdelay $0x4  }
0x11e: {  	v5 =	vshll.u32 v4, $0x1  }
0x11f: {  	v4 =	vand.u32 $0x7, v4;
	v5 =	vand.u32 $0xFFFFFFF0, v5  }
0x120: {  	v4 =	vor.u32 v4, v5  }
0x121: {  	v5 =	vperm.xlane v4, v1;
	_ =	sdelay $0x1  }
0x122: {  	v4 =	vperm.xlane v4, v3;
	v5 =	vadd.s32 v2, v5;
	_ =	sdelay $0x1  }
0x123: {  	v4 =	vadd.s32 v2, v4;
	_ =	sdelay $0x1  }
0x124: {  	s26 =	simm.s32 $0x12800  }
0x125: {  	[tilespmem:s26], [sflag:$0x2] =	stream.indirect_vreg.gather [hbm4b:s4+s21], $0x80, v5, vm0, $0xb8;
	[tilespmem:$0x1C800] =	vst v63  }
0x126: {  	s24 =	simm.s32 $0x13000  }
0x127: {  	[tilespmem:s24], [sflag:$0x2] =	stream.indirect_vreg.gather [hbm4b:s4+s21], $0x80, v4, vm0, $0xb8;
	[tilespmem:$0x1C800] =	vst v63  }
0x128: {  	v4 =	vld [tilespmem:s0+$0x8010];
	_ =	sdelay $0x4  }
0x129: {  	v5 =	vshll.u32 v4, $0x1  }
0x12a: {  	v4 =	vand.u32 $0x7, v4;
	v5 =	vand.u32 $0xFFFFFFF0, v5  }
0x12b: {  	v4 =	vor.u32 v4, v5  }
0x12c: {  	v5 =	vperm.xlane v4, v1;
	_ =	sdelay $0x1  }
0x12d: {  	v4 =	vperm.xlane v4, v3;
	v5 =	vadd.s32 v2, v5;
	_ =	sdelay $0x1  }
0x12e: {  	v4 =	vadd.s32 v2, v4;
	_ =	sdelay $0x1  }
0x12f: {  	s25 =	simm.s32 $0x13800  }
0x130: {  	[tilespmem:s25], [sflag:$0x2] =	stream.indirect_vreg.gather [hbm4b:s4+s21], $0x80, v5, vm0, $0xb8;
	[tilespmem:$0x1C800] =	vst v63  }
0x131: {  	s26 =	simm.s32 $0x14000  }
0x132: {  	[tilespmem:s26], [sflag:$0x2] =	stream.indirect_vreg.gather [hbm4b:s4+s21], $0x80, v4, vm0, $0xb8;
	[tilespmem:$0x1C800] =	vst v63  }
0x133: {  	v4 =	vld.msk [tilespmem:s0+$0x8020], $0xff;
	_ =	sdelay $0x4  }
0x134: {  	v5 =	vshll.u32 v4, $0x1  }
0x135: {  	v4 =	vand.u32 $0x7, v4;
	v5 =	vand.u32 $0xFFFFFFF0, v5  }
0x136: {  	v4 =	vor.u32 v4, v5  }
0x137: {  	v4 =	vperm.xlane v4, v1;
	_ =	sdelay $0x1  }
0x138: {  	v4 =	vadd.s32 v2, v4;
	_ =	sdelay $0x3  }
0x139: {  	s24 =	simm.s32 $0x14800  }
0x13a: {  	[tilespmem:s24], [sflag:$0x2] =	stream.indirect_vreg.gather [hbm4b:s4+s21], $0x80, v4, vm0, $0xb8;
	[tilespmem:$0x1C800] =	vst v63  }
0x13b: {  	_ =	swait.ge [sflag:s20], $0x1400  }
0x13c: {  	[sflag:s20] =	ssyncset.done $0x0  }
0x13d: {  	[sflag:s20] =	ssyncadd.s32 $0xFFFFEC00  }
0x13e: {  	_ =	swait.ge [sflag:s20], $0x1400  }
0x13f: {  	s25 =	sand.u32 $0x3800, s21;
	s26 =	sand.u32 $0x380, s21;
	[sflag:s20] =	ssyncset.done $0x0  }
0x140: {  	s25 =	sor.u32 s26, s25;
	[sflag:s20] =	ssyncadd.s32 $0xFFFFEC00  }
0x141: {  	v4 =	vld [tilespmem:s25+$0x15000]  }
0x142: {  	v5 =	vld [tilespmem:s25+$0x17800];
	_ =	sdelay $0x4  }
0x143: {  	v4 =	vadd.f32 v5, v4  }
0x144: {  	s24 =	simm.s32 $0x1A040  }
0x145: {  	[tilespmem:s24+$0xFFFFFFC0] =	vst v4  }
0x146: {  	v4 =	vld [tilespmem:s25+$0x15010]  }
0x147: {  	v5 =	vld [tilespmem:s25+$0x17810];
	_ =	sdelay $0x4  }
0x148: {  	v4 =	vadd.f32 v5, v4;
	_ =	sdelay $0x1  }
0x149: {  	[tilespmem:s24+$0xFFFFFFD0] =	vst v4  }
0x14a: {  	v4 =	vld [tilespmem:s25+$0x15020]  }
0x14b: {  	v5 =	vld [tilespmem:s25+$0x17820];
	_ =	sdelay $0x4  }
0x14c: {  	v4 =	vadd.f32 v5, v4;
	_ =	sdelay $0x1  }
0x14d: {  	[tilespmem:s24+$0xFFFFFFE0] =	vst v4  }
0x14e: {  	v4 =	vld [tilespmem:s25+$0x15030]  }
0x14f: {  	v5 =	vld [tilespmem:s25+$0x17830];
	_ =	sdelay $0x4  }
0x150: {  	v4 =	vadd.f32 v5, v4;
	_ =	sdelay $0x1  }
0x151: {  	[tilespmem:s24+$0xFFFFFFF0] =	vst v4  }
0x152: {  	v4 =	vld [tilespmem:s25+$0x15040]  }
0x153: {  	v5 =	vld [tilespmem:s25+$0x17840];
	_ =	sdelay $0x4  }
0x154: {  	v4 =	vadd.f32 v5, v4;
	_ =	sdelay $0x1  }
0x155: {  	[tilespmem:s24+$0x0] =	vst v4  }
0x156: {  	v4 =	vld [tilespmem:s25+$0x15050]  }
0x157: {  	v5 =	vld [tilespmem:s25+$0x17850];
	_ =	sdelay $0x4  }
0x158: {  	v4 =	vadd.f32 v5, v4;
	_ =	sdelay $0x1  }
0x159: {  	[tilespmem:s24+$0x10] =	vst v4  }
0x15a: {  	v4 =	vld [tilespmem:s25+$0x15060]  }
0x15b: {  	v5 =	vld [tilespmem:s25+$0x17860];
	_ =	sdelay $0x4  }
0x15c: {  	v4 =	vadd.f32 v5, v4;
	_ =	sdelay $0x1  }
0x15d: {  	[tilespmem:s24+$0x20] =	vst v4  }
0x15e: {  	v4 =	vld [tilespmem:s25+$0x15070]  }
0x15f: {  	v5 =	vld [tilespmem:s25+$0x17870];
	_ =	sdelay $0x3  }
0x160: {  	s28 =	simm.s32 $0x1B400  }
0x161: {  	s31 =	simm.s32 $0x100;
	s0 =	simm.s32 $0x0;
	s26 =	simm.s32 $0x1B400;
	v4 =	vadd.f32 v5, v4  }
.LBB2_7:
0x162: {  	_ = 	snop  }
0x163: {  	s28 =	sadd.s32 $0x80, s28;
	s0 =	sadd.s32 $0x80, s0;
	[tilespmem:s24+$0x30] =	vst v4;
	s24 =	sadd.s32 $0x80, s24  }
0x164: {  	p0 =	sne.s32 s31, $0x2700;
	s1 =	smov.u32 s31;
	s31 =	sadd.s32 $0x100, s31;
	v4 =	vld [tilespmem:s25+$0x15400]  }
0x165: {  	v5 =	vld [tilespmem:s25+$0x17C00];
	_ =	sdelay $0x4  }
0x166: {  	v4 =	vsub.f32 v4, v5  }
0x167: {  	s1 =	sand.u32 $0x3800, s1;
	s25 =	sand.u32 $0x380, s0  }
0x168: {  	s25 =	sor.u32 s25, s1;
	[tilespmem:s26+$0x0] =	vst v4;
	s26 =	smov.u32 s28  }
0x169: {  	v4 =	vld [tilespmem:s25+$0x15000]  }
0x16a: {  	v5 =	vld [tilespmem:s25+$0x17800];
	_ =	sdelay $0x4  }
0x16b: {  	v4 =	vadd.f32 v5, v4;
	_ =	sdelay $0x1  }
0x16c: {  	[tilespmem:s24+$0xFFFFFFC0] =	vst v4  }
0x16d: {  	v4 =	vld [tilespmem:s25+$0x15010]  }
0x16e: {  	v5 =	vld [tilespmem:s25+$0x17810];
	_ =	sdelay $0x4  }
0x16f: {  	v4 =	vadd.f32 v5, v4;
	_ =	sdelay $0x1  }
0x170: {  	[tilespmem:s24+$0xFFFFFFD0] =	vst v4  }
0x171: {  	v4 =	vld [tilespmem:s25+$0x15020]  }
0x172: {  	v5 =	vld [tilespmem:s25+$0x17820];
	_ =	sdelay $0x4  }
0x173: {  	v4 =	vadd.f32 v5, v4;
	_ =	sdelay $0x1  }
0x174: {  	[tilespmem:s24+$0xFFFFFFE0] =	vst v4  }
0x175: {  	v4 =	vld [tilespmem:s25+$0x15030]  }
0x176: {  	v5 =	vld [tilespmem:s25+$0x17830];
	_ =	sdelay $0x4  }
0x177: {  	v4 =	vadd.f32 v5, v4;
	_ =	sdelay $0x1  }
0x178: {  	[tilespmem:s24+$0xFFFFFFF0] =	vst v4  }
0x179: {  	v4 =	vld [tilespmem:s25+$0x15040]  }
0x17a: {  	v5 =	vld [tilespmem:s25+$0x17840];
	_ =	sdelay $0x4  }
0x17b: {  	v4 =	vadd.f32 v5, v4;
	_ =	sdelay $0x1  }
0x17c: {  	[tilespmem:s24+$0x0] =	vst v4  }
0x17d: {  	v4 =	vld [tilespmem:s25+$0x15050]  }
0x17e: {  	v5 =	vld [tilespmem:s25+$0x17850];
	_ =	sdelay $0x4  }
0x17f: {  	v4 =	vadd.f32 v5, v4;
	_ =	sdelay $0x1  }
0x180: {  	[tilespmem:s24+$0x10] =	vst v4  }
0x181: {  	v4 =	vld [tilespmem:s25+$0x15060]  }
0x182: {  	v5 =	vld [tilespmem:s25+$0x17860];
	_ =	sdelay $0x4  }
0x183: {  	v4 =	vadd.f32 v5, v4;
	_ =	sdelay $0x1  }
0x184: {  	[tilespmem:s24+$0x20] =	vst v4  }
0x185: {  	v4 =	vld [tilespmem:s25+$0x15070]  }
0x186: {  	v5 =	vld [tilespmem:s25+$0x17870]  }
.Ltmp2:
0x187: {  	(pc) =	sbr.rel @p0 .LBB2_7-.Ltmp2, $2  }
0x188: {  	_ =	sdelay $0x2  }
0x189: {  	v4 =	vadd.f32 v5, v4  }
0x18a: {  	_ = 	snop  }
0x18b: {  	[tilespmem:s24+$0x30] =	vst v4  }
0x18c: {  	v4 =	vld [tilespmem:s25+$0x15400]  }
0x18d: {  	v5 =	vld [tilespmem:s25+$0x17C00];
	_ =	sdelay $0x2  }
0x18e: {  	s0 =	smul.u32 $0x50, s22;
	_ =	sdelay $0x1  }
0x18f: {  	s0 =	sadd.s32 s0, s12;
	v4 =	vsub.f32 v4, v5  }
0x190: {  	s0 =	sshll.u32 s0, $0x4  }
0x191: {  	s24 =	simm.s32 $0x0;
	s1 =	sadd.s32 s5, s0;
	[tilespmem:s26+$0x0] =	vst v4  }
0x192: {  	[hbm4b:s1+s24] =	stream.linear.scatter [tilespmem:s15], [sflag:$0x5], $0x1400, $0x38;
	[tilespmem:$0x1C800] =	vst v63  }
0x193: {  	s25 =	simm.s32 $0x1B400;
	s0 =	sadd.s32 s6, s0  }
0x194: {  	[hbm4b:s0+s24] =	stream.linear.scatter [tilespmem:s25], [sflag:$0x5], $0x1400, $0x38;
	[tilespmem:$0x1C800] =	vst v63  }
0x195: {  	_ =	swait.ge [sflag:s29], $0x2800  }
0x196: {  	[sflag:s29] =	ssyncset.done $0x0  }
0x197: {  	[sflag:s29] =	ssyncadd.s32 $0xFFFFD800  }
0x198: {  	_ =	swait.ge [sflag:s30], $0x2800  }
0x199: {  	[sflag:s30] =	ssyncset.done $0x0  }
0x19a: {  	s0 =	sshll.u32 s22, $0x8;
	[sflag:s30] =	ssyncadd.s32 $0xFFFFD800  }
0x19b: {  	v4 =	vld [tilespmem:s0+$0x180];
	_ =	sdelay $0x4  }
0x19c: {  	v5 =	vshll.u32 v4, $0x1  }
0x19d: {  	v4 =	vand.u32 $0x7, v4;
	v5 =	vand.u32 $0xFFFFFFF0, v5  }
0x19e: {  	v4 =	vor.u32 v4, v5  }
0x19f: {  	v5 =	vperm.xlane v4, v1;
	_ =	sdelay $0x1  }
0x1a0: {  	v4 =	vperm.xlane v4, v3;
	v5 =	vadd.s32 v2, v5;
	_ =	sdelay $0x1  }
0x1a1: {  	v4 =	vadd.s32 v2, v4;
	_ =	sdelay $0x1  }
0x1a2: {  	s26 =	simm.s32 $0x15000  }
0x1a3: {  	[tilespmem:s26], [sflag:$0x3] =	stream.indirect_vreg.gather [hbm4b:s3+s24], $0x80, v5, vm0, $0xb8;
	[tilespmem:$0x1C800] =	vst v63  }
0x1a4: {  	s26 =	simm.s32 $0x15800  }
0x1a5: {  	[tilespmem:s26], [sflag:$0x3] =	stream.indirect_vreg.gather [hbm4b:s3+s24], $0x80, v4, vm0, $0xb8;
	[tilespmem:$0x1C800] =	vst v63  }
0x1a6: {  	v4 =	vld [tilespmem:s0+$0x190];
	_ =	sdelay $0x4  }
0x1a7: {  	v5 =	vshll.u32 v4, $0x1  }
0x1a8: {  	v4 =	vand.u32 $0x7, v4;
	v5 =	vand.u32 $0xFFFFFFF0, v5  }
0x1a9: {  	v4 =	vor.u32 v4, v5  }
0x1aa: {  	v5 =	vperm.xlane v4, v1;
	_ =	sdelay $0x1  }
0x1ab: {  	v4 =	vperm.xlane v4, v3;
	v5 =	vadd.s32 v2, v5;
	_ =	sdelay $0x1  }
0x1ac: {  	v4 =	vadd.s32 v2, v4;
	_ =	sdelay $0x1  }
0x1ad: {  	s26 =	simm.s32 $0x16000  }
0x1ae: {  	[tilespmem:s26], [sflag:$0x3] =	stream.indirect_vreg.gather [hbm4b:s3+s24], $0x80, v5, vm0, $0xb8;
	[tilespmem:$0x1C800] =	vst v63  }
0x1af: {  	_ = 	snop  }
0x1b0: {  	[tilespmem:s17], [sflag:$0x3] =	stream.indirect_vreg.gather [hbm4b:s3+s24], $0x80, v4, vm0, $0xb8;
	[tilespmem:$0x1C800] =	vst v63  }
0x1b1: {  	v4 =	vld.msk [tilespmem:s0+$0x1A0], $0xff;
	_ =	sdelay $0x4  }
0x1b2: {  	v5 =	vshll.u32 v4, $0x1  }
0x1b3: {  	v4 =	vand.u32 $0x7, v4;
	v5 =	vand.u32 $0xFFFFFFF0, v5  }
0x1b4: {  	v4 =	vor.u32 v4, v5  }
0x1b5: {  	v4 =	vperm.xlane v4, v1;
	_ =	sdelay $0x1  }
0x1b6: {  	v4 =	vadd.s32 v2, v4;
	_ =	sdelay $0x4  }
0x1b7: {  	[tilespmem:s8], [sflag:$0x3] =	stream.indirect_vreg.gather [hbm4b:s3+s24], $0x80, v4, vm0, $0xb8;
	[tilespmem:$0x1C800] =	vst v63  }
0x1b8: {  	v4 =	vld [tilespmem:s0+$0x8180];
	_ =	sdelay $0x4  }
0x1b9: {  	v5 =	vshll.u32 v4, $0x1  }
0x1ba: {  	v4 =	vand.u32 $0x7, v4;
	v5 =	vand.u32 $0xFFFFFFF0, v5  }
0x1bb: {  	v4 =	vor.u32 v4, v5  }
0x1bc: {  	v5 =	vperm.xlane v4, v1;
	_ =	sdelay $0x1  }
0x1bd: {  	v4 =	vperm.xlane v4, v3;
	v5 =	vadd.s32 v2, v5;
	_ =	sdelay $0x1  }
0x1be: {  	v4 =	vadd.s32 v2, v4;
	_ =	sdelay $0x2  }
0x1bf: {  	[tilespmem:s9], [sflag:$0x4] =	stream.indirect_vreg.gather [hbm4b:s4+s24], $0x80, v5, vm0, $0xb8;
	[tilespmem:$0x1C800] =	vst v63  }
0x1c0: {  	_ = 	snop  }
0x1c1: {  	[tilespmem:s10], [sflag:$0x4] =	stream.indirect_vreg.gather [hbm4b:s4+s24], $0x80, v4, vm0, $0xb8;
	[tilespmem:$0x1C800] =	vst v63  }
0x1c2: {  	v4 =	vld [tilespmem:s0+$0x8190];
	_ =	sdelay $0x4  }
0x1c3: {  	v5 =	vshll.u32 v4, $0x1  }
0x1c4: {  	v4 =	vand.u32 $0x7, v4;
	v5 =	vand.u32 $0xFFFFFFF0, v5  }
0x1c5: {  	v4 =	vor.u32 v4, v5  }
0x1c6: {  	v5 =	vperm.xlane v4, v1;
	_ =	sdelay $0x1  }
0x1c7: {  	v4 =	vperm.xlane v4, v3;
	v5 =	vadd.s32 v2, v5;
	_ =	sdelay $0x1  }
0x1c8: {  	v4 =	vadd.s32 v2, v4;
	_ =	sdelay $0x2  }
0x1c9: {  	[tilespmem:s11], [sflag:$0x4] =	stream.indirect_vreg.gather [hbm4b:s4+s24], $0x80, v5, vm0, $0xb8;
	[tilespmem:$0x1C800] =	vst v63  }
0x1ca: {  	_ = 	snop  }
0x1cb: {  	[tilespmem:s13], [sflag:$0x4] =	stream.indirect_vreg.gather [hbm4b:s4+s24], $0x80, v4, vm0, $0xb8;
	[tilespmem:$0x1C800] =	vst v63  }
0x1cc: {  	v4 =	vld.msk [tilespmem:s0+$0x81A0], $0xff;
	_ =	sdelay $0x4  }
0x1cd: {  	v5 =	vshll.u32 v4, $0x1  }
0x1ce: {  	v4 =	vand.u32 $0x7, v4;
	v5 =	vand.u32 $0xFFFFFFF0, v5  }
0x1cf: {  	v4 =	vor.u32 v4, v5  }
0x1d0: {  	v4 =	vperm.xlane v4, v1;
	_ =	sdelay $0x1  }
0x1d1: {  	v4 =	vadd.s32 v2, v4;
	_ =	sdelay $0x4  }
0x1d2: {  	[tilespmem:s14], [sflag:$0x4] =	stream.indirect_vreg.gather [hbm4b:s4+s24], $0x80, v4, vm0, $0xb8;
	[tilespmem:$0x1C800] =	vst v63  }
0x1d3: {  	_ =	swait.ge [sflag:s20], $0x1400  }
0x1d4: {  	[sflag:s20] =	ssyncset.done $0x0  }
0x1d5: {  	[sflag:s20] =	ssyncadd.s32 $0xFFFFEC00  }
0x1d6: {  	_ =	swait.ge [sflag:s20], $0x1400  }
0x1d7: {  	s1 =	sand.u32 $0x3800, s24;
	s26 =	sand.u32 $0x380, s24;
	[sflag:s20] =	ssyncset.done $0x0  }
0x1d8: {  	s28 =	sor.u32 s26, s1;
	[sflag:s20] =	ssyncadd.s32 $0xFFFFEC00  }
0x1d9: {  	v4 =	vld [tilespmem:s28+$0x10000]  }
0x1da: {  	v5 =	vld [tilespmem:s28+$0x12800];
	_ =	sdelay $0x4  }
0x1db: {  	v4 =	vadd.f32 v5, v4  }
0x1dc: {  	s26 =	simm.s32 $0x1A040  }
0x1dd: {  	[tilespmem:s26+$0xFFFFFFC0] =	vst v4  }
0x1de: {  	v4 =	vld [tilespmem:s28+$0x10010]  }
0x1df: {  	v5 =	vld [tilespmem:s28+$0x12810];
	_ =	sdelay $0x4  }
0x1e0: {  	v4 =	vadd.f32 v5, v4;
	_ =	sdelay $0x1  }
0x1e1: {  	[tilespmem:s26+$0xFFFFFFD0] =	vst v4  }
0x1e2: {  	v4 =	vld [tilespmem:s28+$0x10020]  }
0x1e3: {  	v5 =	vld [tilespmem:s28+$0x12820];
	_ =	sdelay $0x4  }
0x1e4: {  	v4 =	vadd.f32 v5, v4;
	_ =	sdelay $0x1  }
0x1e5: {  	[tilespmem:s26+$0xFFFFFFE0] =	vst v4  }
0x1e6: {  	v4 =	vld [tilespmem:s28+$0x10030]  }
0x1e7: {  	v5 =	vld [tilespmem:s28+$0x12830];
	_ =	sdelay $0x4  }
0x1e8: {  	v4 =	vadd.f32 v5, v4;
	_ =	sdelay $0x1  }
0x1e9: {  	[tilespmem:s26+$0xFFFFFFF0] =	vst v4  }
0x1ea: {  	v4 =	vld [tilespmem:s28+$0x10040]  }
0x1eb: {  	v5 =	vld [tilespmem:s28+$0x12840];
	_ =	sdelay $0x4  }
0x1ec: {  	v4 =	vadd.f32 v5, v4;
	_ =	sdelay $0x1  }
0x1ed: {  	[tilespmem:s26+$0x0] =	vst v4  }
0x1ee: {  	v4 =	vld [tilespmem:s28+$0x10050]  }
0x1ef: {  	v5 =	vld [tilespmem:s28+$0x12850];
	_ =	sdelay $0x4  }
0x1f0: {  	v4 =	vadd.f32 v5, v4;
	_ =	sdelay $0x1  }
0x1f1: {  	[tilespmem:s26+$0x10] =	vst v4  }
0x1f2: {  	v4 =	vld [tilespmem:s28+$0x10060]  }
0x1f3: {  	v5 =	vld [tilespmem:s28+$0x12860];
	_ =	sdelay $0x4  }
0x1f4: {  	v4 =	vadd.f32 v5, v4;
	_ =	sdelay $0x1  }
0x1f5: {  	[tilespmem:s26+$0x20] =	vst v4  }
0x1f6: {  	v4 =	vld [tilespmem:s28+$0x10070]  }
0x1f7: {  	v5 =	vld [tilespmem:s28+$0x12870];
	_ =	sdelay $0x4  }
0x1f8: {  	s31 =	simm.s32 $0x1B400;
	s0 =	simm.s32 $0x100;
	v4 =	vadd.f32 v5, v4  }
.LBB2_9:
0x1f9: {  	_ = 	snop  }
0x1fa: {  	s25 =	sadd.s32 $0x80, s25;
	s24 =	sadd.s32 $0x80, s24;
	[tilespmem:s26+$0x30] =	vst v4;
	s26 =	sadd.s32 $0x80, s26  }
0x1fb: {  	p0 =	sne.s32 s0, $0x2700;
	s1 =	smov.u32 s0;
	s0 =	sadd.s32 $0x100, s0;
	v4 =	vld [tilespmem:s28+$0x10400]  }
0x1fc: {  	v5 =	vld [tilespmem:s28+$0x12C00];
	_ =	sdelay $0x4  }
0x1fd: {  	v4 =	vsub.f32 v4, v5  }
0x1fe: {  	s1 =	sand.u32 $0x3800, s1;
	s28 =	sand.u32 $0x380, s24  }
0x1ff: {  	s28 =	sor.u32 s28, s1;
	[tilespmem:s31+$0x0] =	vst v4;
	s31 =	smov.u32 s25  }
0x200: {  	v4 =	vld [tilespmem:s28+$0x10000]  }
0x201: {  	v5 =	vld [tilespmem:s28+$0x12800];
	_ =	sdelay $0x4  }
0x202: {  	v4 =	vadd.f32 v5, v4;
	_ =	sdelay $0x1  }
0x203: {  	[tilespmem:s26+$0xFFFFFFC0] =	vst v4  }
0x204: {  	v4 =	vld [tilespmem:s28+$0x10010]  }
0x205: {  	v5 =	vld [tilespmem:s28+$0x12810];
	_ =	sdelay $0x4  }
0x206: {  	v4 =	vadd.f32 v5, v4;
	_ =	sdelay $0x1  }
0x207: {  	[tilespmem:s26+$0xFFFFFFD0] =	vst v4  }
0x208: {  	v4 =	vld [tilespmem:s28+$0x10020]  }
0x209: {  	v5 =	vld [tilespmem:s28+$0x12820];
	_ =	sdelay $0x4  }
0x20a: {  	v4 =	vadd.f32 v5, v4;
	_ =	sdelay $0x1  }
0x20b: {  	[tilespmem:s26+$0xFFFFFFE0] =	vst v4  }
0x20c: {  	v4 =	vld [tilespmem:s28+$0x10030]  }
0x20d: {  	v5 =	vld [tilespmem:s28+$0x12830];
	_ =	sdelay $0x4  }
0x20e: {  	v4 =	vadd.f32 v5, v4;
	_ =	sdelay $0x1  }
0x20f: {  	[tilespmem:s26+$0xFFFFFFF0] =	vst v4  }
0x210: {  	v4 =	vld [tilespmem:s28+$0x10040]  }
0x211: {  	v5 =	vld [tilespmem:s28+$0x12840];
	_ =	sdelay $0x4  }
0x212: {  	v4 =	vadd.f32 v5, v4;
	_ =	sdelay $0x1  }
0x213: {  	[tilespmem:s26+$0x0] =	vst v4  }
0x214: {  	v4 =	vld [tilespmem:s28+$0x10050]  }
0x215: {  	v5 =	vld [tilespmem:s28+$0x12850];
	_ =	sdelay $0x4  }
0x216: {  	v4 =	vadd.f32 v5, v4;
	_ =	sdelay $0x1  }
0x217: {  	[tilespmem:s26+$0x10] =	vst v4  }
0x218: {  	v4 =	vld [tilespmem:s28+$0x10060]  }
0x219: {  	v5 =	vld [tilespmem:s28+$0x12860];
	_ =	sdelay $0x4  }
0x21a: {  	v4 =	vadd.f32 v5, v4;
	_ =	sdelay $0x1  }
0x21b: {  	[tilespmem:s26+$0x20] =	vst v4  }
0x21c: {  	v4 =	vld [tilespmem:s28+$0x10070]  }
0x21d: {  	v5 =	vld [tilespmem:s28+$0x12870]  }
.Ltmp3:
0x21e: {  	(pc) =	sbr.rel @p0 .LBB2_9-.Ltmp3, $2  }
0x21f: {  	_ =	sdelay $0x2  }
0x220: {  	v4 =	vadd.f32 v5, v4  }
0x221: {  	_ = 	snop  }
0x222: {  	[tilespmem:s26+$0x30] =	vst v4  }
0x223: {  	v4 =	vld [tilespmem:s28+$0x10400]  }
0x224: {  	v5 =	vld [tilespmem:s28+$0x12C00];
	_ =	sdelay $0x2  }
0x225: {  	s0 =	smul.u32 $0x28, s23  }
0x226: {  	s22 =	sadd.s32 $0x1, s22  }
0x227: {  	p0 =	sne.s32 s22, $0x7C;
	s0 =	sadd.s32 s7, s0;
	v4 =	vsub.f32 v4, v5  }
.Ltmp4:
0x228: {  	s0 =	sshll.u32 s0, $0x4;
	(pc) =	sbr.rel @p0 .LBB2_6-.Ltmp4, $4  }
0x229: {  	s1 =	sadd.s32 s5, s0;
	[tilespmem:s31+$0x0] =	vst v4  }
0x22a: {  	[hbm4b:s1+s2] =	stream.linear.scatter [tilespmem:s15], [sflag:$0x5], $0x1400, $0x38;
	[tilespmem:$0x1C800] =	vst v63  }
0x22b: {  	s0 =	sadd.s32 s6, s0  }
0x22c: {  	[hbm4b:s0+s2] =	stream.linear.scatter [tilespmem:s16], [sflag:$0x5], $0x1400, $0x38;
	[tilespmem:$0x1C800] =	vst v63  }
0x22d: {  	_ =	swait.ge [sflag:s18], $0x2800  }
0x22e: {  	[sflag:s18] =	ssyncset.done $0x0  }
0x22f: {  	[sflag:s18] =	ssyncadd.s32 $0xFFFFD800  }
0x230: {  	_ =	swait.ge [sflag:s19], $0x2800  }
0x231: {  	[sflag:s19] =	ssyncset.done $0x0  }
0x232: {  	[sflag:s19] =	ssyncadd.s32 $0xFFFFD800  }
0x233: {  	_ =	swait.ge [sflag:s20], $0x1400  }
0x234: {  	[sflag:s20] =	ssyncset.done $0x0  }
0x235: {  	[sflag:s20] =	ssyncadd.s32 $0xFFFFEC00  }
0x236: {  	s21 =	simm.s32 $0x0;
	_ =	swait.ge [sflag:s20], $0x1400  }
0x237: {  	s0 =	sand.u32 $0x3800, s21;
	s1 =	sand.u32 $0x380, s21;
	[sflag:s20] =	ssyncset.done $0x0  }
0x238: {  	s23 =	sor.u32 s1, s0;
	[sflag:s20] =	ssyncadd.s32 $0xFFFFEC00  }
0x239: {  	v4 =	vld [tilespmem:s23+$0x15000]  }
0x23a: {  	v5 =	vld [tilespmem:s23+$0x17800];
	_ =	sdelay $0x4  }
0x23b: {  	v4 =	vadd.f32 v5, v4  }
0x23c: {  	s22 =	simm.s32 $0x1A040  }
0x23d: {  	[tilespmem:s22+$0xFFFFFFC0] =	vst v4  }
0x23e: {  	v4 =	vld [tilespmem:s23+$0x15010]  }
0x23f: {  	v5 =	vld [tilespmem:s23+$0x17810];
	_ =	sdelay $0x4  }
0x240: {  	v4 =	vadd.f32 v5, v4;
	_ =	sdelay $0x1  }
0x241: {  	[tilespmem:s22+$0xFFFFFFD0] =	vst v4  }
0x242: {  	v4 =	vld [tilespmem:s23+$0x15020]  }
0x243: {  	v5 =	vld [tilespmem:s23+$0x17820];
	_ =	sdelay $0x4  }
0x244: {  	v4 =	vadd.f32 v5, v4;
	_ =	sdelay $0x1  }
0x245: {  	[tilespmem:s22+$0xFFFFFFE0] =	vst v4  }
0x246: {  	v4 =	vld [tilespmem:s23+$0x15030]  }
0x247: {  	v5 =	vld [tilespmem:s23+$0x17830];
	_ =	sdelay $0x4  }
0x248: {  	v4 =	vadd.f32 v5, v4;
	_ =	sdelay $0x1  }
0x249: {  	[tilespmem:s22+$0xFFFFFFF0] =	vst v4  }
0x24a: {  	v4 =	vld [tilespmem:s23+$0x15040]  }
0x24b: {  	v5 =	vld [tilespmem:s23+$0x17840];
	_ =	sdelay $0x4  }
0x24c: {  	v4 =	vadd.f32 v5, v4;
	_ =	sdelay $0x1  }
0x24d: {  	[tilespmem:s22+$0x0] =	vst v4  }
0x24e: {  	v4 =	vld [tilespmem:s23+$0x15050]  }
0x24f: {  	v5 =	vld [tilespmem:s23+$0x17850];
	_ =	sdelay $0x4  }
0x250: {  	v4 =	vadd.f32 v5, v4;
	_ =	sdelay $0x1  }
0x251: {  	[tilespmem:s22+$0x10] =	vst v4  }
0x252: {  	v4 =	vld [tilespmem:s23+$0x15060]  }
0x253: {  	v5 =	vld [tilespmem:s23+$0x17860];
	_ =	sdelay $0x4  }
0x254: {  	v4 =	vadd.f32 v5, v4;
	_ =	sdelay $0x1  }
0x255: {  	[tilespmem:s22+$0x20] =	vst v4  }
0x256: {  	v4 =	vld [tilespmem:s23+$0x15070]  }
0x257: {  	v5 =	vld [tilespmem:s23+$0x17870];
	_ =	sdelay $0x4  }
0x258: {  	s25 =	simm.s32 $0x1B400;
	s24 =	simm.s32 $0x1B400;
	s0 =	simm.s32 $0x100;
	v4 =	vadd.f32 v5, v4  }
.LBB2_12:
0x259: {  	_ = 	snop  }
0x25a: {  	s25 =	sadd.s32 $0x80, s25;
	s21 =	sadd.s32 $0x80, s21;
	[tilespmem:s22+$0x30] =	vst v4;
	s22 =	sadd.s32 $0x80, s22  }
0x25b: {  	p0 =	sne.s32 s0, $0x2700;
	s1 =	smov.u32 s0;
	s0 =	sadd.s32 $0x100, s0;
	v4 =	vld [tilespmem:s23+$0x15400]  }
0x25c: {  	v5 =	vld [tilespmem:s23+$0x17C00];
	_ =	sdelay $0x4  }
0x25d: {  	v4 =	vsub.f32 v4, v5  }
0x25e: {  	s1 =	sand.u32 $0x3800, s1;
	s23 =	sand.u32 $0x380, s21  }
0x25f: {  	s23 =	sor.u32 s23, s1;
	[tilespmem:s24+$0x0] =	vst v4;
	s24 =	smov.u32 s25  }
0x260: {  	v4 =	vld [tilespmem:s23+$0x15000]  }
0x261: {  	v5 =	vld [tilespmem:s23+$0x17800];
	_ =	sdelay $0x4  }
0x262: {  	v4 =	vadd.f32 v5, v4;
	_ =	sdelay $0x1  }
0x263: {  	[tilespmem:s22+$0xFFFFFFC0] =	vst v4  }
0x264: {  	v4 =	vld [tilespmem:s23+$0x15010]  }
0x265: {  	v5 =	vld [tilespmem:s23+$0x17810];
	_ =	sdelay $0x4  }
0x266: {  	v4 =	vadd.f32 v5, v4;
	_ =	sdelay $0x1  }
0x267: {  	[tilespmem:s22+$0xFFFFFFD0] =	vst v4  }
0x268: {  	v4 =	vld [tilespmem:s23+$0x15020]  }
0x269: {  	v5 =	vld [tilespmem:s23+$0x17820];
	_ =	sdelay $0x4  }
0x26a: {  	v4 =	vadd.f32 v5, v4;
	_ =	sdelay $0x1  }
0x26b: {  	[tilespmem:s22+$0xFFFFFFE0] =	vst v4  }
0x26c: {  	v4 =	vld [tilespmem:s23+$0x15030]  }
0x26d: {  	v5 =	vld [tilespmem:s23+$0x17830];
	_ =	sdelay $0x4  }
0x26e: {  	v4 =	vadd.f32 v5, v4;
	_ =	sdelay $0x1  }
0x26f: {  	[tilespmem:s22+$0xFFFFFFF0] =	vst v4  }
0x270: {  	v4 =	vld [tilespmem:s23+$0x15040]  }
0x271: {  	v5 =	vld [tilespmem:s23+$0x17840];
	_ =	sdelay $0x4  }
0x272: {  	v4 =	vadd.f32 v5, v4;
	_ =	sdelay $0x1  }
0x273: {  	[tilespmem:s22+$0x0] =	vst v4  }
0x274: {  	v4 =	vld [tilespmem:s23+$0x15050]  }
0x275: {  	v5 =	vld [tilespmem:s23+$0x17850];
	_ =	sdelay $0x4  }
0x276: {  	v4 =	vadd.f32 v5, v4;
	_ =	sdelay $0x1  }
0x277: {  	[tilespmem:s22+$0x10] =	vst v4  }
0x278: {  	v4 =	vld [tilespmem:s23+$0x15060]  }
0x279: {  	v5 =	vld [tilespmem:s23+$0x17860];
	_ =	sdelay $0x4  }
0x27a: {  	v4 =	vadd.f32 v5, v4;
	_ =	sdelay $0x1  }
0x27b: {  	[tilespmem:s22+$0x20] =	vst v4  }
0x27c: {  	v4 =	vld [tilespmem:s23+$0x15070]  }
0x27d: {  	v5 =	vld [tilespmem:s23+$0x17870]  }
.Ltmp5:
0x27e: {  	(pc) =	sbr.rel @p0 .LBB2_12-.Ltmp5, $2  }
0x27f: {  	_ =	sdelay $0x2  }
0x280: {  	v4 =	vadd.f32 v5, v4  }
0x281: {  	_ = 	snop  }
0x282: {  	[tilespmem:s22+$0x30] =	vst v4  }
0x283: {  	v4 =	vld [tilespmem:s23+$0x15400]  }
0x284: {  	v5 =	vld [tilespmem:s23+$0x17C00];
	_ =	sdelay $0x4  }
0x285: {  	v4 =	vsub.f32 v4, v5;
	_ =	sdelay $0x1  }
0x286: {  	s0 =	rddreg [dreg:$0x6];
	[tilespmem:s24+$0x0] =	vst v4  }
0x287: {  	[hbm4b:s0+s2] =	stream.linear.scatter [tilespmem:s15], [sflag:$0x5], $0x1400, $0x38;
	[tilespmem:$0x1C800] =	vst v63  }
0x288: {  	s28 =	rddreg [dreg:$0x7]  }
0x289: {  	[hbm4b:s28+s2] =	stream.linear.scatter [tilespmem:s16], [sflag:$0x5], $0x1400, $0x38;
	[tilespmem:$0x1C800] =	vst v63  }
0x28a: {  	_ =	swait.ge [sflag:s20], $0x1400  }
0x28b: {  	[sflag:s20] =	ssyncset.done $0x0  }
0x28c: {  	[sflag:s20] =	ssyncadd.s32 $0xFFFFEC00  }
0x28d: {  	_ =	swait.ge [sflag:s20], $0x1400  }
0x28e: {  	s1 =	rddreg [dreg:$0x9]  }
0x28f: {  	s31 =	rddreg [dreg:$0x8];
	s1 =	sadd.s32 $0x1, s1  }
0x290: {  	p0 =	sne.s32 s1, s31  }
.Ltmp6:
0x291: {  	_ = 	snop;
	(pc) =	sbr.rel @p0 .LBB2_1-.Ltmp6, $3  }
0x292: {  	_ =	sdelay $0x1  }
0x293: {  	[sflag:s20] =	ssyncset.done $0x0  }
0x294: {  	[sflag:s20] =	ssyncadd.s32 $0xFFFFEC00  }
0x295: {  	_ =	sfence.sel $0x180000  }
0x296: {  	[bflag:$0x0] =	sbarrier.arrive $0xFFFF  }
0x297: {  	_ =	strace $0x90000047  }
0x298: {  	s0 =	stileid.u32;
	[bflag:$0x2] =	sbarrier.arrive $0xFFFF  }
0x299: {  	p0 =	sne.s32 s0, $0x0;
	s0 =	rddreg [dreg:$0x1]  }
0x29a: {  	s0 =	sadd.s32 @!p0 $0x100000, s0  }
0x29b: {  	[sflag:s0] =	ssyncadd.tile.s32 @!p0 $0x1;
	_ =	shalt  }
.Lfunc_end2:
_tile_overlayer_lowered:
.L_overlay_start_2:
0x29c: {  	(tag) =	ssettag $0x2  }
0x29d: {  	s0 =	rddreg [dreg:$0x0];
	s2 =	stileid.u32  }
0x29e: {  	s1 =	rddreg [dreg:$0x1];
	p0 =	sne.s32 s2, $0x0  }
0x29f: {  	s3 =	rddreg [dreg:$0x2];
	[bflag:$0x3] =	sbarrier.arrive $0xFFFF;
	s2 =	simm.s32 @!p0 $0x1C06  }
0x2a0: {  	[timem:s3], [sflag:s2] =	dma.local @!p0 [hbm:s0], s1  }
0x2a1: {  	s0 =	simm.s32 @!p0 $0x6  }
0x2a2: {  	_ =	swait.ge @!p0 [sflag:s0], s1  }
0x2a3: {  	s1 =	ssub.s32 @!p0 $0x0, s1;
	[sflag:s0] =	ssyncset.done @!p0 $0x0  }
0x2a4: {  	[sflag:s0] =	ssyncadd.s32 @!p0 s1  }
0x2a5: {  	[bflag:$0x3] =	sbarrier.arrive $0xFFFF  }
0x2a6: {  	_ =	shalt  }

</sc_bundles>
